<compile_context>
chip_gen: v7x
topology: tpu7x:2x2x1
jax: 0.10.2.dev20260603
libtpu: 0.0.44.dev20260713+nightly
codegen_flags: <defaults>
</compile_context>

<pallas_src>
import jax
import jax.numpy as jnp
from jax import lax
from jax.experimental import pallas as pl
from jax.experimental.pallas import tpu as pltpu
from jax.experimental.pallas import tpu_sc as plsc

N_NODES = 10000
N_EDGES = 320000
D_NODE = 128
D_EDGE = 16
HIDDEN = 128

NC = 2
NS = 16
L = 16
NW = NC * NS
CHUNK = 80
EPW = N_EDGES // NW
CPW = EPW // CHUNK
N_PAD = 10240
ROWS_PER_TILE = N_PAD // NS
ZROWS = 128

_sc_mesh = plsc.VectorSubcoreMesh(core_axis_name="c", subcore_axis_name="s",
                                  num_cores=NC, num_subcores=NS)


def _sc_edge_body(send_hbm, recv_hbm, p_hbm, eproj_hbm, a_hbm,
                  ue_hbm, agg_hbm,
                  idx_s0, idx_s1, idx_r0, idx_r1,
                  gbuf0, gbuf1, pbuf0, pbuf1, a_v, agg_sh,
                  sem_g0, sem_g1, sem_e0, sem_e1, sem_o0, sem_o1):
    c = lax.axis_index("c")
    s = lax.axis_index("s")
    w = s * NC + c

    idx_s = (idx_s0, idx_s1)
    idx_r = (idx_r0, idx_r1)
    gbuf = (gbuf0, gbuf1)
    pbuf = (pbuf0, pbuf1)
    sem_g = (sem_g0, sem_g1)
    sem_e = (sem_e0, sem_e1)
    sem_o = (sem_o0, sem_o1)

    @pl.loop(0, CHUNK)
    def _zero_row(t):
        zero = jnp.zeros((L,), jnp.float32)
        for c8 in range(HIDDEN // L):
            gbuf0[t, pl.ds(c8 * L, L)] = zero

    row0 = pl.multiple_of(s * ROWS_PER_TILE, 8)
    for rep in range(ROWS_PER_TILE // CHUNK):
        pltpu.sync_copy(gbuf0, agg_sh.at[pl.ds(row0 + rep * CHUNK, CHUNK)])
    pltpu.sync_copy(a_hbm, a_v)
    plsc.subcore_barrier()

    def ebase(j):
        return pl.multiple_of(w * EPW + j * CHUNK, 8)

    def load_idx(j, b):
        eb = ebase(j)
        pltpu.sync_copy(send_hbm.at[pl.ds(eb, CHUNK)], idx_s[b])
        pltpu.sync_copy(recv_hbm.at[pl.ds(eb, CHUNK)], idx_r[b])

    def issue(j, b):
        pltpu.async_copy(p_hbm.at[idx_s[b]], gbuf[b], sem_g[b])
        pltpu.async_copy(eproj_hbm.at[pl.ds(ebase(j), CHUNK)],
                         pbuf[b], sem_e[b])

    avs = tuple(a_v[pl.ds(c8 * L, L)] for c8 in range(HIDDEN // L))

    def compute(b):
        g, p = gbuf[b], pbuf[b]

        @pl.loop(0, CHUNK)
        def _row(t):
            for c8 in range(HIDDEN // L):
                sl = pl.ds(c8 * L, L)
                v = g[t, sl] + p[t, sl]
                p[t, sl] = jnp.where(v >= 0.0, v, v * avs[c8])

    def step(j, b, nextj=None):
        eb = ebase(j)
        pltpu.make_async_copy(eproj_hbm.at[pl.ds(eb, CHUNK)],
                              pbuf[b], sem_e[b]).wait()
        pltpu.make_async_copy(p_hbm.at[idx_s[b]], gbuf[b], sem_g[b]).wait()
        compute(b)
        desc_s = pltpu.async_copy(pbuf[b], ue_hbm.at[pl.ds(eb, CHUNK)],
                                  sem_o[b])
        pltpu.sync_copy(pbuf[b], agg_sh.at[idx_r[b]], add=True)
        desc_s.wait()
        if nextj is not None:
            load_idx(nextj, b)
            issue(nextj, b)

    load_idx(0, 0)
    issue(0, 0)
    load_idx(1, 1)
    issue(1, 1)

    @pl.loop(0, CPW - 4, step=2)
    def _pair(j0):
        step(j0, 0, j0 + 2)
        step(j0 + 1, 1, j0 + 3)

    step(CPW - 3, 0, CPW - 1)
    step(CPW - 2, 1)
    step(CPW - 1, 0)

    plsc.subcore_barrier()
    pltpu.sync_copy(agg_sh.at[pl.ds(row0, ROWS_PER_TILE)],
                    agg_hbm.at[c, pl.ds(row0, ROWS_PER_TILE)])


_sc_edge = pl.kernel(
    _sc_edge_body,
    out_type=(
        jax.ShapeDtypeStruct((N_EDGES, HIDDEN), jnp.float32),
        jax.ShapeDtypeStruct((NC, N_PAD, HIDDEN), jnp.float32),
    ),
    mesh=_sc_mesh,
    scratch_types=(
        [pltpu.VMEM((CHUNK,), jnp.int32)] * 4
        + [pltpu.VMEM((CHUNK, HIDDEN), jnp.float32)] * 4
        + [pltpu.VMEM((HIDDEN,), jnp.float32),
           pltpu.VMEM_SHARED((N_PAD, HIDDEN), jnp.float32)]
        + [pltpu.SemaphoreType.DMA] * 6
    ),
)


def _matmul_body(x_ref, w_ref, o_ref):
    o_ref[...] = jnp.dot(x_ref[...], w_ref[...],
                         preferred_element_type=jnp.float32)


def _node_proj(x, w_t):
    blk = 2000
    return pl.pallas_call(
        _matmul_body,
        grid=(N_NODES // blk,),
        in_specs=[pl.BlockSpec((blk, D_NODE), lambda i: (i, 0)),
                  pl.BlockSpec((D_NODE, HIDDEN), lambda i: (0, 0))],
        out_specs=pl.BlockSpec((blk, HIDDEN), lambda i: (i, 0)),
        out_shape=jax.ShapeDtypeStruct((N_NODES, HIDDEN), jnp.float32),
    )(x, w_t)


def _edge_proj(ef, w_t):
    blk = 4000
    return pl.pallas_call(
        _matmul_body,
        grid=(N_EDGES // blk,),
        in_specs=[pl.BlockSpec((blk, D_EDGE), lambda i: (i, 0)),
                  pl.BlockSpec((D_EDGE, HIDDEN), lambda i: (0, 0))],
        out_specs=pl.BlockSpec((blk, HIDDEN), lambda i: (i, 0)),
        out_shape=jax.ShapeDtypeStruct((N_EDGES, HIDDEN), jnp.float32),
    )(ef, w_t)


def _node_mlp_body(a0_ref, a1_ref, x_ref, wa_ref, wx_ref, an_ref, o_ref):
    acc = jnp.dot(a0_ref[...] + a1_ref[...], wa_ref[...],
                  preferred_element_type=jnp.float32)
    acc = acc + jnp.dot(x_ref[...], wx_ref[...],
                        preferred_element_type=jnp.float32)
    a = an_ref[...]
    o_ref[...] = jnp.where(acc >= 0.0, acc, acc * a)


def _node_mlp(agg0, agg1, x, wa_t, wx_t, a_n):
    blk = 2000
    return pl.pallas_call(
        _node_mlp_body,
        grid=(N_NODES // blk,),
        in_specs=[pl.BlockSpec((blk, HIDDEN), lambda i: (i, 0)),
                  pl.BlockSpec((blk, HIDDEN), lambda i: (i, 0)),
                  pl.BlockSpec((blk, D_NODE), lambda i: (i, 0)),
                  pl.BlockSpec((HIDDEN, HIDDEN), lambda i: (0, 0)),
                  pl.BlockSpec((D_NODE, HIDDEN), lambda i: (0, 0)),
                  pl.BlockSpec((1, HIDDEN), lambda i: (0, 0))],
        out_specs=pl.BlockSpec((blk, HIDDEN), lambda i: (i, 0)),
        out_shape=jax.ShapeDtypeStruct((N_NODES, HIDDEN), jnp.float32),
    )(agg0, agg1, x, wa_t, wx_t, a_n)


def kernel(node_features, edge_index, edge_features, W_e, a_e, W_n, a_n):
    receivers = edge_index[0]
    senders = edge_index[1]
    w_en_t = W_e[:, :D_NODE].T
    w_ee_t = W_e[:, D_NODE:].T
    w_na_t = W_n[:, :HIDDEN].T
    w_nx_t = W_n[:, HIDDEN:].T

    p = _node_proj(node_features, w_en_t)
    eproj = _edge_proj(edge_features, w_ee_t)

    updated_edge_features, agg_parts = _sc_edge(
        senders, receivers, p, eproj, a_e)

    updated_node_features = _node_mlp(
        agg_parts[0, :N_NODES], agg_parts[1, :N_NODES], node_features,
        w_na_t, w_nx_t, a_n.reshape(1, HIDDEN))
    return (updated_node_features, updated_edge_features)

# --- scband reference (transcript-rebuilt; emitter-appended) ---
"""Pipeline reference for scband-graph-layer-85650237817502 (READ-ONLY COPY).

The authoritative reference and input builder live on the scoring server;
editing this copy changes nothing except your own understanding.
"""

import jax, jax.numpy as jnp
import numpy as np

N_NODES = 10000
N_EDGES = 320000
D_NODE = 128
D_EDGE = 16
HIDDEN = 128


def _prelu(x, a):
    return jnp.where(x >= 0, x, x * a)


def setup_inputs(seed: int = 0) -> dict:
    key = jax.random.key(seed)
    k1, k2, k3, k4, k5 = jax.random.split(key, 5)
    node_features = jax.random.normal(k1, (N_NODES, D_NODE), dtype=jnp.float32)
    edge_index = jax.random.randint(k2, (2, N_EDGES), 0, N_NODES, dtype=jnp.int32)
    edge_features = jax.random.normal(k3, (N_EDGES, D_EDGE), dtype=jnp.float32)
    # Parameters (torch.nn.Linear default init scale: U(-1/sqrt(fan_in), 1/sqrt(fan_in)))
    edge_in = D_EDGE + D_NODE
    node_in = HIDDEN + D_NODE
    W_e = jax.random.uniform(k4, (HIDDEN, edge_in), dtype=jnp.float32, minval=-1.0, maxval=1.0) / jnp.sqrt(edge_in)
    W_n = jax.random.uniform(k5, (HIDDEN, node_in), dtype=jnp.float32, minval=-1.0, maxval=1.0) / jnp.sqrt(node_in)
    a_e = jnp.full((HIDDEN,), 0.25, dtype=jnp.float32)  # PReLU per-channel weight
    a_n = jnp.full((HIDDEN,), 0.25, dtype=jnp.float32)
    return {
        "node_features": node_features,
        "edge_index": edge_index,
        "edge_features": edge_features,
        "W_e": W_e,
        "a_e": a_e,
        "W_n": W_n,
        "a_n": a_n,
    }


def reference(node_features, edge_index, edge_features, W_e, a_e, W_n, a_n):
    receivers = edge_index[0]
    senders = edge_index[1]
    # edge model: Linear(no bias) + PReLU on concat([x[senders], edge_feat])
    edge_in = jnp.concatenate([node_features[senders], edge_features], axis=-1)
    updated_edge_features = _prelu(edge_in @ W_e.T, a_e)
    # Dropout2d(p=0.1) is identity in eval mode
    # scatter-add aggregation to receiver nodes (index_add_)
    agg = jnp.zeros((node_features.shape[0], updated_edge_features.shape[-1]),
                    dtype=updated_edge_features.dtype)
    agg = agg.at[receivers].add(updated_edge_features)
    # node model: Linear(no bias) + PReLU on concat([agg, x])
    node_in = jnp.concatenate([agg, node_features], axis=-1)
    updated_node_features = _prelu(node_in @ W_n.T, a_n)
    return (updated_node_features, updated_edge_features)

if __name__ == "__main__":
    import jax
    _d = setup_inputs()
    print(jax.jit(kernel)(*tuple(_d.values())))

</pallas_src>

<mosaic_0001>
#map = affine_map<(d0, d1) -> (0)>
#map1 = affine_map<(d0, d1) -> (0, 0)>
#map2 = affine_map<(d0, d1) -> (0, 0, 0)>
module attributes {stable_mosaic.version = 14 : i64} {
  func.func @_sc_edge_body(%arg0: i32, %arg1: i32, %arg2: memref<320000xi32, #tpu.memory_space<hbm>>, %arg3: memref<320000xi32, #tpu.memory_space<hbm>>, %arg4: memref<10000x128xf32, #tpu.memory_space<hbm>>, %arg5: memref<320000x128xf32, #tpu.memory_space<hbm>>, %arg6: memref<128xf32, #tpu.memory_space<hbm>>, %arg7: memref<320000x128xf32, #tpu.memory_space<hbm>>, %arg8: memref<2x10240x128xf32, #tpu.memory_space<hbm>>, %arg9: memref<80xi32, #tpu.memory_space<vmem>>, %arg10: memref<80xi32, #tpu.memory_space<vmem>>, %arg11: memref<80xi32, #tpu.memory_space<vmem>>, %arg12: memref<80xi32, #tpu.memory_space<vmem>>, %arg13: memref<80x128xf32, #tpu.memory_space<vmem>>, %arg14: memref<80x128xf32, #tpu.memory_space<vmem>>, %arg15: memref<80x128xf32, #tpu.memory_space<vmem>>, %arg16: memref<80x128xf32, #tpu.memory_space<vmem>>, %arg17: memref<128xf32, #tpu.memory_space<vmem>>, %arg18: memref<10240x128xf32, #tpu.memory_space<vmem_shared>>, %arg19: memref<!tpu.dma_semaphore, #tpu.memory_space<semaphore_mem>>, %arg20: memref<!tpu.dma_semaphore, #tpu.memory_space<semaphore_mem>>, %arg21: memref<!tpu.dma_semaphore, #tpu.memory_space<semaphore_mem>>, %arg22: memref<!tpu.dma_semaphore, #tpu.memory_space<semaphore_mem>>, %arg23: memref<!tpu.dma_semaphore, #tpu.memory_space<semaphore_mem>>, %arg24: memref<!tpu.dma_semaphore, #tpu.memory_space<semaphore_mem>>) attributes {dimension_semantics = [#tpu.dimension_semantics<core_parallel>, #tpu.dimension_semantics<subcore_parallel>], iteration_bounds = array<i64: 2, 16>, scalar_prefetch = 0 : i64, scratch_operands = 16 : i64, tpu.core_type = #tpu.core_type<sc_vector_subcore>, window_params = [{transform_indices = #map}, {transform_indices = #map}, {transform_indices = #map1}, {transform_indices = #map1}, {transform_indices = #map}, {transform_indices = #map1}, {transform_indices = #map2}]} {
    %mul3A = arith.constant 2 : i32
    %mul3A_0 = arith.muli %arg1, %mul3A : i32
    %add3A = arith.addi %mul3A_0, %arg0 : i32
    %scan3A = arith.constant 0 : i32
    %scan3A_1 = arith.constant 80 : i32
    %scan3A_2 = arith.addi %scan3A, %scan3A_1 : i32
    %scan3A_3 = arith.constant 1 : i32
    scf.for %scan3A_176 = %scan3A to %scan3A_2 step %scan3A_3  : i32 {
      %mul3A_177 = arith.constant 1 : i32
      %mul3A_178 = arith.muli %scan3A_176, %mul3A_177 : i32
      %add3A_179 = arith.constant 0 : i32
      %add3A_180 = arith.addi %add3A_179, %mul3A_178 : i32
      %broadcast_in_dim3A = arith.constant 0.000000e+00 : f32
      %broadcast_in_dim3A_181 = vector.broadcast %broadcast_in_dim3A : f32 to vector<16xf32>
      %swap3A = arith.index_cast %add3A_180 : i32 to index
      %swap3A_182 = arith.constant 0 : index
      %swap3A_183 = tpu.vector_load %arg13[%swap3A, %swap3A_182] {strides = array<i32>} : memref<80x128xf32, #tpu.memory_space<vmem>>, vector<1x16xf32>,
      %swap3A_184 = vector.shape_cast %swap3A_183 : vector<1x16xf32> to vector<16xf32>
      %swap3A_185 = vector.shape_cast %broadcast_in_dim3A_181 : vector<16xf32> to vector<1x16xf32>
      tpu.vector_store %arg13[%swap3A, %swap3A_182], %swap3A_185 {strides = array<i32>} : memref<80x128xf32, #tpu.memory_space<vmem>>, vector<1x16xf32>,
      %swap3A_186 = arith.index_cast %add3A_180 : i32 to index
      %swap3A_187 = arith.constant 16 : index
      %swap3A_188 = tpu.vector_load %arg13[%swap3A_186, %swap3A_187] {strides = array<i32>} : memref<80x128xf32, #tpu.memory_space<vmem>>, vector<1x16xf32>,
      %swap3A_189 = vector.shape_cast %swap3A_188 : vector<1x16xf32> to vector<16xf32>
      %swap3A_190 = vector.shape_cast %broadcast_in_dim3A_181 : vector<16xf32> to vector<1x16xf32>
      tpu.vector_store %arg13[%swap3A_186, %swap3A_187], %swap3A_190 {strides = array<i32>} : memref<80x128xf32, #tpu.memory_space<vmem>>, vector<1x16xf32>,
      %swap3A_191 = arith.index_cast %add3A_180 : i32 to index
      %swap3A_192 = arith.constant 32 : index
      %swap3A_193 = tpu.vector_load %arg13[%swap3A_191, %swap3A_192] {strides = array<i32>} : memref<80x128xf32, #tpu.memory_space<vmem>>, vector<1x16xf32>,
      %swap3A_194 = vector.shape_cast %swap3A_193 : vector<1x16xf32> to vector<16xf32>
      %swap3A_195 = vector.shape_cast %broadcast_in_dim3A_181 : vector<16xf32> to vector<1x16xf32>
      tpu.vector_store %arg13[%swap3A_191, %swap3A_192], %swap3A_195 {strides = array<i32>} : memref<80x128xf32, #tpu.memory_space<vmem>>, vector<1x16xf32>,
      %swap3A_196 = arith.index_cast %add3A_180 : i32 to index
      %swap3A_197 = arith.constant 48 : index
      %swap3A_198 = tpu.vector_load %arg13[%swap3A_196, %swap3A_197] {strides = array<i32>} : memref<80x128xf32, #tpu.memory_space<vmem>>, vector<1x16xf32>,
      %swap3A_199 = vector.shape_cast %swap3A_198 : vector<1x16xf32> to vector<16xf32>
      %swap3A_200 = vector.shape_cast %broadcast_in_dim3A_181 : vector<16xf32> to vector<1x16xf32>
      tpu.vector_store %arg13[%swap3A_196, %swap3A_197], %swap3A_200 {strides = array<i32>} : memref<80x128xf32, #tpu.memory_space<vmem>>, vector<1x16xf32>,
      %swap3A_201 = arith.index_cast %add3A_180 : i32 to index
      %swap3A_202 = arith.constant 64 : index
      %swap3A_203 = tpu.vector_load %arg13[%swap3A_201, %swap3A_202] {strides = array<i32>} : memref<80x128xf32, #tpu.memory_space<vmem>>, vector<1x16xf32>,
      %swap3A_204 = vector.shape_cast %swap3A_203 : vector<1x16xf32> to vector<16xf32>
      %swap3A_205 = vector.shape_cast %broadcast_in_dim3A_181 : vector<16xf32> to vector<1x16xf32>
      tpu.vector_store %arg13[%swap3A_201, %swap3A_202], %swap3A_205 {strides = array<i32>} : memref<80x128xf32, #tpu.memory_space<vmem>>, vector<1x16xf32>,
      %swap3A_206 = arith.index_cast %add3A_180 : i32 to index
      %swap3A_207 = arith.constant 80 : index
      %swap3A_208 = tpu.vector_load %arg13[%swap3A_206, %swap3A_207] {strides = array<i32>} : memref<80x128xf32, #tpu.memory_space<vmem>>, vector<1x16xf32>,
      %swap3A_209 = vector.shape_cast %swap3A_208 : vector<1x16xf32> to vector<16xf32>
      %swap3A_210 = vector.shape_cast %broadcast_in_dim3A_181 : vector<16xf32> to vector<1x16xf32>
      tpu.vector_store %arg13[%swap3A_206, %swap3A_207], %swap3A_210 {strides = array<i32>} : memref<80x128xf32, #tpu.memory_space<vmem>>, vector<1x16xf32>,
      %swap3A_211 = arith.index_cast %add3A_180 : i32 to index
      %swap3A_212 = arith.constant 96 : index
      %swap3A_213 = tpu.vector_load %arg13[%swap3A_211, %swap3A_212] {strides = array<i32>} : memref<80x128xf32, #tpu.memory_space<vmem>>, vector<1x16xf32>,
      %swap3A_214 = vector.shape_cast %swap3A_213 : vector<1x16xf32> to vector<16xf32>
      %swap3A_215 = vector.shape_cast %broadcast_in_dim3A_181 : vector<16xf32> to vector<1x16xf32>
      tpu.vector_store %arg13[%swap3A_211, %swap3A_212], %swap3A_215 {strides = array<i32>} : memref<80x128xf32, #tpu.memory_space<vmem>>, vector<1x16xf32>,
      %swap3A_216 = arith.index_cast %add3A_180 : i32 to index
      %swap3A_217 = arith.constant 112 : index
      %swap3A_218 = tpu.vector_load %arg13[%swap3A_216, %swap3A_217] {strides = array<i32>} : memref<80x128xf32, #tpu.memory_space<vmem>>, vector<1x16xf32>,
      %swap3A_219 = vector.shape_cast %swap3A_218 : vector<1x16xf32> to vector<16xf32>
      %swap3A_220 = vector.shape_cast %broadcast_in_dim3A_181 : vector<16xf32> to vector<1x16xf32>
      tpu.vector_store %arg13[%swap3A_216, %swap3A_217], %swap3A_220 {strides = array<i32>} : memref<80x128xf32, #tpu.memory_space<vmem>>, vector<1x16xf32>,
    }
    %scan3A_4 = arith.constant 80 : i32
    %mul3A_5 = arith.constant 640 : i32
    %mul3A_6 = arith.muli %arg1, %mul3A_5 : i32
    %multiple_of3A = tpu.assume_multiple %mul3A_6, 8 : i32
    %add3A_7 = arith.constant 0 : i32
    %add3A_8 = arith.addi %multiple_of3A, %add3A_7 : i32
    "tpu.region"() ({
      %run_scoped3A = tpu.sem_alloc : memref<!tpu.dma_semaphore, #tpu.memory_space<semaphore_mem>>
      %dma_start3A_176 = arith.constant 0 : i32
      %dma_start3A_177 = tpu.memref_slice %arg18[%add3A_8, %dma_start3A_176] : memref<10240x128xf32, #tpu.memory_space<vmem_shared>> -> memref<80x128xf32, #tpu.memory_space<vmem_shared>>
      %dma_start3A_178 = arith.constant 0 : i32
      %dma_start3A_179 = tpu.memref_slice %arg18[%add3A_8, %dma_start3A_178] : memref<10240x128xf32, #tpu.memory_space<vmem_shared>> -> memref<80x128xf32, #tpu.memory_space<vmem_shared>>
      tpu.enqueue_dma source(%arg13 : memref<80x128xf32, #tpu.memory_space<vmem>>) target(%dma_start3A_179 : memref<80x128xf32, #tpu.memory_space<vmem_shared>>) target_semaphore(%run_scoped3A : memref<!tpu.dma_semaphore, #tpu.memory_space<semaphore_mem>>)
      %dma_wait3A_180 = arith.constant 0 : i32
      %dma_wait3A_181 = tpu.memref_slice %arg18[%add3A_8, %dma_wait3A_180] : memref<10240x128xf32, #tpu.memory_space<vmem_shared>> -> memref<80x128xf32, #tpu.memory_space<vmem_shared>>
      %dma_wait3A_182 = arith.constant 0 : i32
      %dma_wait3A_183 = tpu.memref_slice %arg18[%add3A_8, %dma_wait3A_182] : memref<10240x128xf32, #tpu.memory_space<vmem_shared>> -> memref<80x128xf32, #tpu.memory_space<vmem_shared>>
      tpu.wait_dma2 semaphore(%run_scoped3A : memref<!tpu.dma_semaphore, #tpu.memory_space<semaphore_mem>>) src(%arg13 : memref<80x128xf32, #tpu.memory_space<vmem>>) dst(%dma_wait3A_183 : memref<80x128xf32, #tpu.memory_space<vmem_shared>>)
      tpu.yield
    }) : () -> ()
    %add3A_9 = arith.constant 80 : i32
    %add3A_10 = arith.addi %multiple_of3A, %add3A_9 : i32
    "tpu.region"() ({
      %run_scoped3A = tpu.sem_alloc : memref<!tpu.dma_semaphore, #tpu.memory_space<semaphore_mem>>
      %dma_start3A_176 = arith.constant 0 : i32
      %dma_start3A_177 = tpu.memref_slice %arg18[%add3A_10, %dma_start3A_176] : memref<10240x128xf32, #tpu.memory_space<vmem_shared>> -> memref<80x128xf32, #tpu.memory_space<vmem_shared>>
      %dma_start3A_178 = arith.constant 0 : i32
      %dma_start3A_179 = tpu.memref_slice %arg18[%add3A_10, %dma_start3A_178] : memref<10240x128xf32, #tpu.memory_space<vmem_shared>> -> memref<80x128xf32, #tpu.memory_space<vmem_shared>>
      tpu.enqueue_dma source(%arg13 : memref<80x128xf32, #tpu.memory_space<vmem>>) target(%dma_start3A_179 : memref<80x128xf32, #tpu.memory_space<vmem_shared>>) target_semaphore(%run_scoped3A : memref<!tpu.dma_semaphore, #tpu.memory_space<semaphore_mem>>)
      %dma_wait3A_180 = arith.constant 0 : i32
      %dma_wait3A_181 = tpu.memref_slice %arg18[%add3A_10, %dma_wait3A_180] : memref<10240x128xf32, #tpu.memory_space<vmem_shared>> -> memref<80x128xf32, #tpu.memory_space<vmem_shared>>
      %dma_wait3A_182 = arith.constant 0 : i32
      %dma_wait3A_183 = tpu.memref_slice %arg18[%add3A_10, %dma_wait3A_182] : memref<10240x128xf32, #tpu.memory_space<vmem_shared>> -> memref<80x128xf32, #tpu.memory_space<vmem_shared>>
      tpu.wait_dma2 semaphore(%run_scoped3A : memref<!tpu.dma_semaphore, #tpu.memory_space<semaphore_mem>>) src(%arg13 : memref<80x128xf32, #tpu.memory_space<vmem>>) dst(%dma_wait3A_183 : memref<80x128xf32, #tpu.memory_space<vmem_shared>>)
      tpu.yield
    }) : () -> ()
    %add3A_11 = arith.constant 160 : i32
    %add3A_12 = arith.addi %multiple_of3A, %add3A_11 : i32
    "tpu.region"() ({
      %run_scoped3A = tpu.sem_alloc : memref<!tpu.dma_semaphore, #tpu.memory_space<semaphore_mem>>
      %dma_start3A_176 = arith.constant 0 : i32
      %dma_start3A_177 = tpu.memref_slice %arg18[%add3A_12, %dma_start3A_176] : memref<10240x128xf32, #tpu.memory_space<vmem_shared>> -> memref<80x128xf32, #tpu.memory_space<vmem_shared>>
      %dma_start3A_178 = arith.constant 0 : i32
      %dma_start3A_179 = tpu.memref_slice %arg18[%add3A_12, %dma_start3A_178] : memref<10240x128xf32, #tpu.memory_space<vmem_shared>> -> memref<80x128xf32, #tpu.memory_space<vmem_shared>>
      tpu.enqueue_dma source(%arg13 : memref<80x128xf32, #tpu.memory_space<vmem>>) target(%dma_start3A_179 : memref<80x128xf32, #tpu.memory_space<vmem_shared>>) target_semaphore(%run_scoped3A : memref<!tpu.dma_semaphore, #tpu.memory_space<semaphore_mem>>)
      %dma_wait3A_180 = arith.constant 0 : i32
      %dma_wait3A_181 = tpu.memref_slice %arg18[%add3A_12, %dma_wait3A_180] : memref<10240x128xf32, #tpu.memory_space<vmem_shared>> -> memref<80x128xf32, #tpu.memory_space<vmem_shared>>
      %dma_wait3A_182 = arith.constant 0 : i32
      %dma_wait3A_183 = tpu.memref_slice %arg18[%add3A_12, %dma_wait3A_182] : memref<10240x128xf32, #tpu.memory_space<vmem_shared>> -> memref<80x128xf32, #tpu.memory_space<vmem_shared>>
      tpu.wait_dma2 semaphore(%run_scoped3A : memref<!tpu.dma_semaphore, #tpu.memory_space<semaphore_mem>>) src(%arg13 : memref<80x128xf32, #tpu.memory_space<vmem>>) dst(%dma_wait3A_183 : memref<80x128xf32, #tpu.memory_space<vmem_shared>>)
      tpu.yield
    }) : () -> ()
    %add3A_13 = arith.constant 240 : i32
    %add3A_14 = arith.addi %multiple_of3A, %add3A_13 : i32
    "tpu.region"() ({
      %run_scoped3A = tpu.sem_alloc : memref<!tpu.dma_semaphore, #tpu.memory_space<semaphore_mem>>
      %dma_start3A_176 = arith.constant 0 : i32
      %dma_start3A_177 = tpu.memref_slice %arg18[%add3A_14, %dma_start3A_176] : memref<10240x128xf32, #tpu.memory_space<vmem_shared>> -> memref<80x128xf32, #tpu.memory_space<vmem_shared>>
      %dma_start3A_178 = arith.constant 0 : i32
      %dma_start3A_179 = tpu.memref_slice %arg18[%add3A_14, %dma_start3A_178] : memref<10240x128xf32, #tpu.memory_space<vmem_shared>> -> memref<80x128xf32, #tpu.memory_space<vmem_shared>>
      tpu.enqueue_dma source(%arg13 : memref<80x128xf32, #tpu.memory_space<vmem>>) target(%dma_start3A_179 : memref<80x128xf32, #tpu.memory_space<vmem_shared>>) target_semaphore(%run_scoped3A : memref<!tpu.dma_semaphore, #tpu.memory_space<semaphore_mem>>)
      %dma_wait3A_180 = arith.constant 0 : i32
      %dma_wait3A_181 = tpu.memref_slice %arg18[%add3A_14, %dma_wait3A_180] : memref<10240x128xf32, #tpu.memory_space<vmem_shared>> -> memref<80x128xf32, #tpu.memory_space<vmem_shared>>
      %dma_wait3A_182 = arith.constant 0 : i32
      %dma_wait3A_183 = tpu.memref_slice %arg18[%add3A_14, %dma_wait3A_182] : memref<10240x128xf32, #tpu.memory_space<vmem_shared>> -> memref<80x128xf32, #tpu.memory_space<vmem_shared>>
      tpu.wait_dma2 semaphore(%run_scoped3A : memref<!tpu.dma_semaphore, #tpu.memory_space<semaphore_mem>>) src(%arg13 : memref<80x128xf32, #tpu.memory_space<vmem>>) dst(%dma_wait3A_183 : memref<80x128xf32, #tpu.memory_space<vmem_shared>>)
      tpu.yield
    }) : () -> ()
    %add3A_15 = arith.constant 320 : i32
    %add3A_16 = arith.addi %multiple_of3A, %add3A_15 : i32
    "tpu.region"() ({
      %run_scoped3A = tpu.sem_alloc : memref<!tpu.dma_semaphore, #tpu.memory_space<semaphore_mem>>
      %dma_start3A_176 = arith.constant 0 : i32
      %dma_start3A_177 = tpu.memref_slice %arg18[%add3A_16, %dma_start3A_176] : memref<10240x128xf32, #tpu.memory_space<vmem_shared>> -> memref<80x128xf32, #tpu.memory_space<vmem_shared>>
      %dma_start3A_178 = arith.constant 0 : i32
      %dma_start3A_179 = tpu.memref_slice %arg18[%add3A_16, %dma_start3A_178] : memref<10240x128xf32, #tpu.memory_space<vmem_shared>> -> memref<80x128xf32, #tpu.memory_space<vmem_shared>>
      tpu.enqueue_dma source(%arg13 : memref<80x128xf32, #tpu.memory_space<vmem>>) target(%dma_start3A_179 : memref<80x128xf32, #tpu.memory_space<vmem_shared>>) target_semaphore(%run_scoped3A : memref<!tpu.dma_semaphore, #tpu.memory_space<semaphore_mem>>)
      %dma_wait3A_180 = arith.constant 0 : i32
      %dma_wait3A_181 = tpu.memref_slice %arg18[%add3A_16, %dma_wait3A_180] : memref<10240x128xf32, #tpu.memory_space<vmem_shared>> -> memref<80x128xf32, #tpu.memory_space<vmem_shared>>
      %dma_wait3A_182 = arith.constant 0 : i32
      %dma_wait3A_183 = tpu.memref_slice %arg18[%add3A_16, %dma_wait3A_182] : memref<10240x128xf32, #tpu.memory_space<vmem_shared>> -> memref<80x128xf32, #tpu.memory_space<vmem_shared>>
      tpu.wait_dma2 semaphore(%run_scoped3A : memref<!tpu.dma_semaphore, #tpu.memory_space<semaphore_mem>>) src(%arg13 : memref<80x128xf32, #tpu.memory_space<vmem>>) dst(%dma_wait3A_183 : memref<80x128xf32, #tpu.memory_space<vmem_shared>>)
      tpu.yield
    }) : () -> ()
    %add3A_17 = arith.constant 400 : i32
    %add3A_18 = arith.addi %multiple_of3A, %add3A_17 : i32
    "tpu.region"() ({
      %run_scoped3A = tpu.sem_alloc : memref<!tpu.dma_semaphore, #tpu.memory_space<semaphore_mem>>
      %dma_start3A_176 = arith.constant 0 : i32
      %dma_start3A_177 = tpu.memref_slice %arg18[%add3A_18, %dma_start3A_176] : memref<10240x128xf32, #tpu.memory_space<vmem_shared>> -> memref<80x128xf32, #tpu.memory_space<vmem_shared>>
      %dma_start3A_178 = arith.constant 0 : i32
      %dma_start3A_179 = tpu.memref_slice %arg18[%add3A_18, %dma_start3A_178] : memref<10240x128xf32, #tpu.memory_space<vmem_shared>> -> memref<80x128xf32, #tpu.memory_space<vmem_shared>>
      tpu.enqueue_dma source(%arg13 : memref<80x128xf32, #tpu.memory_space<vmem>>) target(%dma_start3A_179 : memref<80x128xf32, #tpu.memory_space<vmem_shared>>) target_semaphore(%run_scoped3A : memref<!tpu.dma_semaphore, #tpu.memory_space<semaphore_mem>>)
      %dma_wait3A_180 = arith.constant 0 : i32
      %dma_wait3A_181 = tpu.memref_slice %arg18[%add3A_18, %dma_wait3A_180] : memref<10240x128xf32, #tpu.memory_space<vmem_shared>> -> memref<80x128xf32, #tpu.memory_space<vmem_shared>>
      %dma_wait3A_182 = arith.constant 0 : i32
      %dma_wait3A_183 = tpu.memref_slice %arg18[%add3A_18, %dma_wait3A_182] : memref<10240x128xf32, #tpu.memory_space<vmem_shared>> -> memref<80x128xf32, #tpu.memory_space<vmem_shared>>
      tpu.wait_dma2 semaphore(%run_scoped3A : memref<!tpu.dma_semaphore, #tpu.memory_space<semaphore_mem>>) src(%arg13 : memref<80x128xf32, #tpu.memory_space<vmem>>) dst(%dma_wait3A_183 : memref<80x128xf32, #tpu.memory_space<vmem_shared>>)
      tpu.yield
    }) : () -> ()
    %add3A_19 = arith.constant 480 : i32
    %add3A_20 = arith.addi %multiple_of3A, %add3A_19 : i32
    "tpu.region"() ({
      %run_scoped3A = tpu.sem_alloc : memref<!tpu.dma_semaphore, #tpu.memory_space<semaphore_mem>>
      %dma_start3A_176 = arith.constant 0 : i32
      %dma_start3A_177 = tpu.memref_slice %arg18[%add3A_20, %dma_start3A_176] : memref<10240x128xf32, #tpu.memory_space<vmem_shared>> -> memref<80x128xf32, #tpu.memory_space<vmem_shared>>
      %dma_start3A_178 = arith.constant 0 : i32
      %dma_start3A_179 = tpu.memref_slice %arg18[%add3A_20, %dma_start3A_178] : memref<10240x128xf32, #tpu.memory_space<vmem_shared>> -> memref<80x128xf32, #tpu.memory_space<vmem_shared>>
      tpu.enqueue_dma source(%arg13 : memref<80x128xf32, #tpu.memory_space<vmem>>) target(%dma_start3A_179 : memref<80x128xf32, #tpu.memory_space<vmem_shared>>) target_semaphore(%run_scoped3A : memref<!tpu.dma_semaphore, #tpu.memory_space<semaphore_mem>>)
      %dma_wait3A_180 = arith.constant 0 : i32
      %dma_wait3A_181 = tpu.memref_slice %arg18[%add3A_20, %dma_wait3A_180] : memref<10240x128xf32, #tpu.memory_space<vmem_shared>> -> memref<80x128xf32, #tpu.memory_space<vmem_shared>>
      %dma_wait3A_182 = arith.constant 0 : i32
      %dma_wait3A_183 = tpu.memref_slice %arg18[%add3A_20, %dma_wait3A_182] : memref<10240x128xf32, #tpu.memory_space<vmem_shared>> -> memref<80x128xf32, #tpu.memory_space<vmem_shared>>
      tpu.wait_dma2 semaphore(%run_scoped3A : memref<!tpu.dma_semaphore, #tpu.memory_space<semaphore_mem>>) src(%arg13 : memref<80x128xf32, #tpu.memory_space<vmem>>) dst(%dma_wait3A_183 : memref<80x128xf32, #tpu.memory_space<vmem_shared>>)
      tpu.yield
    }) : () -> ()
    %add3A_21 = arith.constant 560 : i32
    %add3A_22 = arith.addi %multiple_of3A, %add3A_21 : i32
    "tpu.region"() ({
      %run_scoped3A = tpu.sem_alloc : memref<!tpu.dma_semaphore, #tpu.memory_space<semaphore_mem>>
      %dma_start3A_176 = arith.constant 0 : i32
      %dma_start3A_177 = tpu.memref_slice %arg18[%add3A_22, %dma_start3A_176] : memref<10240x128xf32, #tpu.memory_space<vmem_shared>> -> memref<80x128xf32, #tpu.memory_space<vmem_shared>>
      %dma_start3A_178 = arith.constant 0 : i32
      %dma_start3A_179 = tpu.memref_slice %arg18[%add3A_22, %dma_start3A_178] : memref<10240x128xf32, #tpu.memory_space<vmem_shared>> -> memref<80x128xf32, #tpu.memory_space<vmem_shared>>
      tpu.enqueue_dma source(%arg13 : memref<80x128xf32, #tpu.memory_space<vmem>>) target(%dma_start3A_179 : memref<80x128xf32, #tpu.memory_space<vmem_shared>>) target_semaphore(%run_scoped3A : memref<!tpu.dma_semaphore, #tpu.memory_space<semaphore_mem>>)
      %dma_wait3A_180 = arith.constant 0 : i32
      %dma_wait3A_181 = tpu.memref_slice %arg18[%add3A_22, %dma_wait3A_180] : memref<10240x128xf32, #tpu.memory_space<vmem_shared>> -> memref<80x128xf32, #tpu.memory_space<vmem_shared>>
      %dma_wait3A_182 = arith.constant 0 : i32
      %dma_wait3A_183 = tpu.memref_slice %arg18[%add3A_22, %dma_wait3A_182] : memref<10240x128xf32, #tpu.memory_space<vmem_shared>> -> memref<80x128xf32, #tpu.memory_space<vmem_shared>>
      tpu.wait_dma2 semaphore(%run_scoped3A : memref<!tpu.dma_semaphore, #tpu.memory_space<semaphore_mem>>) src(%arg13 : memref<80x128xf32, #tpu.memory_space<vmem>>) dst(%dma_wait3A_183 : memref<80x128xf32, #tpu.memory_space<vmem_shared>>)
      tpu.yield
    }) : () -> ()
    "tpu.region"() ({
      %run_scoped3A = tpu.sem_alloc : memref<!tpu.dma_semaphore, #tpu.memory_space<semaphore_mem>>
      tpu.enqueue_dma source(%arg6 : memref<128xf32, #tpu.memory_space<hbm>>) target(%arg17 : memref<128xf32, #tpu.memory_space<vmem>>) target_semaphore(%run_scoped3A : memref<!tpu.dma_semaphore, #tpu.memory_space<semaphore_mem>>)
      tpu.wait_dma2 semaphore(%run_scoped3A : memref<!tpu.dma_semaphore, #tpu.memory_space<semaphore_mem>>) src(%arg6 : memref<128xf32, #tpu.memory_space<hbm>>) dst(%arg17 : memref<128xf32, #tpu.memory_space<vmem>>)
      tpu.yield
    }) : () -> ()
    %barrier3A = arith.constant 0 : index
    tpu.barrier barrier_id(%barrier3A)
    %get3A = arith.constant 0 : index
    %get3A_23 = tpu.vector_load %arg17[%get3A] {strides = array<i32>} : memref<128xf32, #tpu.memory_space<vmem>>, vector<16xf32>,
    %get3A_24 = vector.shape_cast %get3A_23 : vector<16xf32> to vector<16xf32>
    %get3A_25 = arith.constant 16 : index
    %get3A_26 = tpu.vector_load %arg17[%get3A_25] {strides = array<i32>} : memref<128xf32, #tpu.memory_space<vmem>>, vector<16xf32>,
    %get3A_27 = vector.shape_cast %get3A_26 : vector<16xf32> to vector<16xf32>
    %get3A_28 = arith.constant 32 : index
    %get3A_29 = tpu.vector_load %arg17[%get3A_28] {strides = array<i32>} : memref<128xf32, #tpu.memory_space<vmem>>, vector<16xf32>,
    %get3A_30 = vector.shape_cast %get3A_29 : vector<16xf32> to vector<16xf32>
    %get3A_31 = arith.constant 48 : index
    %get3A_32 = tpu.vector_load %arg17[%get3A_31] {strides = array<i32>} : memref<128xf32, #tpu.memory_space<vmem>>, vector<16xf32>,
    %get3A_33 = vector.shape_cast %get3A_32 : vector<16xf32> to vector<16xf32>
    %get3A_34 = arith.constant 64 : index
    %get3A_35 = tpu.vector_load %arg17[%get3A_34] {strides = array<i32>} : memref<128xf32, #tpu.memory_space<vmem>>, vector<16xf32>,
    %get3A_36 = vector.shape_cast %get3A_35 : vector<16xf32> to vector<16xf32>
    %get3A_37 = arith.constant 80 : index
    %get3A_38 = tpu.vector_load %arg17[%get3A_37] {strides = array<i32>} : memref<128xf32, #tpu.memory_space<vmem>>, vector<16xf32>,
    %get3A_39 = vector.shape_cast %get3A_38 : vector<16xf32> to vector<16xf32>
    %get3A_40 = arith.constant 96 : index
    %get3A_41 = tpu.vector_load %arg17[%get3A_40] {strides = array<i32>} : memref<128xf32, #tpu.memory_space<vmem>>, vector<16xf32>,
    %get3A_42 = vector.shape_cast %get3A_41 : vector<16xf32> to vector<16xf32>
    %get3A_43 = arith.constant 112 : index
    %get3A_44 = tpu.vector_load %arg17[%get3A_43] {strides = array<i32>} : memref<128xf32, #tpu.memory_space<vmem>>, vector<16xf32>,
    %get3A_45 = vector.shape_cast %get3A_44 : vector<16xf32> to vector<16xf32>
    %mul3A_46 = arith.constant 10000 : i32
    %mul3A_47 = arith.muli %add3A, %mul3A_46 : i32
    %add3A_48 = arith.constant 0 : i32
    %add3A_49 = arith.addi %mul3A_47, %add3A_48 : i32
    %multiple_of3A_50 = tpu.assume_multiple %add3A_49, 8 : i32
    "tpu.region"() ({
      %run_scoped3A = tpu.sem_alloc : memref<!tpu.dma_semaphore, #tpu.memory_space<semaphore_mem>>
      %dma_start3A_176 = tpu.memref_slice %arg2[%multiple_of3A_50] : memref<320000xi32, #tpu.memory_space<hbm>> -> memref<80xi32, #tpu.memory_space<hbm>>
      %dma_start3A_177 = tpu.memref_slice %arg2[%multiple_of3A_50] : memref<320000xi32, #tpu.memory_space<hbm>> -> memref<80xi32, #tpu.memory_space<hbm>>
      tpu.enqueue_dma source(%dma_start3A_177 : memref<80xi32, #tpu.memory_space<hbm>>) target(%arg9 : memref<80xi32, #tpu.memory_space<vmem>>) target_semaphore(%run_scoped3A : memref<!tpu.dma_semaphore, #tpu.memory_space<semaphore_mem>>)
      %dma_wait3A_178 = tpu.memref_slice %arg2[%multiple_of3A_50] : memref<320000xi32, #tpu.memory_space<hbm>> -> memref<80xi32, #tpu.memory_space<hbm>>
      %dma_wait3A_179 = tpu.memref_slice %arg2[%multiple_of3A_50] : memref<320000xi32, #tpu.memory_space<hbm>> -> memref<80xi32, #tpu.memory_space<hbm>>
      tpu.wait_dma2 semaphore(%run_scoped3A : memref<!tpu.dma_semaphore, #tpu.memory_space<semaphore_mem>>) src(%dma_wait3A_179 : memref<80xi32, #tpu.memory_space<hbm>>) dst(%arg9 : memref<80xi32, #tpu.memory_space<vmem>>)
      tpu.yield
    }) : () -> ()
    "tpu.region"() ({
      %run_scoped3A = tpu.sem_alloc : memref<!tpu.dma_semaphore, #tpu.memory_space<semaphore_mem>>
      %dma_start3A_176 = tpu.memref_slice %arg3[%multiple_of3A_50] : memref<320000xi32, #tpu.memory_space<hbm>> -> memref<80xi32, #tpu.memory_space<hbm>>
      %dma_start3A_177 = tpu.memref_slice %arg3[%multiple_of3A_50] : memref<320000xi32, #tpu.memory_space<hbm>> -> memref<80xi32, #tpu.memory_space<hbm>>
      tpu.enqueue_dma source(%dma_start3A_177 : memref<80xi32, #tpu.memory_space<hbm>>) target(%arg11 : memref<80xi32, #tpu.memory_space<vmem>>) target_semaphore(%run_scoped3A : memref<!tpu.dma_semaphore, #tpu.memory_space<semaphore_mem>>)
      %dma_wait3A_178 = tpu.memref_slice %arg3[%multiple_of3A_50] : memref<320000xi32, #tpu.memory_space<hbm>> -> memref<80xi32, #tpu.memory_space<hbm>>
      %dma_wait3A_179 = tpu.memref_slice %arg3[%multiple_of3A_50] : memref<320000xi32, #tpu.memory_space<hbm>> -> memref<80xi32, #tpu.memory_space<hbm>>
      tpu.wait_dma2 semaphore(%run_scoped3A : memref<!tpu.dma_semaphore, #tpu.memory_space<semaphore_mem>>) src(%dma_wait3A_179 : memref<80xi32, #tpu.memory_space<hbm>>) dst(%arg11 : memref<80xi32, #tpu.memory_space<vmem>>)
      tpu.yield
    }) : () -> ()
    %dma_start3A = arith.constant 0 : i32
    %dma_start3A_51 = arith.constant 0 : i32
    %dma_start3A_52 = tpu.memref_slice %arg4[%dma_start3A, %dma_start3A_51] : memref<10000x128xf32, #tpu.memory_space<hbm>> -> memref<10000x128xf32, #tpu.memory_space<hbm>>
    tpu.enqueue_indirect_dma source(%dma_start3A_52 : memref<10000x128xf32, #tpu.memory_space<hbm>>) target(%arg13 : memref<80x128xf32, #tpu.memory_space<vmem>>) offsets(%arg9 : memref<80xi32, #tpu.memory_space<vmem>>) semaphore(%arg19 : memref<!tpu.dma_semaphore, #tpu.memory_space<semaphore_mem>>)
    %mul3A_53 = arith.constant 10000 : i32
    %mul3A_54 = arith.muli %add3A, %mul3A_53 : i32
    %add3A_55 = arith.constant 0 : i32
    %add3A_56 = arith.addi %mul3A_54, %add3A_55 : i32
    %multiple_of3A_57 = tpu.assume_multiple %add3A_56, 8 : i32
    %dma_start3A_58 = arith.constant 0 : i32
    %dma_start3A_59 = tpu.memref_slice %arg5[%multiple_of3A_57, %dma_start3A_58] : memref<320000x128xf32, #tpu.memory_space<hbm>> -> memref<80x128xf32, #tpu.memory_space<hbm>>
    %dma_start3A_60 = arith.constant 0 : i32
    %dma_start3A_61 = tpu.memref_slice %arg5[%multiple_of3A_57, %dma_start3A_60] : memref<320000x128xf32, #tpu.memory_space<hbm>> -> memref<80x128xf32, #tpu.memory_space<hbm>>
    tpu.enqueue_dma source(%dma_start3A_61 : memref<80x128xf32, #tpu.memory_space<hbm>>) target(%arg15 : memref<80x128xf32, #tpu.memory_space<vmem>>) target_semaphore(%arg21 : memref<!tpu.dma_semaphore, #tpu.memory_space<semaphore_mem>>)
    %mul3A_62 = arith.constant 10000 : i32
    %mul3A_63 = arith.muli %add3A, %mul3A_62 : i32
    %add3A_64 = arith.constant 80 : i32
    %add3A_65 = arith.addi %mul3A_63, %add3A_64 : i32
    %multiple_of3A_66 = tpu.assume_multiple %add3A_65, 8 : i32
    "tpu.region"() ({
      %run_scoped3A = tpu.sem_alloc : memref<!tpu.dma_semaphore, #tpu.memory_space<semaphore_mem>>
      %dma_start3A_176 = tpu.memref_slice %arg2[%multiple_of3A_66] : memref<320000xi32, #tpu.memory_space<hbm>> -> memref<80xi32, #tpu.memory_space<hbm>>
      %dma_start3A_177 = tpu.memref_slice %arg2[%multiple_of3A_66] : memref<320000xi32, #tpu.memory_space<hbm>> -> memref<80xi32, #tpu.memory_space<hbm>>
      tpu.enqueue_dma source(%dma_start3A_177 : memref<80xi32, #tpu.memory_space<hbm>>) target(%arg10 : memref<80xi32, #tpu.memory_space<vmem>>) target_semaphore(%run_scoped3A : memref<!tpu.dma_semaphore, #tpu.memory_space<semaphore_mem>>)
      %dma_wait3A_178 = tpu.memref_slice %arg2[%multiple_of3A_66] : memref<320000xi32, #tpu.memory_space<hbm>> -> memref<80xi32, #tpu.memory_space<hbm>>
      %dma_wait3A_179 = tpu.memref_slice %arg2[%multiple_of3A_66] : memref<320000xi32, #tpu.memory_space<hbm>> -> memref<80xi32, #tpu.memory_space<hbm>>
      tpu.wait_dma2 semaphore(%run_scoped3A : memref<!tpu.dma_semaphore, #tpu.memory_space<semaphore_mem>>) src(%dma_wait3A_179 : memref<80xi32, #tpu.memory_space<hbm>>) dst(%arg10 : memref<80xi32, #tpu.memory_space<vmem>>)
      tpu.yield
    }) : () -> ()
    "tpu.region"() ({
      %run_scoped3A = tpu.sem_alloc : memref<!tpu.dma_semaphore, #tpu.memory_space<semaphore_mem>>
      %dma_start3A_176 = tpu.memref_slice %arg3[%multiple_of3A_66] : memref<320000xi32, #tpu.memory_space<hbm>> -> memref<80xi32, #tpu.memory_space<hbm>>
      %dma_start3A_177 = tpu.memref_slice %arg3[%multiple_of3A_66] : memref<320000xi32, #tpu.memory_space<hbm>> -> memref<80xi32, #tpu.memory_space<hbm>>
      tpu.enqueue_dma source(%dma_start3A_177 : memref<80xi32, #tpu.memory_space<hbm>>) target(%arg12 : memref<80xi32, #tpu.memory_space<vmem>>) target_semaphore(%run_scoped3A : memref<!tpu.dma_semaphore, #tpu.memory_space<semaphore_mem>>)
      %dma_wait3A_178 = tpu.memref_slice %arg3[%multiple_of3A_66] : memref<320000xi32, #tpu.memory_space<hbm>> -> memref<80xi32, #tpu.memory_space<hbm>>
      %dma_wait3A_179 = tpu.memref_slice %arg3[%multiple_of3A_66] : memref<320000xi32, #tpu.memory_space<hbm>> -> memref<80xi32, #tpu.memory_space<hbm>>
      tpu.wait_dma2 semaphore(%run_scoped3A : memref<!tpu.dma_semaphore, #tpu.memory_space<semaphore_mem>>) src(%dma_wait3A_179 : memref<80xi32, #tpu.memory_space<hbm>>) dst(%arg12 : memref<80xi32, #tpu.memory_space<vmem>>)
      tpu.yield
    }) : () -> ()
    %dma_start3A_67 = arith.constant 0 : i32
    %dma_start3A_68 = arith.constant 0 : i32
    %dma_start3A_69 = tpu.memref_slice %arg4[%dma_start3A_67, %dma_start3A_68] : memref<10000x128xf32, #tpu.memory_space<hbm>> -> memref<10000x128xf32, #tpu.memory_space<hbm>>
    tpu.enqueue_indirect_dma source(%dma_start3A_69 : memref<10000x128xf32, #tpu.memory_space<hbm>>) target(%arg14 : memref<80x128xf32, #tpu.memory_space<vmem>>) offsets(%arg10 : memref<80xi32, #tpu.memory_space<vmem>>) semaphore(%arg20 : memref<!tpu.dma_semaphore, #tpu.memory_space<semaphore_mem>>)
    %mul3A_70 = arith.constant 10000 : i32
    %mul3A_71 = arith.muli %add3A, %mul3A_70 : i32
    %add3A_72 = arith.constant 80 : i32
    %add3A_73 = arith.addi %mul3A_71, %add3A_72 : i32
    %multiple_of3A_74 = tpu.assume_multiple %add3A_73, 8 : i32
    %dma_start3A_75 = arith.constant 0 : i32
    %dma_start3A_76 = tpu.memref_slice %arg5[%multiple_of3A_74, %dma_start3A_75] : memref<320000x128xf32, #tpu.memory_space<hbm>> -> memref<80x128xf32, #tpu.memory_space<hbm>>
    %dma_start3A_77 = arith.constant 0 : i32
    %dma_start3A_78 = tpu.memref_slice %arg5[%multiple_of3A_74, %dma_start3A_77] : memref<320000x128xf32, #tpu.memory_space<hbm>> -> memref<80x128xf32, #tpu.memory_space<hbm>>
    tpu.enqueue_dma source(%dma_start3A_78 : memref<80x128xf32, #tpu.memory_space<hbm>>) target(%arg16 : memref<80x128xf32, #tpu.memory_space<vmem>>) target_semaphore(%arg22 : memref<!tpu.dma_semaphore, #tpu.memory_space<semaphore_mem>>)
    %scan3A_79 = arith.constant 0 : i32
    %scan3A_80 = arith.constant 61 : i32
    %scan3A_81 = arith.addi %scan3A_79, %scan3A_80 : i32
    %scan3A_82 = arith.constant 1 : i32
    scf.for %scan3A_176 = %scan3A_79 to %scan3A_81 step %scan3A_82  : i32 {
      %mul3A_177 = arith.constant 2 : i32
      %mul3A_178 = arith.muli %scan3A_176, %mul3A_177 : i32
      %add3A_179 = arith.constant 0 : i32
      %add3A_180 = arith.addi %add3A_179, %mul3A_178 : i32
      %add3A_181 = arith.constant 2 : i32
      %add3A_182 = arith.addi %add3A_180, %add3A_181 : i32
      %mul3A_183 = arith.constant 10000 : i32
      %mul3A_184 = arith.muli %add3A, %mul3A_183 : i32
      %mul3A_185 = arith.constant 80 : i32
      %mul3A_186 = arith.muli %add3A_180, %mul3A_185 : i32
      %add3A_187 = arith.addi %mul3A_184, %mul3A_186 : i32
      %multiple_of3A_188 = tpu.assume_multiple %add3A_187, 8 : i32
      %dma_wait3A_189 = arith.constant 0 : i32
      %dma_wait3A_190 = tpu.memref_slice %arg5[%multiple_of3A_188, %dma_wait3A_189] : memref<320000x128xf32, #tpu.memory_space<hbm>> -> memref<80x128xf32, #tpu.memory_space<hbm>>
      %dma_wait3A_191 = arith.constant 0 : i32
      %dma_wait3A_192 = tpu.memref_slice %arg5[%multiple_of3A_188, %dma_wait3A_191] : memref<320000x128xf32, #tpu.memory_space<hbm>> -> memref<80x128xf32, #tpu.memory_space<hbm>>
      tpu.wait_dma2 semaphore(%arg21 : memref<!tpu.dma_semaphore, #tpu.memory_space<semaphore_mem>>) src(%dma_wait3A_192 : memref<80x128xf32, #tpu.memory_space<hbm>>) dst(%arg15 : memref<80x128xf32, #tpu.memory_space<vmem>>)
      %dma_wait3A_193 = arith.constant 0 : i32
      %dma_wait3A_194 = arith.constant 0 : i32
      %dma_wait3A_195 = tpu.memref_slice %arg4[%dma_wait3A_193, %dma_wait3A_194] : memref<10000x128xf32, #tpu.memory_space<hbm>> -> memref<10000x128xf32, #tpu.memory_space<hbm>>
      tpu.wait_indirect_dma semaphore(%arg19 : memref<!tpu.dma_semaphore, #tpu.memory_space<semaphore_mem>>) src(%dma_wait3A_195 : memref<10000x128xf32, #tpu.memory_space<hbm>>) dst(%arg13 : memref<80x128xf32, #tpu.memory_space<vmem>>)
      %scan3A_196 = arith.constant 0 : i32
      %scan3A_197 = arith.constant 80 : i32
      %scan3A_198 = arith.addi %scan3A_196, %scan3A_197 : i32
      %scan3A_199 = arith.constant 1 : i32
      scf.for %scan3A_277 = %scan3A_196 to %scan3A_198 step %scan3A_199  : i32 {
        %mul3A_278 = arith.constant 1 : i32
        %mul3A_279 = arith.muli %scan3A_277, %mul3A_278 : i32
        %add3A_280 = arith.constant 0 : i32
        %add3A_281 = arith.addi %add3A_280, %mul3A_279 : i32
        %get3A_282 = arith.index_cast %add3A_281 : i32 to index
        %get3A_283 = arith.constant 0 : index
        %get3A_284 = tpu.vector_load %arg13[%get3A_282, %get3A_283] {strides = array<i32>} : memref<80x128xf32, #tpu.memory_space<vmem>>, vector<1x16xf32>,
        %get3A_285 = vector.shape_cast %get3A_284 : vector<1x16xf32> to vector<16xf32>
        %get3A_286 = arith.index_cast %add3A_281 : i32 to index
        %get3A_287 = arith.constant 0 : index
        %get3A_288 = tpu.vector_load %arg15[%get3A_286, %get3A_287] {strides = array<i32>} : memref<80x128xf32, #tpu.memory_space<vmem>>, vector<1x16xf32>,
        %get3A_289 = vector.shape_cast %get3A_288 : vector<1x16xf32> to vector<16xf32>
        %add3A_290 = arith.addf %get3A_285, %get3A_289 : vector<16xf32>
        %ge3A = arith.constant 0.000000e+00 : f32
        %ge3A_291 = vector.broadcast %ge3A : f32 to vector<16xf32>
        %ge3A_292 = arith.cmpf oge, %add3A_290, %ge3A_291 : vector<16xf32>
        %mul3A_293 = arith.mulf %add3A_290, %get3A_24 : vector<16xf32>
        %select_n3A = arith.select %ge3A_292, %add3A_290, %mul3A_293 : vector<16xi1>, vector<16xf32>
        %swap3A = arith.index_cast %add3A_281 : i32 to index
        %swap3A_294 = arith.constant 0 : index
        %swap3A_295 = tpu.vector_load %arg15[%swap3A, %swap3A_294] {strides = array<i32>} : memref<80x128xf32, #tpu.memory_space<vmem>>, vector<1x16xf32>,
        %swap3A_296 = vector.shape_cast %swap3A_295 : vector<1x16xf32> to vector<16xf32>
        %swap3A_297 = vector.shape_cast %select_n3A : vector<16xf32> to vector<1x16xf32>
        tpu.vector_store %arg15[%swap3A, %swap3A_294], %swap3A_297 {strides = array<i32>} : memref<80x128xf32, #tpu.memory_space<vmem>>, vector<1x16xf32>,
        %get3A_298 = arith.index_cast %add3A_281 : i32 to index
        %get3A_299 = arith.constant 16 : index
        %get3A_300 = tpu.vector_load %arg13[%get3A_298, %get3A_299] {strides = array<i32>} : memref<80x128xf32, #tpu.memory_space<vmem>>, vector<1x16xf32>,
        %get3A_301 = vector.shape_cast %get3A_300 : vector<1x16xf32> to vector<16xf32>
        %get3A_302 = arith.index_cast %add3A_281 : i32 to index
        %get3A_303 = arith.constant 16 : index
        %get3A_304 = tpu.vector_load %arg15[%get3A_302, %get3A_303] {strides = array<i32>} : memref<80x128xf32, #tpu.memory_space<vmem>>, vector<1x16xf32>,
        %get3A_305 = vector.shape_cast %get3A_304 : vector<1x16xf32> to vector<16xf32>
        %add3A_306 = arith.addf %get3A_301, %get3A_305 : vector<16xf32>
        %ge3A_307 = arith.constant 0.000000e+00 : f32
        %ge3A_308 = vector.broadcast %ge3A_307 : f32 to vector<16xf32>
        %ge3A_309 = arith.cmpf oge, %add3A_306, %ge3A_308 : vector<16xf32>
        %mul3A_310 = arith.mulf %add3A_306, %get3A_27 : vector<16xf32>
        %select_n3A_311 = arith.select %ge3A_309, %add3A_306, %mul3A_310 : vector<16xi1>, vector<16xf32>
        %swap3A_312 = arith.index_cast %add3A_281 : i32 to index
        %swap3A_313 = arith.constant 16 : index
        %swap3A_314 = tpu.vector_load %arg15[%swap3A_312, %swap3A_313] {strides = array<i32>} : memref<80x128xf32, #tpu.memory_space<vmem>>, vector<1x16xf32>,
        %swap3A_315 = vector.shape_cast %swap3A_314 : vector<1x16xf32> to vector<16xf32>
        %swap3A_316 = vector.shape_cast %select_n3A_311 : vector<16xf32> to vector<1x16xf32>
        tpu.vector_store %arg15[%swap3A_312, %swap3A_313], %swap3A_316 {strides = array<i32>} : memref<80x128xf32, #tpu.memory_space<vmem>>, vector<1x16xf32>,
        %get3A_317 = arith.index_cast %add3A_281 : i32 to index
        %get3A_318 = arith.constant 32 : index
        %get3A_319 = tpu.vector_load %arg13[%get3A_317, %get3A_318] {strides = array<i32>} : memref<80x128xf32, #tpu.memory_space<vmem>>, vector<1x16xf32>,
        %get3A_320 = vector.shape_cast %get3A_319 : vector<1x16xf32> to vector<16xf32>
        %get3A_321 = arith.index_cast %add3A_281 : i32 to index
        %get3A_322 = arith.constant 32 : index
        %get3A_323 = tpu.vector_load %arg15[%get3A_321, %get3A_322] {strides = array<i32>} : memref<80x128xf32, #tpu.memory_space<vmem>>, vector<1x16xf32>,
        %get3A_324 = vector.shape_cast %get3A_323 : vector<1x16xf32> to vector<16xf32>
        %add3A_325 = arith.addf %get3A_320, %get3A_324 : vector<16xf32>
        %ge3A_326 = arith.constant 0.000000e+00 : f32
        %ge3A_327 = vector.broadcast %ge3A_326 : f32 to vector<16xf32>
        %ge3A_328 = arith.cmpf oge, %add3A_325, %ge3A_327 : vector<16xf32>
        %mul3A_329 = arith.mulf %add3A_325, %get3A_30 : vector<16xf32>
        %select_n3A_330 = arith.select %ge3A_328, %add3A_325, %mul3A_329 : vector<16xi1>, vector<16xf32>
        %swap3A_331 = arith.index_cast %add3A_281 : i32 to index
        %swap3A_332 = arith.constant 32 : index
        %swap3A_333 = tpu.vector_load %arg15[%swap3A_331, %swap3A_332] {strides = array<i32>} : memref<80x128xf32, #tpu.memory_space<vmem>>, vector<1x16xf32>,
        %swap3A_334 = vector.shape_cast %swap3A_333 : vector<1x16xf32> to vector<16xf32>
        %swap3A_335 = vector.shape_cast %select_n3A_330 : vector<16xf32> to vector<1x16xf32>
        tpu.vector_store %arg15[%swap3A_331, %swap3A_332], %swap3A_335 {strides = array<i32>} : memref<80x128xf32, #tpu.memory_space<vmem>>, vector<1x16xf32>,
        %get3A_336 = arith.index_cast %add3A_281 : i32 to index
        %get3A_337 = arith.constant 48 : index
        %get3A_338 = tpu.vector_load %arg13[%get3A_336, %get3A_337] {strides = array<i32>} : memref<80x128xf32, #tpu.memory_space<vmem>>, vector<1x16xf32>,
        %get3A_339 = vector.shape_cast %get3A_338 : vector<1x16xf32> to vector<16xf32>
        %get3A_340 = arith.index_cast %add3A_281 : i32 to index
        %get3A_341 = arith.constant 48 : index
        %get3A_342 = tpu.vector_load %arg15[%get3A_340, %get3A_341] {strides = array<i32>} : memref<80x128xf32, #tpu.memory_space<vmem>>, vector<1x16xf32>,
        %get3A_343 = vector.shape_cast %get3A_342 : vector<1x16xf32> to vector<16xf32>
        %add3A_344 = arith.addf %get3A_339, %get3A_343 : vector<16xf32>
        %ge3A_345 = arith.constant 0.000000e+00 : f32
        %ge3A_346 = vector.broadcast %ge3A_345 : f32 to vector<16xf32>
        %ge3A_347 = arith.cmpf oge, %add3A_344, %ge3A_346 : vector<16xf32>
        %mul3A_348 = arith.mulf %add3A_344, %get3A_33 : vector<16xf32>
        %select_n3A_349 = arith.select %ge3A_347, %add3A_344, %mul3A_348 : vector<16xi1>, vector<16xf32>
        %swap3A_350 = arith.index_cast %add3A_281 : i32 to index
        %swap3A_351 = arith.constant 48 : index
        %swap3A_352 = tpu.vector_load %arg15[%swap3A_350, %swap3A_351] {strides = array<i32>} : memref<80x128xf32, #tpu.memory_space<vmem>>, vector<1x16xf32>,
        %swap3A_353 = vector.shape_cast %swap3A_352 : vector<1x16xf32> to vector<16xf32>
        %swap3A_354 = vector.shape_cast %select_n3A_349 : vector<16xf32> to vector<1x16xf32>
        tpu.vector_store %arg15[%swap3A_350, %swap3A_351], %swap3A_354 {strides = array<i32>} : memref<80x128xf32, #tpu.memory_space<vmem>>, vector<1x16xf32>,
        %get3A_355 = arith.index_cast %add3A_281 : i32 to index
        %get3A_356 = arith.constant 64 : index
        %get3A_357 = tpu.vector_load %arg13[%get3A_355, %get3A_356] {strides = array<i32>} : memref<80x128xf32, #tpu.memory_space<vmem>>, vector<1x16xf32>,
        %get3A_358 = vector.shape_cast %get3A_357 : vector<1x16xf32> to vector<16xf32>
        %get3A_359 = arith.index_cast %add3A_281 : i32 to index
        %get3A_360 = arith.constant 64 : index
        %get3A_361 = tpu.vector_load %arg15[%get3A_359, %get3A_360] {strides = array<i32>} : memref<80x128xf32, #tpu.memory_space<vmem>>, vector<1x16xf32>,
        %get3A_362 = vector.shape_cast %get3A_361 : vector<1x16xf32> to vector<16xf32>
        %add3A_363 = arith.addf %get3A_358, %get3A_362 : vector<16xf32>
        %ge3A_364 = arith.constant 0.000000e+00 : f32
        %ge3A_365 = vector.broadcast %ge3A_364 : f32 to vector<16xf32>
        %ge3A_366 = arith.cmpf oge, %add3A_363, %ge3A_365 : vector<16xf32>
        %mul3A_367 = arith.mulf %add3A_363, %get3A_36 : vector<16xf32>
        %select_n3A_368 = arith.select %ge3A_366, %add3A_363, %mul3A_367 : vector<16xi1>, vector<16xf32>
        %swap3A_369 = arith.index_cast %add3A_281 : i32 to index
        %swap3A_370 = arith.constant 64 : index
        %swap3A_371 = tpu.vector_load %arg15[%swap3A_369, %swap3A_370] {strides = array<i32>} : memref<80x128xf32, #tpu.memory_space<vmem>>, vector<1x16xf32>,
        %swap3A_372 = vector.shape_cast %swap3A_371 : vector<1x16xf32> to vector<16xf32>
        %swap3A_373 = vector.shape_cast %select_n3A_368 : vector<16xf32> to vector<1x16xf32>
        tpu.vector_store %arg15[%swap3A_369, %swap3A_370], %swap3A_373 {strides = array<i32>} : memref<80x128xf32, #tpu.memory_space<vmem>>, vector<1x16xf32>,
        %get3A_374 = arith.index_cast %add3A_281 : i32 to index
        %get3A_375 = arith.constant 80 : index
        %get3A_376 = tpu.vector_load %arg13[%get3A_374, %get3A_375] {strides = array<i32>} : memref<80x128xf32, #tpu.memory_space<vmem>>, vector<1x16xf32>,
        %get3A_377 = vector.shape_cast %get3A_376 : vector<1x16xf32> to vector<16xf32>
        %get3A_378 = arith.index_cast %add3A_281 : i32 to index
        %get3A_379 = arith.constant 80 : index
        %get3A_380 = tpu.vector_load %arg15[%get3A_378, %get3A_379] {strides = array<i32>} : memref<80x128xf32, #tpu.memory_space<vmem>>, vector<1x16xf32>,
        %get3A_381 = vector.shape_cast %get3A_380 : vector<1x16xf32> to vector<16xf32>
        %add3A_382 = arith.addf %get3A_377, %get3A_381 : vector<16xf32>
        %ge3A_383 = arith.constant 0.000000e+00 : f32
        %ge3A_384 = vector.broadcast %ge3A_383 : f32 to vector<16xf32>
        %ge3A_385 = arith.cmpf oge, %add3A_382, %ge3A_384 : vector<16xf32>
        %mul3A_386 = arith.mulf %add3A_382, %get3A_39 : vector<16xf32>
        %select_n3A_387 = arith.select %ge3A_385, %add3A_382, %mul3A_386 : vector<16xi1>, vector<16xf32>
        %swap3A_388 = arith.index_cast %add3A_281 : i32 to index
        %swap3A_389 = arith.constant 80 : index
        %swap3A_390 = tpu.vector_load %arg15[%swap3A_388, %swap3A_389] {strides = array<i32>} : memref<80x128xf32, #tpu.memory_space<vmem>>, vector<1x16xf32>,
        %swap3A_391 = vector.shape_cast %swap3A_390 : vector<1x16xf32> to vector<16xf32>
        %swap3A_392 = vector.shape_cast %select_n3A_387 : vector<16xf32> to vector<1x16xf32>
        tpu.vector_store %arg15[%swap3A_388, %swap3A_389], %swap3A_392 {strides = array<i32>} : memref<80x128xf32, #tpu.memory_space<vmem>>, vector<1x16xf32>,
        %get3A_393 = arith.index_cast %add3A_281 : i32 to index
        %get3A_394 = arith.constant 96 : index
        %get3A_395 = tpu.vector_load %arg13[%get3A_393, %get3A_394] {strides = array<i32>} : memref<80x128xf32, #tpu.memory_space<vmem>>, vector<1x16xf32>,
        %get3A_396 = vector.shape_cast %get3A_395 : vector<1x16xf32> to vector<16xf32>
        %get3A_397 = arith.index_cast %add3A_281 : i32 to index
        %get3A_398 = arith.constant 96 : index
        %get3A_399 = tpu.vector_load %arg15[%get3A_397, %get3A_398] {strides = array<i32>} : memref<80x128xf32, #tpu.memory_space<vmem>>, vector<1x16xf32>,
        %get3A_400 = vector.shape_cast %get3A_399 : vector<1x16xf32> to vector<16xf32>
        %add3A_401 = arith.addf %get3A_396, %get3A_400 : vector<16xf32>
        %ge3A_402 = arith.constant 0.000000e+00 : f32
        %ge3A_403 = vector.broadcast %ge3A_402 : f32 to vector<16xf32>
        %ge3A_404 = arith.cmpf oge, %add3A_401, %ge3A_403 : vector<16xf32>
        %mul3A_405 = arith.mulf %add3A_401, %get3A_42 : vector<16xf32>
        %select_n3A_406 = arith.select %ge3A_404, %add3A_401, %mul3A_405 : vector<16xi1>, vector<16xf32>
        %swap3A_407 = arith.index_cast %add3A_281 : i32 to index
        %swap3A_408 = arith.constant 96 : index
        %swap3A_409 = tpu.vector_load %arg15[%swap3A_407, %swap3A_408] {strides = array<i32>} : memref<80x128xf32, #tpu.memory_space<vmem>>, vector<1x16xf32>,
        %swap3A_410 = vector.shape_cast %swap3A_409 : vector<1x16xf32> to vector<16xf32>
        %swap3A_411 = vector.shape_cast %select_n3A_406 : vector<16xf32> to vector<1x16xf32>
        tpu.vector_store %arg15[%swap3A_407, %swap3A_408], %swap3A_411 {strides = array<i32>} : memref<80x128xf32, #tpu.memory_space<vmem>>, vector<1x16xf32>,
        %get3A_412 = arith.index_cast %add3A_281 : i32 to index
        %get3A_413 = arith.constant 112 : index
        %get3A_414 = tpu.vector_load %arg13[%get3A_412, %get3A_413] {strides = array<i32>} : memref<80x128xf32, #tpu.memory_space<vmem>>, vector<1x16xf32>,
        %get3A_415 = vector.shape_cast %get3A_414 : vector<1x16xf32> to vector<16xf32>
        %get3A_416 = arith.index_cast %add3A_281 : i32 to index
        %get3A_417 = arith.constant 112 : index
        %get3A_418 = tpu.vector_load %arg15[%get3A_416, %get3A_417] {strides = array<i32>} : memref<80x128xf32, #tpu.memory_space<vmem>>, vector<1x16xf32>,
        %get3A_419 = vector.shape_cast %get3A_418 : vector<1x16xf32> to vector<16xf32>
        %add3A_420 = arith.addf %get3A_415, %get3A_419 : vector<16xf32>
        %ge3A_421 = arith.constant 0.000000e+00 : f32
        %ge3A_422 = vector.broadcast %ge3A_421 : f32 to vector<16xf32>
        %ge3A_423 = arith.cmpf oge, %add3A_420, %ge3A_422 : vector<16xf32>
        %mul3A_424 = arith.mulf %add3A_420, %get3A_45 : vector<16xf32>
        %select_n3A_425 = arith.select %ge3A_423, %add3A_420, %mul3A_424 : vector<16xi1>, vector<16xf32>
        %swap3A_426 = arith.index_cast %add3A_281 : i32 to index
        %swap3A_427 = arith.constant 112 : index
        %swap3A_428 = tpu.vector_load %arg15[%swap3A_426, %swap3A_427] {strides = array<i32>} : memref<80x128xf32, #tpu.memory_space<vmem>>, vector<1x16xf32>,
        %swap3A_429 = vector.shape_cast %swap3A_428 : vector<1x16xf32> to vector<16xf32>
        %swap3A_430 = vector.shape_cast %select_n3A_425 : vector<16xf32> to vector<1x16xf32>
        tpu.vector_store %arg15[%swap3A_426, %swap3A_427], %swap3A_430 {strides = array<i32>} : memref<80x128xf32, #tpu.memory_space<vmem>>, vector<1x16xf32>,
      }
      %scan3A_200 = arith.constant 80 : i32
      %dma_start3A_201 = arith.constant 0 : i32
      %dma_start3A_202 = tpu.memref_slice %arg7[%multiple_of3A_188, %dma_start3A_201] : memref<320000x128xf32, #tpu.memory_space<hbm>> -> memref<80x128xf32, #tpu.memory_space<hbm>>
      %dma_start3A_203 = arith.constant 0 : i32
      %dma_start3A_204 = tpu.memref_slice %arg7[%multiple_of3A_188, %dma_start3A_203] : memref<320000x128xf32, #tpu.memory_space<hbm>> -> memref<80x128xf32, #tpu.memory_space<hbm>>
      tpu.enqueue_dma source(%arg15 : memref<80x128xf32, #tpu.memory_space<vmem>>) target(%dma_start3A_204 : memref<80x128xf32, #tpu.memory_space<hbm>>) target_semaphore(%arg23 : memref<!tpu.dma_semaphore, #tpu.memory_space<semaphore_mem>>)
      "tpu.region"() ({
        %run_scoped3A = tpu.sem_alloc : memref<!tpu.dma_semaphore, #tpu.memory_space<semaphore_mem>>
        %dma_start3A_277 = arith.constant 0 : i32
        %dma_start3A_278 = arith.constant 0 : i32
        %dma_start3A_279 = tpu.memref_slice %arg18[%dma_start3A_277, %dma_start3A_278] : memref<10240x128xf32, #tpu.memory_space<vmem_shared>> -> memref<10240x128xf32, #tpu.memory_space<vmem_shared>>
        tpu.enqueue_indirect_dma source(%arg15 : memref<80x128xf32, #tpu.memory_space<vmem>>) target(%dma_start3A_279 : memref<10240x128xf32, #tpu.memory_space<vmem_shared>>) offsets(%arg11 : memref<80xi32, #tpu.memory_space<vmem>>) semaphore(%run_scoped3A : memref<!tpu.dma_semaphore, #tpu.memory_space<semaphore_mem>>) {add = true}
        %dma_wait3A_280 = arith.constant 0 : i32
        %dma_wait3A_281 = arith.constant 0 : i32
        %dma_wait3A_282 = tpu.memref_slice %arg18[%dma_wait3A_280, %dma_wait3A_281] : memref<10240x128xf32, #tpu.memory_space<vmem_shared>> -> memref<10240x128xf32, #tpu.memory_space<vmem_shared>>
        tpu.wait_indirect_dma semaphore(%run_scoped3A : memref<!tpu.dma_semaphore, #tpu.memory_space<semaphore_mem>>) src(%arg15 : memref<80x128xf32, #tpu.memory_space<vmem>>) dst(%dma_wait3A_282 : memref<10240x128xf32, #tpu.memory_space<vmem_shared>>)
        tpu.yield
      }) : () -> ()
      %dma_wait3A_205 = arith.constant 0 : i32
      %dma_wait3A_206 = tpu.memref_slice %arg7[%multiple_of3A_188, %dma_wait3A_205] : memref<320000x128xf32, #tpu.memory_space<hbm>> -> memref<80x128xf32, #tpu.memory_space<hbm>>
      %dma_wait3A_207 = arith.constant 0 : i32
      %dma_wait3A_208 = tpu.memref_slice %arg7[%multiple_of3A_188, %dma_wait3A_207] : memref<320000x128xf32, #tpu.memory_space<hbm>> -> memref<80x128xf32, #tpu.memory_space<hbm>>
      tpu.wait_dma2 semaphore(%arg23 : memref<!tpu.dma_semaphore, #tpu.memory_space<semaphore_mem>>) src(%arg15 : memref<80x128xf32, #tpu.memory_space<vmem>>) dst(%dma_wait3A_208 : memref<80x128xf32, #tpu.memory_space<hbm>>)
      %mul3A_209 = arith.constant 10000 : i32
      %mul3A_210 = arith.muli %add3A, %mul3A_209 : i32
      %mul3A_211 = arith.constant 80 : i32
      %mul3A_212 = arith.muli %add3A_182, %mul3A_211 : i32
      %add3A_213 = arith.addi %mul3A_210, %mul3A_212 : i32
      %multiple_of3A_214 = tpu.assume_multiple %add3A_213, 8 : i32
      "tpu.region"() ({
        %run_scoped3A = tpu.sem_alloc : memref<!tpu.dma_semaphore, #tpu.memory_space<semaphore_mem>>
        %dma_start3A_277 = tpu.memref_slice %arg2[%multiple_of3A_214] : memref<320000xi32, #tpu.memory_space<hbm>> -> memref<80xi32, #tpu.memory_space<hbm>>
        %dma_start3A_278 = tpu.memref_slice %arg2[%multiple_of3A_214] : memref<320000xi32, #tpu.memory_space<hbm>> -> memref<80xi32, #tpu.memory_space<hbm>>
        tpu.enqueue_dma source(%dma_start3A_278 : memref<80xi32, #tpu.memory_space<hbm>>) target(%arg9 : memref<80xi32, #tpu.memory_space<vmem>>) target_semaphore(%run_scoped3A : memref<!tpu.dma_semaphore, #tpu.memory_space<semaphore_mem>>)
        %dma_wait3A_279 = tpu.memref_slice %arg2[%multiple_of3A_214] : memref<320000xi32, #tpu.memory_space<hbm>> -> memref<80xi32, #tpu.memory_space<hbm>>
        %dma_wait3A_280 = tpu.memref_slice %arg2[%multiple_of3A_214] : memref<320000xi32, #tpu.memory_space<hbm>> -> memref<80xi32, #tpu.memory_space<hbm>>
        tpu.wait_dma2 semaphore(%run_scoped3A : memref<!tpu.dma_semaphore, #tpu.memory_space<semaphore_mem>>) src(%dma_wait3A_280 : memref<80xi32, #tpu.memory_space<hbm>>) dst(%arg9 : memref<80xi32, #tpu.memory_space<vmem>>)
        tpu.yield
      }) : () -> ()
      "tpu.region"() ({
        %run_scoped3A = tpu.sem_alloc : memref<!tpu.dma_semaphore, #tpu.memory_space<semaphore_mem>>
        %dma_start3A_277 = tpu.memref_slice %arg3[%multiple_of3A_214] : memref<320000xi32, #tpu.memory_space<hbm>> -> memref<80xi32, #tpu.memory_space<hbm>>
        %dma_start3A_278 = tpu.memref_slice %arg3[%multiple_of3A_214] : memref<320000xi32, #tpu.memory_space<hbm>> -> memref<80xi32, #tpu.memory_space<hbm>>
        tpu.enqueue_dma source(%dma_start3A_278 : memref<80xi32, #tpu.memory_space<hbm>>) target(%arg11 : memref<80xi32, #tpu.memory_space<vmem>>) target_semaphore(%run_scoped3A : memref<!tpu.dma_semaphore, #tpu.memory_space<semaphore_mem>>)
        %dma_wait3A_279 = tpu.memref_slice %arg3[%multiple_of3A_214] : memref<320000xi32, #tpu.memory_space<hbm>> -> memref<80xi32, #tpu.memory_space<hbm>>
        %dma_wait3A_280 = tpu.memref_slice %arg3[%multiple_of3A_214] : memref<320000xi32, #tpu.memory_space<hbm>> -> memref<80xi32, #tpu.memory_space<hbm>>
        tpu.wait_dma2 semaphore(%run_scoped3A : memref<!tpu.dma_semaphore, #tpu.memory_space<semaphore_mem>>) src(%dma_wait3A_280 : memref<80xi32, #tpu.memory_space<hbm>>) dst(%arg11 : memref<80xi32, #tpu.memory_space<vmem>>)
        tpu.yield
      }) : () -> ()
      %dma_start3A_215 = arith.constant 0 : i32
      %dma_start3A_216 = arith.constant 0 : i32
      %dma_start3A_217 = tpu.memref_slice %arg4[%dma_start3A_215, %dma_start3A_216] : memref<10000x128xf32, #tpu.memory_space<hbm>> -> memref<10000x128xf32, #tpu.memory_space<hbm>>
      tpu.enqueue_indirect_dma source(%dma_start3A_217 : memref<10000x128xf32, #tpu.memory_space<hbm>>) target(%arg13 : memref<80x128xf32, #tpu.memory_space<vmem>>) offsets(%arg9 : memref<80xi32, #tpu.memory_space<vmem>>) semaphore(%arg19 : memref<!tpu.dma_semaphore, #tpu.memory_space<semaphore_mem>>)
      %mul3A_218 = arith.constant 10000 : i32
      %mul3A_219 = arith.muli %add3A, %mul3A_218 : i32
      %mul3A_220 = arith.constant 80 : i32
      %mul3A_221 = arith.muli %add3A_182, %mul3A_220 : i32
      %add3A_222 = arith.addi %mul3A_219, %mul3A_221 : i32
      %multiple_of3A_223 = tpu.assume_multiple %add3A_222, 8 : i32
      %dma_start3A_224 = arith.constant 0 : i32
      %dma_start3A_225 = tpu.memref_slice %arg5[%multiple_of3A_223, %dma_start3A_224] : memref<320000x128xf32, #tpu.memory_space<hbm>> -> memref<80x128xf32, #tpu.memory_space<hbm>>
      %dma_start3A_226 = arith.constant 0 : i32
      %dma_start3A_227 = tpu.memref_slice %arg5[%multiple_of3A_223, %dma_start3A_226] : memref<320000x128xf32, #tpu.memory_space<hbm>> -> memref<80x128xf32, #tpu.memory_space<hbm>>
      tpu.enqueue_dma source(%dma_start3A_227 : memref<80x128xf32, #tpu.memory_space<hbm>>) target(%arg15 : memref<80x128xf32, #tpu.memory_space<vmem>>) target_semaphore(%arg21 : memref<!tpu.dma_semaphore, #tpu.memory_space<semaphore_mem>>)
      %add3A_228 = arith.constant 1 : i32
      %add3A_229 = arith.addi %add3A_180, %add3A_228 : i32
      %add3A_230 = arith.constant 3 : i32
      %add3A_231 = arith.addi %add3A_180, %add3A_230 : i32
      %mul3A_232 = arith.constant 10000 : i32
      %mul3A_233 = arith.muli %add3A, %mul3A_232 : i32
      %mul3A_234 = arith.constant 80 : i32
      %mul3A_235 = arith.muli %add3A_229, %mul3A_234 : i32
      %add3A_236 = arith.addi %mul3A_233, %mul3A_235 : i32
      %multiple_of3A_237 = tpu.assume_multiple %add3A_236, 8 : i32
      %dma_wait3A_238 = arith.constant 0 : i32
      %dma_wait3A_239 = tpu.memref_slice %arg5[%multiple_of3A_237, %dma_wait3A_238] : memref<320000x128xf32, #tpu.memory_space<hbm>> -> memref<80x128xf32, #tpu.memory_space<hbm>>
      %dma_wait3A_240 = arith.constant 0 : i32
      %dma_wait3A_241 = tpu.memref_slice %arg5[%multiple_of3A_237, %dma_wait3A_240] : memref<320000x128xf32, #tpu.memory_space<hbm>> -> memref<80x128xf32, #tpu.memory_space<hbm>>
      tpu.wait_dma2 semaphore(%arg22 : memref<!tpu.dma_semaphore, #tpu.memory_space<semaphore_mem>>) src(%dma_wait3A_241 : memref<80x128xf32, #tpu.memory_space<hbm>>) dst(%arg16 : memref<80x128xf32, #tpu.memory_space<vmem>>)
      %dma_wait3A_242 = arith.constant 0 : i32
      %dma_wait3A_243 = arith.constant 0 : i32
      %dma_wait3A_244 = tpu.memref_slice %arg4[%dma_wait3A_242, %dma_wait3A_243] : memref<10000x128xf32, #tpu.memory_space<hbm>> -> memref<10000x128xf32, #tpu.memory_space<hbm>>
      tpu.wait_indirect_dma semaphore(%arg20 : memref<!tpu.dma_semaphore, #tpu.memory_space<semaphore_mem>>) src(%dma_wait3A_244 : memref<10000x128xf32, #tpu.memory_space<hbm>>) dst(%arg14 : memref<80x128xf32, #tpu.memory_space<vmem>>)
      %scan3A_245 = arith.constant 0 : i32
      %scan3A_246 = arith.constant 80 : i32
      %scan3A_247 = arith.addi %scan3A_245, %scan3A_246 : i32
      %scan3A_248 = arith.constant 1 : i32
      scf.for %scan3A_277 = %scan3A_245 to %scan3A_247 step %scan3A_248  : i32 {
        %mul3A_278 = arith.constant 1 : i32
        %mul3A_279 = arith.muli %scan3A_277, %mul3A_278 : i32
        %add3A_280 = arith.constant 0 : i32
        %add3A_281 = arith.addi %add3A_280, %mul3A_279 : i32
        %get3A_282 = arith.index_cast %add3A_281 : i32 to index
        %get3A_283 = arith.constant 0 : index
        %get3A_284 = tpu.vector_load %arg14[%get3A_282, %get3A_283] {strides = array<i32>} : memref<80x128xf32, #tpu.memory_space<vmem>>, vector<1x16xf32>,
        %get3A_285 = vector.shape_cast %get3A_284 : vector<1x16xf32> to vector<16xf32>
        %get3A_286 = arith.index_cast %add3A_281 : i32 to index
        %get3A_287 = arith.constant 0 : index
        %get3A_288 = tpu.vector_load %arg16[%get3A_286, %get3A_287] {strides = array<i32>} : memref<80x128xf32, #tpu.memory_space<vmem>>, vector<1x16xf32>,
        %get3A_289 = vector.shape_cast %get3A_288 : vector<1x16xf32> to vector<16xf32>
        %add3A_290 = arith.addf %get3A_285, %get3A_289 : vector<16xf32>
        %ge3A = arith.constant 0.000000e+00 : f32
        %ge3A_291 = vector.broadcast %ge3A : f32 to vector<16xf32>
        %ge3A_292 = arith.cmpf oge, %add3A_290, %ge3A_291 : vector<16xf32>
        %mul3A_293 = arith.mulf %add3A_290, %get3A_24 : vector<16xf32>
        %select_n3A = arith.select %ge3A_292, %add3A_290, %mul3A_293 : vector<16xi1>, vector<16xf32>
        %swap3A = arith.index_cast %add3A_281 : i32 to index
        %swap3A_294 = arith.constant 0 : index
        %swap3A_295 = tpu.vector_load %arg16[%swap3A, %swap3A_294] {strides = array<i32>} : memref<80x128xf32, #tpu.memory_space<vmem>>, vector<1x16xf32>,
        %swap3A_296 = vector.shape_cast %swap3A_295 : vector<1x16xf32> to vector<16xf32>
        %swap3A_297 = vector.shape_cast %select_n3A : vector<16xf32> to vector<1x16xf32>
        tpu.vector_store %arg16[%swap3A, %swap3A_294], %swap3A_297 {strides = array<i32>} : memref<80x128xf32, #tpu.memory_space<vmem>>, vector<1x16xf32>,
        %get3A_298 = arith.index_cast %add3A_281 : i32 to index
        %get3A_299 = arith.constant 16 : index
        %get3A_300 = tpu.vector_load %arg14[%get3A_298, %get3A_299] {strides = array<i32>} : memref<80x128xf32, #tpu.memory_space<vmem>>, vector<1x16xf32>,
        %get3A_301 = vector.shape_cast %get3A_300 : vector<1x16xf32> to vector<16xf32>
        %get3A_302 = arith.index_cast %add3A_281 : i32 to index
        %get3A_303 = arith.constant 16 : index
        %get3A_304 = tpu.vector_load %arg16[%get3A_302, %get3A_303] {strides = array<i32>} : memref<80x128xf32, #tpu.memory_space<vmem>>, vector<1x16xf32>,
        %get3A_305 = vector.shape_cast %get3A_304 : vector<1x16xf32> to vector<16xf32>
        %add3A_306 = arith.addf %get3A_301, %get3A_305 : vector<16xf32>
        %ge3A_307 = arith.constant 0.000000e+00 : f32
        %ge3A_308 = vector.broadcast %ge3A_307 : f32 to vector<16xf32>
        %ge3A_309 = arith.cmpf oge, %add3A_306, %ge3A_308 : vector<16xf32>
        %mul3A_310 = arith.mulf %add3A_306, %get3A_27 : vector<16xf32>
        %select_n3A_311 = arith.select %ge3A_309, %add3A_306, %mul3A_310 : vector<16xi1>, vector<16xf32>
        %swap3A_312 = arith.index_cast %add3A_281 : i32 to index
        %swap3A_313 = arith.constant 16 : index
        %swap3A_314 = tpu.vector_load %arg16[%swap3A_312, %swap3A_313] {strides = array<i32>} : memref<80x128xf32, #tpu.memory_space<vmem>>, vector<1x16xf32>,
        %swap3A_315 = vector.shape_cast %swap3A_314 : vector<1x16xf32> to vector<16xf32>
        %swap3A_316 = vector.shape_cast %select_n3A_311 : vector<16xf32> to vector<1x16xf32>
        tpu.vector_store %arg16[%swap3A_312, %swap3A_313], %swap3A_316 {strides = array<i32>} : memref<80x128xf32, #tpu.memory_space<vmem>>, vector<1x16xf32>,
        %get3A_317 = arith.index_cast %add3A_281 : i32 to index
        %get3A_318 = arith.constant 32 : index
        %get3A_319 = tpu.vector_load %arg14[%get3A_317, %get3A_318] {strides = array<i32>} : memref<80x128xf32, #tpu.memory_space<vmem>>, vector<1x16xf32>,
        %get3A_320 = vector.shape_cast %get3A_319 : vector<1x16xf32> to vector<16xf32>
        %get3A_321 = arith.index_cast %add3A_281 : i32 to index
        %get3A_322 = arith.constant 32 : index
        %get3A_323 = tpu.vector_load %arg16[%get3A_321, %get3A_322] {strides = array<i32>} : memref<80x128xf32, #tpu.memory_space<vmem>>, vector<1x16xf32>,
        %get3A_324 = vector.shape_cast %get3A_323 : vector<1x16xf32> to vector<16xf32>
        %add3A_325 = arith.addf %get3A_320, %get3A_324 : vector<16xf32>
        %ge3A_326 = arith.constant 0.000000e+00 : f32
        %ge3A_327 = vector.broadcast %ge3A_326 : f32 to vector<16xf32>
        %ge3A_328 = arith.cmpf oge, %add3A_325, %ge3A_327 : vector<16xf32>
        %mul3A_329 = arith.mulf %add3A_325, %get3A_30 : vector<16xf32>
        %select_n3A_330 = arith.select %ge3A_328, %add3A_325, %mul3A_329 : vector<16xi1>, vector<16xf32>
        %swap3A_331 = arith.index_cast %add3A_281 : i32 to index
        %swap3A_332 = arith.constant 32 : index
        %swap3A_333 = tpu.vector_load %arg16[%swap3A_331, %swap3A_332] {strides = array<i32>} : memref<80x128xf32, #tpu.memory_space<vmem>>, vector<1x16xf32>,
        %swap3A_334 = vector.shape_cast %swap3A_333 : vector<1x16xf32> to vector<16xf32>
        %swap3A_335 = vector.shape_cast %select_n3A_330 : vector<16xf32> to vector<1x16xf32>
        tpu.vector_store %arg16[%swap3A_331, %swap3A_332], %swap3A_335 {strides = array<i32>} : memref<80x128xf32, #tpu.memory_space<vmem>>, vector<1x16xf32>,
        %get3A_336 = arith.index_cast %add3A_281 : i32 to index
        %get3A_337 = arith.constant 48 : index
        %get3A_338 = tpu.vector_load %arg14[%get3A_336, %get3A_337] {strides = array<i32>} : memref<80x128xf32, #tpu.memory_space<vmem>>, vector<1x16xf32>,
        %get3A_339 = vector.shape_cast %get3A_338 : vector<1x16xf32> to vector<16xf32>
        %get3A_340 = arith.index_cast %add3A_281 : i32 to index
        %get3A_341 = arith.constant 48 : index
        %get3A_342 = tpu.vector_load %arg16[%get3A_340, %get3A_341] {strides = array<i32>} : memref<80x128xf32, #tpu.memory_space<vmem>>, vector<1x16xf32>,
        %get3A_343 = vector.shape_cast %get3A_342 : vector<1x16xf32> to vector<16xf32>
        %add3A_344 = arith.addf %get3A_339, %get3A_343 : vector<16xf32>
        %ge3A_345 = arith.constant 0.000000e+00 : f32
        %ge3A_346 = vector.broadcast %ge3A_345 : f32 to vector<16xf32>
        %ge3A_347 = arith.cmpf oge, %add3A_344, %ge3A_346 : vector<16xf32>
        %mul3A_348 = arith.mulf %add3A_344, %get3A_33 : vector<16xf32>
        %select_n3A_349 = arith.select %ge3A_347, %add3A_344, %mul3A_348 : vector<16xi1>, vector<16xf32>
        %swap3A_350 = arith.index_cast %add3A_281 : i32 to index
        %swap3A_351 = arith.constant 48 : index
        %swap3A_352 = tpu.vector_load %arg16[%swap3A_350, %swap3A_351] {strides = array<i32>} : memref<80x128xf32, #tpu.memory_space<vmem>>, vector<1x16xf32>,
        %swap3A_353 = vector.shape_cast %swap3A_352 : vector<1x16xf32> to vector<16xf32>
        %swap3A_354 = vector.shape_cast %select_n3A_349 : vector<16xf32> to vector<1x16xf32>
        tpu.vector_store %arg16[%swap3A_350, %swap3A_351], %swap3A_354 {strides = array<i32>} : memref<80x128xf32, #tpu.memory_space<vmem>>, vector<1x16xf32>,
        %get3A_355 = arith.index_cast %add3A_281 : i32 to index
        %get3A_356 = arith.constant 64 : index
        %get3A_357 = tpu.vector_load %arg14[%get3A_355, %get3A_356] {strides = array<i32>} : memref<80x128xf32, #tpu.memory_space<vmem>>, vector<1x16xf32>,
        %get3A_358 = vector.shape_cast %get3A_357 : vector<1x16xf32> to vector<16xf32>
        %get3A_359 = arith.index_cast %add3A_281 : i32 to index
        %get3A_360 = arith.constant 64 : index
        %get3A_361 = tpu.vector_load %arg16[%get3A_359, %get3A_360] {strides = array<i32>} : memref<80x128xf32, #tpu.memory_space<vmem>>, vector<1x16xf32>,
        %get3A_362 = vector.shape_cast %get3A_361 : vector<1x16xf32> to vector<16xf32>
        %add3A_363 = arith.addf %get3A_358, %get3A_362 : vector<16xf32>
        %ge3A_364 = arith.constant 0.000000e+00 : f32
        %ge3A_365 = vector.broadcast %ge3A_364 : f32 to vector<16xf32>
        %ge3A_366 = arith.cmpf oge, %add3A_363, %ge3A_365 : vector<16xf32>
        %mul3A_367 = arith.mulf %add3A_363, %get3A_36 : vector<16xf32>
        %select_n3A_368 = arith.select %ge3A_366, %add3A_363, %mul3A_367 : vector<16xi1>, vector<16xf32>
        %swap3A_369 = arith.index_cast %add3A_281 : i32 to index
        %swap3A_370 = arith.constant 64 : index
        %swap3A_371 = tpu.vector_load %arg16[%swap3A_369, %swap3A_370] {strides = array<i32>} : memref<80x128xf32, #tpu.memory_space<vmem>>, vector<1x16xf32>,
        %swap3A_372 = vector.shape_cast %swap3A_371 : vector<1x16xf32> to vector<16xf32>
        %swap3A_373 = vector.shape_cast %select_n3A_368 : vector<16xf32> to vector<1x16xf32>
        tpu.vector_store %arg16[%swap3A_369, %swap3A_370], %swap3A_373 {strides = array<i32>} : memref<80x128xf32, #tpu.memory_space<vmem>>, vector<1x16xf32>,
        %get3A_374 = arith.index_cast %add3A_281 : i32 to index
        %get3A_375 = arith.constant 80 : index
        %get3A_376 = tpu.vector_load %arg14[%get3A_374, %get3A_375] {strides = array<i32>} : memref<80x128xf32, #tpu.memory_space<vmem>>, vector<1x16xf32>,
        %get3A_377 = vector.shape_cast %get3A_376 : vector<1x16xf32> to vector<16xf32>
        %get3A_378 = arith.index_cast %add3A_281 : i32 to index
        %get3A_379 = arith.constant 80 : index
        %get3A_380 = tpu.vector_load %arg16[%get3A_378, %get3A_379] {strides = array<i32>} : memref<80x128xf32, #tpu.memory_space<vmem>>, vector<1x16xf32>,
        %get3A_381 = vector.shape_cast %get3A_380 : vector<1x16xf32> to vector<16xf32>
        %add3A_382 = arith.addf %get3A_377, %get3A_381 : vector<16xf32>
        %ge3A_383 = arith.constant 0.000000e+00 : f32
        %ge3A_384 = vector.broadcast %ge3A_383 : f32 to vector<16xf32>
        %ge3A_385 = arith.cmpf oge, %add3A_382, %ge3A_384 : vector<16xf32>
        %mul3A_386 = arith.mulf %add3A_382, %get3A_39 : vector<16xf32>
        %select_n3A_387 = arith.select %ge3A_385, %add3A_382, %mul3A_386 : vector<16xi1>, vector<16xf32>
        %swap3A_388 = arith.index_cast %add3A_281 : i32 to index
        %swap3A_389 = arith.constant 80 : index
        %swap3A_390 = tpu.vector_load %arg16[%swap3A_388, %swap3A_389] {strides = array<i32>} : memref<80x128xf32, #tpu.memory_space<vmem>>, vector<1x16xf32>,
        %swap3A_391 = vector.shape_cast %swap3A_390 : vector<1x16xf32> to vector<16xf32>
        %swap3A_392 = vector.shape_cast %select_n3A_387 : vector<16xf32> to vector<1x16xf32>
        tpu.vector_store %arg16[%swap3A_388, %swap3A_389], %swap3A_392 {strides = array<i32>} : memref<80x128xf32, #tpu.memory_space<vmem>>, vector<1x16xf32>,
        %get3A_393 = arith.index_cast %add3A_281 : i32 to index
        %get3A_394 = arith.constant 96 : index
        %get3A_395 = tpu.vector_load %arg14[%get3A_393, %get3A_394] {strides = array<i32>} : memref<80x128xf32, #tpu.memory_space<vmem>>, vector<1x16xf32>,
        %get3A_396 = vector.shape_cast %get3A_395 : vector<1x16xf32> to vector<16xf32>
        %get3A_397 = arith.index_cast %add3A_281 : i32 to index
        %get3A_398 = arith.constant 96 : index
        %get3A_399 = tpu.vector_load %arg16[%get3A_397, %get3A_398] {strides = array<i32>} : memref<80x128xf32, #tpu.memory_space<vmem>>, vector<1x16xf32>,
        %get3A_400 = vector.shape_cast %get3A_399 : vector<1x16xf32> to vector<16xf32>
        %add3A_401 = arith.addf %get3A_396, %get3A_400 : vector<16xf32>
        %ge3A_402 = arith.constant 0.000000e+00 : f32
        %ge3A_403 = vector.broadcast %ge3A_402 : f32 to vector<16xf32>
        %ge3A_404 = arith.cmpf oge, %add3A_401, %ge3A_403 : vector<16xf32>
        %mul3A_405 = arith.mulf %add3A_401, %get3A_42 : vector<16xf32>
        %select_n3A_406 = arith.select %ge3A_404, %add3A_401, %mul3A_405 : vector<16xi1>, vector<16xf32>
        %swap3A_407 = arith.index_cast %add3A_281 : i32 to index
        %swap3A_408 = arith.constant 96 : index
        %swap3A_409 = tpu.vector_load %arg16[%swap3A_407, %swap3A_408] {strides = array<i32>} : memref<80x128xf32, #tpu.memory_space<vmem>>, vector<1x16xf32>,
        %swap3A_410 = vector.shape_cast %swap3A_409 : vector<1x16xf32> to vector<16xf32>
        %swap3A_411 = vector.shape_cast %select_n3A_406 : vector<16xf32> to vector<1x16xf32>
        tpu.vector_store %arg16[%swap3A_407, %swap3A_408], %swap3A_411 {strides = array<i32>} : memref<80x128xf32, #tpu.memory_space<vmem>>, vector<1x16xf32>,
        %get3A_412 = arith.index_cast %add3A_281 : i32 to index
        %get3A_413 = arith.constant 112 : index
        %get3A_414 = tpu.vector_load %arg14[%get3A_412, %get3A_413] {strides = array<i32>} : memref<80x128xf32, #tpu.memory_space<vmem>>, vector<1x16xf32>,
        %get3A_415 = vector.shape_cast %get3A_414 : vector<1x16xf32> to vector<16xf32>
        %get3A_416 = arith.index_cast %add3A_281 : i32 to index
        %get3A_417 = arith.constant 112 : index
        %get3A_418 = tpu.vector_load %arg16[%get3A_416, %get3A_417] {strides = array<i32>} : memref<80x128xf32, #tpu.memory_space<vmem>>, vector<1x16xf32>,
        %get3A_419 = vector.shape_cast %get3A_418 : vector<1x16xf32> to vector<16xf32>
        %add3A_420 = arith.addf %get3A_415, %get3A_419 : vector<16xf32>
        %ge3A_421 = arith.constant 0.000000e+00 : f32
        %ge3A_422 = vector.broadcast %ge3A_421 : f32 to vector<16xf32>
        %ge3A_423 = arith.cmpf oge, %add3A_420, %ge3A_422 : vector<16xf32>
        %mul3A_424 = arith.mulf %add3A_420, %get3A_45 : vector<16xf32>
        %select_n3A_425 = arith.select %ge3A_423, %add3A_420, %mul3A_424 : vector<16xi1>, vector<16xf32>
        %swap3A_426 = arith.index_cast %add3A_281 : i32 to index
        %swap3A_427 = arith.constant 112 : index
        %swap3A_428 = tpu.vector_load %arg16[%swap3A_426, %swap3A_427] {strides = array<i32>} : memref<80x128xf32, #tpu.memory_space<vmem>>, vector<1x16xf32>,
        %swap3A_429 = vector.shape_cast %swap3A_428 : vector<1x16xf32> to vector<16xf32>
        %swap3A_430 = vector.shape_cast %select_n3A_425 : vector<16xf32> to vector<1x16xf32>
        tpu.vector_store %arg16[%swap3A_426, %swap3A_427], %swap3A_430 {strides = array<i32>} : memref<80x128xf32, #tpu.memory_space<vmem>>, vector<1x16xf32>,
      }
      %scan3A_249 = arith.constant 80 : i32
      %dma_start3A_250 = arith.constant 0 : i32
      %dma_start3A_251 = tpu.memref_slice %arg7[%multiple_of3A_237, %dma_start3A_250] : memref<320000x128xf32, #tpu.memory_space<hbm>> -> memref<80x128xf32, #tpu.memory_space<hbm>>
      %dma_start3A_252 = arith.constant 0 : i32
      %dma_start3A_253 = tpu.memref_slice %arg7[%multiple_of3A_237, %dma_start3A_252] : memref<320000x128xf32, #tpu.memory_space<hbm>> -> memref<80x128xf32, #tpu.memory_space<hbm>>
      tpu.enqueue_dma source(%arg16 : memref<80x128xf32, #tpu.memory_space<vmem>>) target(%dma_start3A_253 : memref<80x128xf32, #tpu.memory_space<hbm>>) target_semaphore(%arg24 : memref<!tpu.dma_semaphore, #tpu.memory_space<semaphore_mem>>)
      "tpu.region"() ({
        %run_scoped3A = tpu.sem_alloc : memref<!tpu.dma_semaphore, #tpu.memory_space<semaphore_mem>>
        %dma_start3A_277 = arith.constant 0 : i32
        %dma_start3A_278 = arith.constant 0 : i32
        %dma_start3A_279 = tpu.memref_slice %arg18[%dma_start3A_277, %dma_start3A_278] : memref<10240x128xf32, #tpu.memory_space<vmem_shared>> -> memref<10240x128xf32, #tpu.memory_space<vmem_shared>>
        tpu.enqueue_indirect_dma source(%arg16 : memref<80x128xf32, #tpu.memory_space<vmem>>) target(%dma_start3A_279 : memref<10240x128xf32, #tpu.memory_space<vmem_shared>>) offsets(%arg12 : memref<80xi32, #tpu.memory_space<vmem>>) semaphore(%run_scoped3A : memref<!tpu.dma_semaphore, #tpu.memory_space<semaphore_mem>>) {add = true}
        %dma_wait3A_280 = arith.constant 0 : i32
        %dma_wait3A_281 = arith.constant 0 : i32
        %dma_wait3A_282 = tpu.memref_slice %arg18[%dma_wait3A_280, %dma_wait3A_281] : memref<10240x128xf32, #tpu.memory_space<vmem_shared>> -> memref<10240x128xf32, #tpu.memory_space<vmem_shared>>
        tpu.wait_indirect_dma semaphore(%run_scoped3A : memref<!tpu.dma_semaphore, #tpu.memory_space<semaphore_mem>>) src(%arg16 : memref<80x128xf32, #tpu.memory_space<vmem>>) dst(%dma_wait3A_282 : memref<10240x128xf32, #tpu.memory_space<vmem_shared>>)
        tpu.yield
      }) : () -> ()
      %dma_wait3A_254 = arith.constant 0 : i32
      %dma_wait3A_255 = tpu.memref_slice %arg7[%multiple_of3A_237, %dma_wait3A_254] : memref<320000x128xf32, #tpu.memory_space<hbm>> -> memref<80x128xf32, #tpu.memory_space<hbm>>
      %dma_wait3A_256 = arith.constant 0 : i32
      %dma_wait3A_257 = tpu.memref_slice %arg7[%multiple_of3A_237, %dma_wait3A_256] : memref<320000x128xf32, #tpu.memory_space<hbm>> -> memref<80x128xf32, #tpu.memory_space<hbm>>
      tpu.wait_dma2 semaphore(%arg24 : memref<!tpu.dma_semaphore, #tpu.memory_space<semaphore_mem>>) src(%arg16 : memref<80x128xf32, #tpu.memory_space<vmem>>) dst(%dma_wait3A_257 : memref<80x128xf32, #tpu.memory_space<hbm>>)
      %mul3A_258 = arith.constant 10000 : i32
      %mul3A_259 = arith.muli %add3A, %mul3A_258 : i32
      %mul3A_260 = arith.constant 80 : i32
      %mul3A_261 = arith.muli %add3A_231, %mul3A_260 : i32
      %add3A_262 = arith.addi %mul3A_259, %mul3A_261 : i32
      %multiple_of3A_263 = tpu.assume_multiple %add3A_262, 8 : i32
      "tpu.region"() ({
        %run_scoped3A = tpu.sem_alloc : memref<!tpu.dma_semaphore, #tpu.memory_space<semaphore_mem>>
        %dma_start3A_277 = tpu.memref_slice %arg2[%multiple_of3A_263] : memref<320000xi32, #tpu.memory_space<hbm>> -> memref<80xi32, #tpu.memory_space<hbm>>
        %dma_start3A_278 = tpu.memref_slice %arg2[%multiple_of3A_263] : memref<320000xi32, #tpu.memory_space<hbm>> -> memref<80xi32, #tpu.memory_space<hbm>>
        tpu.enqueue_dma source(%dma_start3A_278 : memref<80xi32, #tpu.memory_space<hbm>>) target(%arg10 : memref<80xi32, #tpu.memory_space<vmem>>) target_semaphore(%run_scoped3A : memref<!tpu.dma_semaphore, #tpu.memory_space<semaphore_mem>>)
        %dma_wait3A_279 = tpu.memref_slice %arg2[%multiple_of3A_263] : memref<320000xi32, #tpu.memory_space<hbm>> -> memref<80xi32, #tpu.memory_space<hbm>>
        %dma_wait3A_280 = tpu.memref_slice %arg2[%multiple_of3A_263] : memref<320000xi32, #tpu.memory_space<hbm>> -> memref<80xi32, #tpu.memory_space<hbm>>
        tpu.wait_dma2 semaphore(%run_scoped3A : memref<!tpu.dma_semaphore, #tpu.memory_space<semaphore_mem>>) src(%dma_wait3A_280 : memref<80xi32, #tpu.memory_space<hbm>>) dst(%arg10 : memref<80xi32, #tpu.memory_space<vmem>>)
        tpu.yield
      }) : () -> ()
      "tpu.region"() ({
        %run_scoped3A = tpu.sem_alloc : memref<!tpu.dma_semaphore, #tpu.memory_space<semaphore_mem>>
        %dma_start3A_277 = tpu.memref_slice %arg3[%multiple_of3A_263] : memref<320000xi32, #tpu.memory_space<hbm>> -> memref<80xi32, #tpu.memory_space<hbm>>
        %dma_start3A_278 = tpu.memref_slice %arg3[%multiple_of3A_263] : memref<320000xi32, #tpu.memory_space<hbm>> -> memref<80xi32, #tpu.memory_space<hbm>>
        tpu.enqueue_dma source(%dma_start3A_278 : memref<80xi32, #tpu.memory_space<hbm>>) target(%arg12 : memref<80xi32, #tpu.memory_space<vmem>>) target_semaphore(%run_scoped3A : memref<!tpu.dma_semaphore, #tpu.memory_space<semaphore_mem>>)
        %dma_wait3A_279 = tpu.memref_slice %arg3[%multiple_of3A_263] : memref<320000xi32, #tpu.memory_space<hbm>> -> memref<80xi32, #tpu.memory_space<hbm>>
        %dma_wait3A_280 = tpu.memref_slice %arg3[%multiple_of3A_263] : memref<320000xi32, #tpu.memory_space<hbm>> -> memref<80xi32, #tpu.memory_space<hbm>>
        tpu.wait_dma2 semaphore(%run_scoped3A : memref<!tpu.dma_semaphore, #tpu.memory_space<semaphore_mem>>) src(%dma_wait3A_280 : memref<80xi32, #tpu.memory_space<hbm>>) dst(%arg12 : memref<80xi32, #tpu.memory_space<vmem>>)
        tpu.yield
      }) : () -> ()
      %dma_start3A_264 = arith.constant 0 : i32
      %dma_start3A_265 = arith.constant 0 : i32
      %dma_start3A_266 = tpu.memref_slice %arg4[%dma_start3A_264, %dma_start3A_265] : memref<10000x128xf32, #tpu.memory_space<hbm>> -> memref<10000x128xf32, #tpu.memory_space<hbm>>
      tpu.enqueue_indirect_dma source(%dma_start3A_266 : memref<10000x128xf32, #tpu.memory_space<hbm>>) target(%arg14 : memref<80x128xf32, #tpu.memory_space<vmem>>) offsets(%arg10 : memref<80xi32, #tpu.memory_space<vmem>>) semaphore(%arg20 : memref<!tpu.dma_semaphore, #tpu.memory_space<semaphore_mem>>)
      %mul3A_267 = arith.constant 10000 : i32
      %mul3A_268 = arith.muli %add3A, %mul3A_267 : i32
      %mul3A_269 = arith.constant 80 : i32
      %mul3A_270 = arith.muli %add3A_231, %mul3A_269 : i32
      %add3A_271 = arith.addi %mul3A_268, %mul3A_270 : i32
      %multiple_of3A_272 = tpu.assume_multiple %add3A_271, 8 : i32
      %dma_start3A_273 = arith.constant 0 : i32
      %dma_start3A_274 = tpu.memref_slice %arg5[%multiple_of3A_272, %dma_start3A_273] : memref<320000x128xf32, #tpu.memory_space<hbm>> -> memref<80x128xf32, #tpu.memory_space<hbm>>
      %dma_start3A_275 = arith.constant 0 : i32
      %dma_start3A_276 = tpu.memref_slice %arg5[%multiple_of3A_272, %dma_start3A_275] : memref<320000x128xf32, #tpu.memory_space<hbm>> -> memref<80x128xf32, #tpu.memory_space<hbm>>
      tpu.enqueue_dma source(%dma_start3A_276 : memref<80x128xf32, #tpu.memory_space<hbm>>) target(%arg16 : memref<80x128xf32, #tpu.memory_space<vmem>>) target_semaphore(%arg22 : memref<!tpu.dma_semaphore, #tpu.memory_space<semaphore_mem>>)
    }
    %scan3A_83 = arith.constant 61 : i32
    %mul3A_84 = arith.constant 10000 : i32
    %mul3A_85 = arith.muli %add3A, %mul3A_84 : i32
    %add3A_86 = arith.constant 9760 : i32
    %add3A_87 = arith.addi %mul3A_85, %add3A_86 : i32
    %multiple_of3A_88 = tpu.assume_multiple %add3A_87, 8 : i32
    %dma_wait3A = arith.constant 0 : i32
    %dma_wait3A_89 = tpu.memref_slice %arg5[%multiple_of3A_88, %dma_wait3A] : memref<320000x128xf32, #tpu.memory_space<hbm>> -> memref<80x128xf32, #tpu.memory_space<hbm>>
    %dma_wait3A_90 = arith.constant 0 : i32
    %dma_wait3A_91 = tpu.memref_slice %arg5[%multiple_of3A_88, %dma_wait3A_90] : memref<320000x128xf32, #tpu.memory_space<hbm>> -> memref<80x128xf32, #tpu.memory_space<hbm>>
    tpu.wait_dma2 semaphore(%arg21 : memref<!tpu.dma_semaphore, #tpu.memory_space<semaphore_mem>>) src(%dma_wait3A_91 : memref<80x128xf32, #tpu.memory_space<hbm>>) dst(%arg15 : memref<80x128xf32, #tpu.memory_space<vmem>>)
    %dma_wait3A_92 = arith.constant 0 : i32
    %dma_wait3A_93 = arith.constant 0 : i32
    %dma_wait3A_94 = tpu.memref_slice %arg4[%dma_wait3A_92, %dma_wait3A_93] : memref<10000x128xf32, #tpu.memory_space<hbm>> -> memref<10000x128xf32, #tpu.memory_space<hbm>>
    tpu.wait_indirect_dma semaphore(%arg19 : memref<!tpu.dma_semaphore, #tpu.memory_space<semaphore_mem>>) src(%dma_wait3A_94 : memref<10000x128xf32, #tpu.memory_space<hbm>>) dst(%arg13 : memref<80x128xf32, #tpu.memory_space<vmem>>)
    %scan3A_95 = arith.constant 0 : i32
    %scan3A_96 = arith.constant 80 : i32
    %scan3A_97 = arith.addi %scan3A_95, %scan3A_96 : i32
    %scan3A_98 = arith.constant 1 : i32
    scf.for %scan3A_176 = %scan3A_95 to %scan3A_97 step %scan3A_98  : i32 {
      %mul3A_177 = arith.constant 1 : i32
      %mul3A_178 = arith.muli %scan3A_176, %mul3A_177 : i32
      %add3A_179 = arith.constant 0 : i32
      %add3A_180 = arith.addi %add3A_179, %mul3A_178 : i32
      %get3A_181 = arith.index_cast %add3A_180 : i32 to index
      %get3A_182 = arith.constant 0 : index
      %get3A_183 = tpu.vector_load %arg13[%get3A_181, %get3A_182] {strides = array<i32>} : memref<80x128xf32, #tpu.memory_space<vmem>>, vector<1x16xf32>,
      %get3A_184 = vector.shape_cast %get3A_183 : vector<1x16xf32> to vector<16xf32>
      %get3A_185 = arith.index_cast %add3A_180 : i32 to index
      %get3A_186 = arith.constant 0 : index
      %get3A_187 = tpu.vector_load %arg15[%get3A_185, %get3A_186] {strides = array<i32>} : memref<80x128xf32, #tpu.memory_space<vmem>>, vector<1x16xf32>,
      %get3A_188 = vector.shape_cast %get3A_187 : vector<1x16xf32> to vector<16xf32>
      %add3A_189 = arith.addf %get3A_184, %get3A_188 : vector<16xf32>
      %ge3A = arith.constant 0.000000e+00 : f32
      %ge3A_190 = vector.broadcast %ge3A : f32 to vector<16xf32>
      %ge3A_191 = arith.cmpf oge, %add3A_189, %ge3A_190 : vector<16xf32>
      %mul3A_192 = arith.mulf %add3A_189, %get3A_24 : vector<16xf32>
      %select_n3A = arith.select %ge3A_191, %add3A_189, %mul3A_192 : vector<16xi1>, vector<16xf32>
      %swap3A = arith.index_cast %add3A_180 : i32 to index
      %swap3A_193 = arith.constant 0 : index
      %swap3A_194 = tpu.vector_load %arg15[%swap3A, %swap3A_193] {strides = array<i32>} : memref<80x128xf32, #tpu.memory_space<vmem>>, vector<1x16xf32>,
      %swap3A_195 = vector.shape_cast %swap3A_194 : vector<1x16xf32> to vector<16xf32>
      %swap3A_196 = vector.shape_cast %select_n3A : vector<16xf32> to vector<1x16xf32>
      tpu.vector_store %arg15[%swap3A, %swap3A_193], %swap3A_196 {strides = array<i32>} : memref<80x128xf32, #tpu.memory_space<vmem>>, vector<1x16xf32>,
      %get3A_197 = arith.index_cast %add3A_180 : i32 to index
      %get3A_198 = arith.constant 16 : index
      %get3A_199 = tpu.vector_load %arg13[%get3A_197, %get3A_198] {strides = array<i32>} : memref<80x128xf32, #tpu.memory_space<vmem>>, vector<1x16xf32>,
      %get3A_200 = vector.shape_cast %get3A_199 : vector<1x16xf32> to vector<16xf32>
      %get3A_201 = arith.index_cast %add3A_180 : i32 to index
      %get3A_202 = arith.constant 16 : index
      %get3A_203 = tpu.vector_load %arg15[%get3A_201, %get3A_202] {strides = array<i32>} : memref<80x128xf32, #tpu.memory_space<vmem>>, vector<1x16xf32>,
      %get3A_204 = vector.shape_cast %get3A_203 : vector<1x16xf32> to vector<16xf32>
      %add3A_205 = arith.addf %get3A_200, %get3A_204 : vector<16xf32>
      %ge3A_206 = arith.constant 0.000000e+00 : f32
      %ge3A_207 = vector.broadcast %ge3A_206 : f32 to vector<16xf32>
      %ge3A_208 = arith.cmpf oge, %add3A_205, %ge3A_207 : vector<16xf32>
      %mul3A_209 = arith.mulf %add3A_205, %get3A_27 : vector<16xf32>
      %select_n3A_210 = arith.select %ge3A_208, %add3A_205, %mul3A_209 : vector<16xi1>, vector<16xf32>
      %swap3A_211 = arith.index_cast %add3A_180 : i32 to index
      %swap3A_212 = arith.constant 16 : index
      %swap3A_213 = tpu.vector_load %arg15[%swap3A_211, %swap3A_212] {strides = array<i32>} : memref<80x128xf32, #tpu.memory_space<vmem>>, vector<1x16xf32>,
      %swap3A_214 = vector.shape_cast %swap3A_213 : vector<1x16xf32> to vector<16xf32>
      %swap3A_215 = vector.shape_cast %select_n3A_210 : vector<16xf32> to vector<1x16xf32>
      tpu.vector_store %arg15[%swap3A_211, %swap3A_212], %swap3A_215 {strides = array<i32>} : memref<80x128xf32, #tpu.memory_space<vmem>>, vector<1x16xf32>,
      %get3A_216 = arith.index_cast %add3A_180 : i32 to index
      %get3A_217 = arith.constant 32 : index
      %get3A_218 = tpu.vector_load %arg13[%get3A_216, %get3A_217] {strides = array<i32>} : memref<80x128xf32, #tpu.memory_space<vmem>>, vector<1x16xf32>,
      %get3A_219 = vector.shape_cast %get3A_218 : vector<1x16xf32> to vector<16xf32>
      %get3A_220 = arith.index_cast %add3A_180 : i32 to index
      %get3A_221 = arith.constant 32 : index
      %get3A_222 = tpu.vector_load %arg15[%get3A_220, %get3A_221] {strides = array<i32>} : memref<80x128xf32, #tpu.memory_space<vmem>>, vector<1x16xf32>,
      %get3A_223 = vector.shape_cast %get3A_222 : vector<1x16xf32> to vector<16xf32>
      %add3A_224 = arith.addf %get3A_219, %get3A_223 : vector<16xf32>
      %ge3A_225 = arith.constant 0.000000e+00 : f32
      %ge3A_226 = vector.broadcast %ge3A_225 : f32 to vector<16xf32>
      %ge3A_227 = arith.cmpf oge, %add3A_224, %ge3A_226 : vector<16xf32>
      %mul3A_228 = arith.mulf %add3A_224, %get3A_30 : vector<16xf32>
      %select_n3A_229 = arith.select %ge3A_227, %add3A_224, %mul3A_228 : vector<16xi1>, vector<16xf32>
      %swap3A_230 = arith.index_cast %add3A_180 : i32 to index
      %swap3A_231 = arith.constant 32 : index
      %swap3A_232 = tpu.vector_load %arg15[%swap3A_230, %swap3A_231] {strides = array<i32>} : memref<80x128xf32, #tpu.memory_space<vmem>>, vector<1x16xf32>,
      %swap3A_233 = vector.shape_cast %swap3A_232 : vector<1x16xf32> to vector<16xf32>
      %swap3A_234 = vector.shape_cast %select_n3A_229 : vector<16xf32> to vector<1x16xf32>
      tpu.vector_store %arg15[%swap3A_230, %swap3A_231], %swap3A_234 {strides = array<i32>} : memref<80x128xf32, #tpu.memory_space<vmem>>, vector<1x16xf32>,
      %get3A_235 = arith.index_cast %add3A_180 : i32 to index
      %get3A_236 = arith.constant 48 : index
      %get3A_237 = tpu.vector_load %arg13[%get3A_235, %get3A_236] {strides = array<i32>} : memref<80x128xf32, #tpu.memory_space<vmem>>, vector<1x16xf32>,
      %get3A_238 = vector.shape_cast %get3A_237 : vector<1x16xf32> to vector<16xf32>
      %get3A_239 = arith.index_cast %add3A_180 : i32 to index
      %get3A_240 = arith.constant 48 : index
      %get3A_241 = tpu.vector_load %arg15[%get3A_239, %get3A_240] {strides = array<i32>} : memref<80x128xf32, #tpu.memory_space<vmem>>, vector<1x16xf32>,
      %get3A_242 = vector.shape_cast %get3A_241 : vector<1x16xf32> to vector<16xf32>
      %add3A_243 = arith.addf %get3A_238, %get3A_242 : vector<16xf32>
      %ge3A_244 = arith.constant 0.000000e+00 : f32
      %ge3A_245 = vector.broadcast %ge3A_244 : f32 to vector<16xf32>
      %ge3A_246 = arith.cmpf oge, %add3A_243, %ge3A_245 : vector<16xf32>
      %mul3A_247 = arith.mulf %add3A_243, %get3A_33 : vector<16xf32>
      %select_n3A_248 = arith.select %ge3A_246, %add3A_243, %mul3A_247 : vector<16xi1>, vector<16xf32>
      %swap3A_249 = arith.index_cast %add3A_180 : i32 to index
      %swap3A_250 = arith.constant 48 : index
      %swap3A_251 = tpu.vector_load %arg15[%swap3A_249, %swap3A_250] {strides = array<i32>} : memref<80x128xf32, #tpu.memory_space<vmem>>, vector<1x16xf32>,
      %swap3A_252 = vector.shape_cast %swap3A_251 : vector<1x16xf32> to vector<16xf32>
      %swap3A_253 = vector.shape_cast %select_n3A_248 : vector<16xf32> to vector<1x16xf32>
      tpu.vector_store %arg15[%swap3A_249, %swap3A_250], %swap3A_253 {strides = array<i32>} : memref<80x128xf32, #tpu.memory_space<vmem>>, vector<1x16xf32>,
      %get3A_254 = arith.index_cast %add3A_180 : i32 to index
      %get3A_255 = arith.constant 64 : index
      %get3A_256 = tpu.vector_load %arg13[%get3A_254, %get3A_255] {strides = array<i32>} : memref<80x128xf32, #tpu.memory_space<vmem>>, vector<1x16xf32>,
      %get3A_257 = vector.shape_cast %get3A_256 : vector<1x16xf32> to vector<16xf32>
      %get3A_258 = arith.index_cast %add3A_180 : i32 to index
      %get3A_259 = arith.constant 64 : index
      %get3A_260 = tpu.vector_load %arg15[%get3A_258, %get3A_259] {strides = array<i32>} : memref<80x128xf32, #tpu.memory_space<vmem>>, vector<1x16xf32>,
      %get3A_261 = vector.shape_cast %get3A_260 : vector<1x16xf32> to vector<16xf32>
      %add3A_262 = arith.addf %get3A_257, %get3A_261 : vector<16xf32>
      %ge3A_263 = arith.constant 0.000000e+00 : f32
      %ge3A_264 = vector.broadcast %ge3A_263 : f32 to vector<16xf32>
      %ge3A_265 = arith.cmpf oge, %add3A_262, %ge3A_264 : vector<16xf32>
      %mul3A_266 = arith.mulf %add3A_262, %get3A_36 : vector<16xf32>
      %select_n3A_267 = arith.select %ge3A_265, %add3A_262, %mul3A_266 : vector<16xi1>, vector<16xf32>
      %swap3A_268 = arith.index_cast %add3A_180 : i32 to index
      %swap3A_269 = arith.constant 64 : index
      %swap3A_270 = tpu.vector_load %arg15[%swap3A_268, %swap3A_269] {strides = array<i32>} : memref<80x128xf32, #tpu.memory_space<vmem>>, vector<1x16xf32>,
      %swap3A_271 = vector.shape_cast %swap3A_270 : vector<1x16xf32> to vector<16xf32>
      %swap3A_272 = vector.shape_cast %select_n3A_267 : vector<16xf32> to vector<1x16xf32>
      tpu.vector_store %arg15[%swap3A_268, %swap3A_269], %swap3A_272 {strides = array<i32>} : memref<80x128xf32, #tpu.memory_space<vmem>>, vector<1x16xf32>,
      %get3A_273 = arith.index_cast %add3A_180 : i32 to index
      %get3A_274 = arith.constant 80 : index
      %get3A_275 = tpu.vector_load %arg13[%get3A_273, %get3A_274] {strides = array<i32>} : memref<80x128xf32, #tpu.memory_space<vmem>>, vector<1x16xf32>,
      %get3A_276 = vector.shape_cast %get3A_275 : vector<1x16xf32> to vector<16xf32>
      %get3A_277 = arith.index_cast %add3A_180 : i32 to index
      %get3A_278 = arith.constant 80 : index
      %get3A_279 = tpu.vector_load %arg15[%get3A_277, %get3A_278] {strides = array<i32>} : memref<80x128xf32, #tpu.memory_space<vmem>>, vector<1x16xf32>,
      %get3A_280 = vector.shape_cast %get3A_279 : vector<1x16xf32> to vector<16xf32>
      %add3A_281 = arith.addf %get3A_276, %get3A_280 : vector<16xf32>
      %ge3A_282 = arith.constant 0.000000e+00 : f32
      %ge3A_283 = vector.broadcast %ge3A_282 : f32 to vector<16xf32>
      %ge3A_284 = arith.cmpf oge, %add3A_281, %ge3A_283 : vector<16xf32>
      %mul3A_285 = arith.mulf %add3A_281, %get3A_39 : vector<16xf32>
      %select_n3A_286 = arith.select %ge3A_284, %add3A_281, %mul3A_285 : vector<16xi1>, vector<16xf32>
      %swap3A_287 = arith.index_cast %add3A_180 : i32 to index
      %swap3A_288 = arith.constant 80 : index
      %swap3A_289 = tpu.vector_load %arg15[%swap3A_287, %swap3A_288] {strides = array<i32>} : memref<80x128xf32, #tpu.memory_space<vmem>>, vector<1x16xf32>,
      %swap3A_290 = vector.shape_cast %swap3A_289 : vector<1x16xf32> to vector<16xf32>
      %swap3A_291 = vector.shape_cast %select_n3A_286 : vector<16xf32> to vector<1x16xf32>
      tpu.vector_store %arg15[%swap3A_287, %swap3A_288], %swap3A_291 {strides = array<i32>} : memref<80x128xf32, #tpu.memory_space<vmem>>, vector<1x16xf32>,
      %get3A_292 = arith.index_cast %add3A_180 : i32 to index
      %get3A_293 = arith.constant 96 : index
      %get3A_294 = tpu.vector_load %arg13[%get3A_292, %get3A_293] {strides = array<i32>} : memref<80x128xf32, #tpu.memory_space<vmem>>, vector<1x16xf32>,
      %get3A_295 = vector.shape_cast %get3A_294 : vector<1x16xf32> to vector<16xf32>
      %get3A_296 = arith.index_cast %add3A_180 : i32 to index
      %get3A_297 = arith.constant 96 : index
      %get3A_298 = tpu.vector_load %arg15[%get3A_296, %get3A_297] {strides = array<i32>} : memref<80x128xf32, #tpu.memory_space<vmem>>, vector<1x16xf32>,
      %get3A_299 = vector.shape_cast %get3A_298 : vector<1x16xf32> to vector<16xf32>
      %add3A_300 = arith.addf %get3A_295, %get3A_299 : vector<16xf32>
      %ge3A_301 = arith.constant 0.000000e+00 : f32
      %ge3A_302 = vector.broadcast %ge3A_301 : f32 to vector<16xf32>
      %ge3A_303 = arith.cmpf oge, %add3A_300, %ge3A_302 : vector<16xf32>
      %mul3A_304 = arith.mulf %add3A_300, %get3A_42 : vector<16xf32>
      %select_n3A_305 = arith.select %ge3A_303, %add3A_300, %mul3A_304 : vector<16xi1>, vector<16xf32>
      %swap3A_306 = arith.index_cast %add3A_180 : i32 to index
      %swap3A_307 = arith.constant 96 : index
      %swap3A_308 = tpu.vector_load %arg15[%swap3A_306, %swap3A_307] {strides = array<i32>} : memref<80x128xf32, #tpu.memory_space<vmem>>, vector<1x16xf32>,
      %swap3A_309 = vector.shape_cast %swap3A_308 : vector<1x16xf32> to vector<16xf32>
      %swap3A_310 = vector.shape_cast %select_n3A_305 : vector<16xf32> to vector<1x16xf32>
      tpu.vector_store %arg15[%swap3A_306, %swap3A_307], %swap3A_310 {strides = array<i32>} : memref<80x128xf32, #tpu.memory_space<vmem>>, vector<1x16xf32>,
      %get3A_311 = arith.index_cast %add3A_180 : i32 to index
      %get3A_312 = arith.constant 112 : index
      %get3A_313 = tpu.vector_load %arg13[%get3A_311, %get3A_312] {strides = array<i32>} : memref<80x128xf32, #tpu.memory_space<vmem>>, vector<1x16xf32>,
      %get3A_314 = vector.shape_cast %get3A_313 : vector<1x16xf32> to vector<16xf32>
      %get3A_315 = arith.index_cast %add3A_180 : i32 to index
      %get3A_316 = arith.constant 112 : index
      %get3A_317 = tpu.vector_load %arg15[%get3A_315, %get3A_316] {strides = array<i32>} : memref<80x128xf32, #tpu.memory_space<vmem>>, vector<1x16xf32>,
      %get3A_318 = vector.shape_cast %get3A_317 : vector<1x16xf32> to vector<16xf32>
      %add3A_319 = arith.addf %get3A_314, %get3A_318 : vector<16xf32>
      %ge3A_320 = arith.constant 0.000000e+00 : f32
      %ge3A_321 = vector.broadcast %ge3A_320 : f32 to vector<16xf32>
      %ge3A_322 = arith.cmpf oge, %add3A_319, %ge3A_321 : vector<16xf32>
      %mul3A_323 = arith.mulf %add3A_319, %get3A_45 : vector<16xf32>
      %select_n3A_324 = arith.select %ge3A_322, %add3A_319, %mul3A_323 : vector<16xi1>, vector<16xf32>
      %swap3A_325 = arith.index_cast %add3A_180 : i32 to index
      %swap3A_326 = arith.constant 112 : index
      %swap3A_327 = tpu.vector_load %arg15[%swap3A_325, %swap3A_326] {strides = array<i32>} : memref<80x128xf32, #tpu.memory_space<vmem>>, vector<1x16xf32>,
      %swap3A_328 = vector.shape_cast %swap3A_327 : vector<1x16xf32> to vector<16xf32>
      %swap3A_329 = vector.shape_cast %select_n3A_324 : vector<16xf32> to vector<1x16xf32>
      tpu.vector_store %arg15[%swap3A_325, %swap3A_326], %swap3A_329 {strides = array<i32>} : memref<80x128xf32, #tpu.memory_space<vmem>>, vector<1x16xf32>,
    }
    %scan3A_99 = arith.constant 80 : i32
    %dma_start3A_100 = arith.constant 0 : i32
    %dma_start3A_101 = tpu.memref_slice %arg7[%multiple_of3A_88, %dma_start3A_100] : memref<320000x128xf32, #tpu.memory_space<hbm>> -> memref<80x128xf32, #tpu.memory_space<hbm>>
    %dma_start3A_102 = arith.constant 0 : i32
    %dma_start3A_103 = tpu.memref_slice %arg7[%multiple_of3A_88, %dma_start3A_102] : memref<320000x128xf32, #tpu.memory_space<hbm>> -> memref<80x128xf32, #tpu.memory_space<hbm>>
    tpu.enqueue_dma source(%arg15 : memref<80x128xf32, #tpu.memory_space<vmem>>) target(%dma_start3A_103 : memref<80x128xf32, #tpu.memory_space<hbm>>) target_semaphore(%arg23 : memref<!tpu.dma_semaphore, #tpu.memory_space<semaphore_mem>>)
    "tpu.region"() ({
      %run_scoped3A = tpu.sem_alloc : memref<!tpu.dma_semaphore, #tpu.memory_space<semaphore_mem>>
      %dma_start3A_176 = arith.constant 0 : i32
      %dma_start3A_177 = arith.constant 0 : i32
      %dma_start3A_178 = tpu.memref_slice %arg18[%dma_start3A_176, %dma_start3A_177] : memref<10240x128xf32, #tpu.memory_space<vmem_shared>> -> memref<10240x128xf32, #tpu.memory_space<vmem_shared>>
      tpu.enqueue_indirect_dma source(%arg15 : memref<80x128xf32, #tpu.memory_space<vmem>>) target(%dma_start3A_178 : memref<10240x128xf32, #tpu.memory_space<vmem_shared>>) offsets(%arg11 : memref<80xi32, #tpu.memory_space<vmem>>) semaphore(%run_scoped3A : memref<!tpu.dma_semaphore, #tpu.memory_space<semaphore_mem>>) {add = true}
      %dma_wait3A_179 = arith.constant 0 : i32
      %dma_wait3A_180 = arith.constant 0 : i32
      %dma_wait3A_181 = tpu.memref_slice %arg18[%dma_wait3A_179, %dma_wait3A_180] : memref<10240x128xf32, #tpu.memory_space<vmem_shared>> -> memref<10240x128xf32, #tpu.memory_space<vmem_shared>>
      tpu.wait_indirect_dma semaphore(%run_scoped3A : memref<!tpu.dma_semaphore, #tpu.memory_space<semaphore_mem>>) src(%arg15 : memref<80x128xf32, #tpu.memory_space<vmem>>) dst(%dma_wait3A_181 : memref<10240x128xf32, #tpu.memory_space<vmem_shared>>)
      tpu.yield
    }) : () -> ()
    %dma_wait3A_104 = arith.constant 0 : i32
    %dma_wait3A_105 = tpu.memref_slice %arg7[%multiple_of3A_88, %dma_wait3A_104] : memref<320000x128xf32, #tpu.memory_space<hbm>> -> memref<80x128xf32, #tpu.memory_space<hbm>>
    %dma_wait3A_106 = arith.constant 0 : i32
    %dma_wait3A_107 = tpu.memref_slice %arg7[%multiple_of3A_88, %dma_wait3A_106] : memref<320000x128xf32, #tpu.memory_space<hbm>> -> memref<80x128xf32, #tpu.memory_space<hbm>>
    tpu.wait_dma2 semaphore(%arg23 : memref<!tpu.dma_semaphore, #tpu.memory_space<semaphore_mem>>) src(%arg15 : memref<80x128xf32, #tpu.memory_space<vmem>>) dst(%dma_wait3A_107 : memref<80x128xf32, #tpu.memory_space<hbm>>)
    %mul3A_108 = arith.constant 10000 : i32
    %mul3A_109 = arith.muli %add3A, %mul3A_108 : i32
    %add3A_110 = arith.constant 9920 : i32
    %add3A_111 = arith.addi %mul3A_109, %add3A_110 : i32
    %multiple_of3A_112 = tpu.assume_multiple %add3A_111, 8 : i32
    "tpu.region"() ({
      %run_scoped3A = tpu.sem_alloc : memref<!tpu.dma_semaphore, #tpu.memory_space<semaphore_mem>>
      %dma_start3A_176 = tpu.memref_slice %arg2[%multiple_of3A_112] : memref<320000xi32, #tpu.memory_space<hbm>> -> memref<80xi32, #tpu.memory_space<hbm>>
      %dma_start3A_177 = tpu.memref_slice %arg2[%multiple_of3A_112] : memref<320000xi32, #tpu.memory_space<hbm>> -> memref<80xi32, #tpu.memory_space<hbm>>
      tpu.enqueue_dma source(%dma_start3A_177 : memref<80xi32, #tpu.memory_space<hbm>>) target(%arg9 : memref<80xi32, #tpu.memory_space<vmem>>) target_semaphore(%run_scoped3A : memref<!tpu.dma_semaphore, #tpu.memory_space<semaphore_mem>>)
      %dma_wait3A_178 = tpu.memref_slice %arg2[%multiple_of3A_112] : memref<320000xi32, #tpu.memory_space<hbm>> -> memref<80xi32, #tpu.memory_space<hbm>>
      %dma_wait3A_179 = tpu.memref_slice %arg2[%multiple_of3A_112] : memref<320000xi32, #tpu.memory_space<hbm>> -> memref<80xi32, #tpu.memory_space<hbm>>
      tpu.wait_dma2 semaphore(%run_scoped3A : memref<!tpu.dma_semaphore, #tpu.memory_space<semaphore_mem>>) src(%dma_wait3A_179 : memref<80xi32, #tpu.memory_space<hbm>>) dst(%arg9 : memref<80xi32, #tpu.memory_space<vmem>>)
      tpu.yield
    }) : () -> ()
    "tpu.region"() ({
      %run_scoped3A = tpu.sem_alloc : memref<!tpu.dma_semaphore, #tpu.memory_space<semaphore_mem>>
      %dma_start3A_176 = tpu.memref_slice %arg3[%multiple_of3A_112] : memref<320000xi32, #tpu.memory_space<hbm>> -> memref<80xi32, #tpu.memory_space<hbm>>
      %dma_start3A_177 = tpu.memref_slice %arg3[%multiple_of3A_112] : memref<320000xi32, #tpu.memory_space<hbm>> -> memref<80xi32, #tpu.memory_space<hbm>>
      tpu.enqueue_dma source(%dma_start3A_177 : memref<80xi32, #tpu.memory_space<hbm>>) target(%arg11 : memref<80xi32, #tpu.memory_space<vmem>>) target_semaphore(%run_scoped3A : memref<!tpu.dma_semaphore, #tpu.memory_space<semaphore_mem>>)
      %dma_wait3A_178 = tpu.memref_slice %arg3[%multiple_of3A_112] : memref<320000xi32, #tpu.memory_space<hbm>> -> memref<80xi32, #tpu.memory_space<hbm>>
      %dma_wait3A_179 = tpu.memref_slice %arg3[%multiple_of3A_112] : memref<320000xi32, #tpu.memory_space<hbm>> -> memref<80xi32, #tpu.memory_space<hbm>>
      tpu.wait_dma2 semaphore(%run_scoped3A : memref<!tpu.dma_semaphore, #tpu.memory_space<semaphore_mem>>) src(%dma_wait3A_179 : memref<80xi32, #tpu.memory_space<hbm>>) dst(%arg11 : memref<80xi32, #tpu.memory_space<vmem>>)
      tpu.yield
    }) : () -> ()
    %dma_start3A_113 = arith.constant 0 : i32
    %dma_start3A_114 = arith.constant 0 : i32
    %dma_start3A_115 = tpu.memref_slice %arg4[%dma_start3A_113, %dma_start3A_114] : memref<10000x128xf32, #tpu.memory_space<hbm>> -> memref<10000x128xf32, #tpu.memory_space<hbm>>
    tpu.enqueue_indirect_dma source(%dma_start3A_115 : memref<10000x128xf32, #tpu.memory_space<hbm>>) target(%arg13 : memref<80x128xf32, #tpu.memory_space<vmem>>) offsets(%arg9 : memref<80xi32, #tpu.memory_space<vmem>>) semaphore(%arg19 : memref<!tpu.dma_semaphore, #tpu.memory_space<semaphore_mem>>)
    %mul3A_116 = arith.constant 10000 : i32
    %mul3A_117 = arith.muli %add3A, %mul3A_116 : i32
    %add3A_118 = arith.constant 9920 : i32
    %add3A_119 = arith.addi %mul3A_117, %add3A_118 : i32
    %multiple_of3A_120 = tpu.assume_multiple %add3A_119, 8 : i32
    %dma_start3A_121 = arith.constant 0 : i32
    %dma_start3A_122 = tpu.memref_slice %arg5[%multiple_of3A_120, %dma_start3A_121] : memref<320000x128xf32, #tpu.memory_space<hbm>> -> memref<80x128xf32, #tpu.memory_space<hbm>>
    %dma_start3A_123 = arith.constant 0 : i32
    %dma_start3A_124 = tpu.memref_slice %arg5[%multiple_of3A_120, %dma_start3A_123] : memref<320000x128xf32, #tpu.memory_space<hbm>> -> memref<80x128xf32, #tpu.memory_space<hbm>>
    tpu.enqueue_dma source(%dma_start3A_124 : memref<80x128xf32, #tpu.memory_space<hbm>>) target(%arg15 : memref<80x128xf32, #tpu.memory_space<vmem>>) target_semaphore(%arg21 : memref<!tpu.dma_semaphore, #tpu.memory_space<semaphore_mem>>)
    %mul3A_125 = arith.constant 10000 : i32
    %mul3A_126 = arith.muli %add3A, %mul3A_125 : i32
    %add3A_127 = arith.constant 9840 : i32
    %add3A_128 = arith.addi %mul3A_126, %add3A_127 : i32
    %multiple_of3A_129 = tpu.assume_multiple %add3A_128, 8 : i32
    %dma_wait3A_130 = arith.constant 0 : i32
    %dma_wait3A_131 = tpu.memref_slice %arg5[%multiple_of3A_129, %dma_wait3A_130] : memref<320000x128xf32, #tpu.memory_space<hbm>> -> memref<80x128xf32, #tpu.memory_space<hbm>>
    %dma_wait3A_132 = arith.constant 0 : i32
    %dma_wait3A_133 = tpu.memref_slice %arg5[%multiple_of3A_129, %dma_wait3A_132] : memref<320000x128xf32, #tpu.memory_space<hbm>> -> memref<80x128xf32, #tpu.memory_space<hbm>>
    tpu.wait_dma2 semaphore(%arg22 : memref<!tpu.dma_semaphore, #tpu.memory_space<semaphore_mem>>) src(%dma_wait3A_133 : memref<80x128xf32, #tpu.memory_space<hbm>>) dst(%arg16 : memref<80x128xf32, #tpu.memory_space<vmem>>)
    %dma_wait3A_134 = arith.constant 0 : i32
    %dma_wait3A_135 = arith.constant 0 : i32
    %dma_wait3A_136 = tpu.memref_slice %arg4[%dma_wait3A_134, %dma_wait3A_135] : memref<10000x128xf32, #tpu.memory_space<hbm>> -> memref<10000x128xf32, #tpu.memory_space<hbm>>
    tpu.wait_indirect_dma semaphore(%arg20 : memref<!tpu.dma_semaphore, #tpu.memory_space<semaphore_mem>>) src(%dma_wait3A_136 : memref<10000x128xf32, #tpu.memory_space<hbm>>) dst(%arg14 : memref<80x128xf32, #tpu.memory_space<vmem>>)
    %scan3A_137 = arith.constant 0 : i32
    %scan3A_138 = arith.constant 80 : i32
    %scan3A_139 = arith.addi %scan3A_137, %scan3A_138 : i32
    %scan3A_140 = arith.constant 1 : i32
    scf.for %scan3A_176 = %scan3A_137 to %scan3A_139 step %scan3A_140  : i32 {
      %mul3A_177 = arith.constant 1 : i32
      %mul3A_178 = arith.muli %scan3A_176, %mul3A_177 : i32
      %add3A_179 = arith.constant 0 : i32
      %add3A_180 = arith.addi %add3A_179, %mul3A_178 : i32
      %get3A_181 = arith.index_cast %add3A_180 : i32 to index
      %get3A_182 = arith.constant 0 : index
      %get3A_183 = tpu.vector_load %arg14[%get3A_181, %get3A_182] {strides = array<i32>} : memref<80x128xf32, #tpu.memory_space<vmem>>, vector<1x16xf32>,
      %get3A_184 = vector.shape_cast %get3A_183 : vector<1x16xf32> to vector<16xf32>
      %get3A_185 = arith.index_cast %add3A_180 : i32 to index
      %get3A_186 = arith.constant 0 : index
      %get3A_187 = tpu.vector_load %arg16[%get3A_185, %get3A_186] {strides = array<i32>} : memref<80x128xf32, #tpu.memory_space<vmem>>, vector<1x16xf32>,
      %get3A_188 = vector.shape_cast %get3A_187 : vector<1x16xf32> to vector<16xf32>
      %add3A_189 = arith.addf %get3A_184, %get3A_188 : vector<16xf32>
      %ge3A = arith.constant 0.000000e+00 : f32
      %ge3A_190 = vector.broadcast %ge3A : f32 to vector<16xf32>
      %ge3A_191 = arith.cmpf oge, %add3A_189, %ge3A_190 : vector<16xf32>
      %mul3A_192 = arith.mulf %add3A_189, %get3A_24 : vector<16xf32>
      %select_n3A = arith.select %ge3A_191, %add3A_189, %mul3A_192 : vector<16xi1>, vector<16xf32>
      %swap3A = arith.index_cast %add3A_180 : i32 to index
      %swap3A_193 = arith.constant 0 : index
      %swap3A_194 = tpu.vector_load %arg16[%swap3A, %swap3A_193] {strides = array<i32>} : memref<80x128xf32, #tpu.memory_space<vmem>>, vector<1x16xf32>,
      %swap3A_195 = vector.shape_cast %swap3A_194 : vector<1x16xf32> to vector<16xf32>
      %swap3A_196 = vector.shape_cast %select_n3A : vector<16xf32> to vector<1x16xf32>
      tpu.vector_store %arg16[%swap3A, %swap3A_193], %swap3A_196 {strides = array<i32>} : memref<80x128xf32, #tpu.memory_space<vmem>>, vector<1x16xf32>,
      %get3A_197 = arith.index_cast %add3A_180 : i32 to index
      %get3A_198 = arith.constant 16 : index
      %get3A_199 = tpu.vector_load %arg14[%get3A_197, %get3A_198] {strides = array<i32>} : memref<80x128xf32, #tpu.memory_space<vmem>>, vector<1x16xf32>,
      %get3A_200 = vector.shape_cast %get3A_199 : vector<1x16xf32> to vector<16xf32>
      %get3A_201 = arith.index_cast %add3A_180 : i32 to index
      %get3A_202 = arith.constant 16 : index
      %get3A_203 = tpu.vector_load %arg16[%get3A_201, %get3A_202] {strides = array<i32>} : memref<80x128xf32, #tpu.memory_space<vmem>>, vector<1x16xf32>,
      %get3A_204 = vector.shape_cast %get3A_203 : vector<1x16xf32> to vector<16xf32>
      %add3A_205 = arith.addf %get3A_200, %get3A_204 : vector<16xf32>
      %ge3A_206 = arith.constant 0.000000e+00 : f32
      %ge3A_207 = vector.broadcast %ge3A_206 : f32 to vector<16xf32>
      %ge3A_208 = arith.cmpf oge, %add3A_205, %ge3A_207 : vector<16xf32>
      %mul3A_209 = arith.mulf %add3A_205, %get3A_27 : vector<16xf32>
      %select_n3A_210 = arith.select %ge3A_208, %add3A_205, %mul3A_209 : vector<16xi1>, vector<16xf32>
      %swap3A_211 = arith.index_cast %add3A_180 : i32 to index
      %swap3A_212 = arith.constant 16 : index
      %swap3A_213 = tpu.vector_load %arg16[%swap3A_211, %swap3A_212] {strides = array<i32>} : memref<80x128xf32, #tpu.memory_space<vmem>>, vector<1x16xf32>,
      %swap3A_214 = vector.shape_cast %swap3A_213 : vector<1x16xf32> to vector<16xf32>
      %swap3A_215 = vector.shape_cast %select_n3A_210 : vector<16xf32> to vector<1x16xf32>
      tpu.vector_store %arg16[%swap3A_211, %swap3A_212], %swap3A_215 {strides = array<i32>} : memref<80x128xf32, #tpu.memory_space<vmem>>, vector<1x16xf32>,
      %get3A_216 = arith.index_cast %add3A_180 : i32 to index
      %get3A_217 = arith.constant 32 : index
      %get3A_218 = tpu.vector_load %arg14[%get3A_216, %get3A_217] {strides = array<i32>} : memref<80x128xf32, #tpu.memory_space<vmem>>, vector<1x16xf32>,
      %get3A_219 = vector.shape_cast %get3A_218 : vector<1x16xf32> to vector<16xf32>
      %get3A_220 = arith.index_cast %add3A_180 : i32 to index
      %get3A_221 = arith.constant 32 : index
      %get3A_222 = tpu.vector_load %arg16[%get3A_220, %get3A_221] {strides = array<i32>} : memref<80x128xf32, #tpu.memory_space<vmem>>, vector<1x16xf32>,
      %get3A_223 = vector.shape_cast %get3A_222 : vector<1x16xf32> to vector<16xf32>
      %add3A_224 = arith.addf %get3A_219, %get3A_223 : vector<16xf32>
      %ge3A_225 = arith.constant 0.000000e+00 : f32
      %ge3A_226 = vector.broadcast %ge3A_225 : f32 to vector<16xf32>
      %ge3A_227 = arith.cmpf oge, %add3A_224, %ge3A_226 : vector<16xf32>
      %mul3A_228 = arith.mulf %add3A_224, %get3A_30 : vector<16xf32>
      %select_n3A_229 = arith.select %ge3A_227, %add3A_224, %mul3A_228 : vector<16xi1>, vector<16xf32>
      %swap3A_230 = arith.index_cast %add3A_180 : i32 to index
      %swap3A_231 = arith.constant 32 : index
      %swap3A_232 = tpu.vector_load %arg16[%swap3A_230, %swap3A_231] {strides = array<i32>} : memref<80x128xf32, #tpu.memory_space<vmem>>, vector<1x16xf32>,
      %swap3A_233 = vector.shape_cast %swap3A_232 : vector<1x16xf32> to vector<16xf32>
      %swap3A_234 = vector.shape_cast %select_n3A_229 : vector<16xf32> to vector<1x16xf32>
      tpu.vector_store %arg16[%swap3A_230, %swap3A_231], %swap3A_234 {strides = array<i32>} : memref<80x128xf32, #tpu.memory_space<vmem>>, vector<1x16xf32>,
      %get3A_235 = arith.index_cast %add3A_180 : i32 to index
      %get3A_236 = arith.constant 48 : index
      %get3A_237 = tpu.vector_load %arg14[%get3A_235, %get3A_236] {strides = array<i32>} : memref<80x128xf32, #tpu.memory_space<vmem>>, vector<1x16xf32>,
      %get3A_238 = vector.shape_cast %get3A_237 : vector<1x16xf32> to vector<16xf32>
      %get3A_239 = arith.index_cast %add3A_180 : i32 to index
      %get3A_240 = arith.constant 48 : index
      %get3A_241 = tpu.vector_load %arg16[%get3A_239, %get3A_240] {strides = array<i32>} : memref<80x128xf32, #tpu.memory_space<vmem>>, vector<1x16xf32>,
      %get3A_242 = vector.shape_cast %get3A_241 : vector<1x16xf32> to vector<16xf32>
      %add3A_243 = arith.addf %get3A_238, %get3A_242 : vector<16xf32>
      %ge3A_244 = arith.constant 0.000000e+00 : f32
      %ge3A_245 = vector.broadcast %ge3A_244 : f32 to vector<16xf32>
      %ge3A_246 = arith.cmpf oge, %add3A_243, %ge3A_245 : vector<16xf32>
      %mul3A_247 = arith.mulf %add3A_243, %get3A_33 : vector<16xf32>
      %select_n3A_248 = arith.select %ge3A_246, %add3A_243, %mul3A_247 : vector<16xi1>, vector<16xf32>
      %swap3A_249 = arith.index_cast %add3A_180 : i32 to index
      %swap3A_250 = arith.constant 48 : index
      %swap3A_251 = tpu.vector_load %arg16[%swap3A_249, %swap3A_250] {strides = array<i32>} : memref<80x128xf32, #tpu.memory_space<vmem>>, vector<1x16xf32>,
      %swap3A_252 = vector.shape_cast %swap3A_251 : vector<1x16xf32> to vector<16xf32>
      %swap3A_253 = vector.shape_cast %select_n3A_248 : vector<16xf32> to vector<1x16xf32>
      tpu.vector_store %arg16[%swap3A_249, %swap3A_250], %swap3A_253 {strides = array<i32>} : memref<80x128xf32, #tpu.memory_space<vmem>>, vector<1x16xf32>,
      %get3A_254 = arith.index_cast %add3A_180 : i32 to index
      %get3A_255 = arith.constant 64 : index
      %get3A_256 = tpu.vector_load %arg14[%get3A_254, %get3A_255] {strides = array<i32>} : memref<80x128xf32, #tpu.memory_space<vmem>>, vector<1x16xf32>,
      %get3A_257 = vector.shape_cast %get3A_256 : vector<1x16xf32> to vector<16xf32>
      %get3A_258 = arith.index_cast %add3A_180 : i32 to index
      %get3A_259 = arith.constant 64 : index
      %get3A_260 = tpu.vector_load %arg16[%get3A_258, %get3A_259] {strides = array<i32>} : memref<80x128xf32, #tpu.memory_space<vmem>>, vector<1x16xf32>,
      %get3A_261 = vector.shape_cast %get3A_260 : vector<1x16xf32> to vector<16xf32>
      %add3A_262 = arith.addf %get3A_257, %get3A_261 : vector<16xf32>
      %ge3A_263 = arith.constant 0.000000e+00 : f32
      %ge3A_264 = vector.broadcast %ge3A_263 : f32 to vector<16xf32>
      %ge3A_265 = arith.cmpf oge, %add3A_262, %ge3A_264 : vector<16xf32>
      %mul3A_266 = arith.mulf %add3A_262, %get3A_36 : vector<16xf32>
      %select_n3A_267 = arith.select %ge3A_265, %add3A_262, %mul3A_266 : vector<16xi1>, vector<16xf32>
      %swap3A_268 = arith.index_cast %add3A_180 : i32 to index
      %swap3A_269 = arith.constant 64 : index
      %swap3A_270 = tpu.vector_load %arg16[%swap3A_268, %swap3A_269] {strides = array<i32>} : memref<80x128xf32, #tpu.memory_space<vmem>>, vector<1x16xf32>,
      %swap3A_271 = vector.shape_cast %swap3A_270 : vector<1x16xf32> to vector<16xf32>
      %swap3A_272 = vector.shape_cast %select_n3A_267 : vector<16xf32> to vector<1x16xf32>
      tpu.vector_store %arg16[%swap3A_268, %swap3A_269], %swap3A_272 {strides = array<i32>} : memref<80x128xf32, #tpu.memory_space<vmem>>, vector<1x16xf32>,
      %get3A_273 = arith.index_cast %add3A_180 : i32 to index
      %get3A_274 = arith.constant 80 : index
      %get3A_275 = tpu.vector_load %arg14[%get3A_273, %get3A_274] {strides = array<i32>} : memref<80x128xf32, #tpu.memory_space<vmem>>, vector<1x16xf32>,
      %get3A_276 = vector.shape_cast %get3A_275 : vector<1x16xf32> to vector<16xf32>
      %get3A_277 = arith.index_cast %add3A_180 : i32 to index
      %get3A_278 = arith.constant 80 : index
      %get3A_279 = tpu.vector_load %arg16[%get3A_277, %get3A_278] {strides = array<i32>} : memref<80x128xf32, #tpu.memory_space<vmem>>, vector<1x16xf32>,
      %get3A_280 = vector.shape_cast %get3A_279 : vector<1x16xf32> to vector<16xf32>
      %add3A_281 = arith.addf %get3A_276, %get3A_280 : vector<16xf32>
      %ge3A_282 = arith.constant 0.000000e+00 : f32
      %ge3A_283 = vector.broadcast %ge3A_282 : f32 to vector<16xf32>
      %ge3A_284 = arith.cmpf oge, %add3A_281, %ge3A_283 : vector<16xf32>
      %mul3A_285 = arith.mulf %add3A_281, %get3A_39 : vector<16xf32>
      %select_n3A_286 = arith.select %ge3A_284, %add3A_281, %mul3A_285 : vector<16xi1>, vector<16xf32>
      %swap3A_287 = arith.index_cast %add3A_180 : i32 to index
      %swap3A_288 = arith.constant 80 : index
      %swap3A_289 = tpu.vector_load %arg16[%swap3A_287, %swap3A_288] {strides = array<i32>} : memref<80x128xf32, #tpu.memory_space<vmem>>, vector<1x16xf32>,
      %swap3A_290 = vector.shape_cast %swap3A_289 : vector<1x16xf32> to vector<16xf32>
      %swap3A_291 = vector.shape_cast %select_n3A_286 : vector<16xf32> to vector<1x16xf32>
      tpu.vector_store %arg16[%swap3A_287, %swap3A_288], %swap3A_291 {strides = array<i32>} : memref<80x128xf32, #tpu.memory_space<vmem>>, vector<1x16xf32>,
      %get3A_292 = arith.index_cast %add3A_180 : i32 to index
      %get3A_293 = arith.constant 96 : index
      %get3A_294 = tpu.vector_load %arg14[%get3A_292, %get3A_293] {strides = array<i32>} : memref<80x128xf32, #tpu.memory_space<vmem>>, vector<1x16xf32>,
      %get3A_295 = vector.shape_cast %get3A_294 : vector<1x16xf32> to vector<16xf32>
      %get3A_296 = arith.index_cast %add3A_180 : i32 to index
      %get3A_297 = arith.constant 96 : index
      %get3A_298 = tpu.vector_load %arg16[%get3A_296, %get3A_297] {strides = array<i32>} : memref<80x128xf32, #tpu.memory_space<vmem>>, vector<1x16xf32>,
      %get3A_299 = vector.shape_cast %get3A_298 : vector<1x16xf32> to vector<16xf32>
      %add3A_300 = arith.addf %get3A_295, %get3A_299 : vector<16xf32>
      %ge3A_301 = arith.constant 0.000000e+00 : f32
      %ge3A_302 = vector.broadcast %ge3A_301 : f32 to vector<16xf32>
      %ge3A_303 = arith.cmpf oge, %add3A_300, %ge3A_302 : vector<16xf32>
      %mul3A_304 = arith.mulf %add3A_300, %get3A_42 : vector<16xf32>
      %select_n3A_305 = arith.select %ge3A_303, %add3A_300, %mul3A_304 : vector<16xi1>, vector<16xf32>
      %swap3A_306 = arith.index_cast %add3A_180 : i32 to index
      %swap3A_307 = arith.constant 96 : index
      %swap3A_308 = tpu.vector_load %arg16[%swap3A_306, %swap3A_307] {strides = array<i32>} : memref<80x128xf32, #tpu.memory_space<vmem>>, vector<1x16xf32>,
      %swap3A_309 = vector.shape_cast %swap3A_308 : vector<1x16xf32> to vector<16xf32>
      %swap3A_310 = vector.shape_cast %select_n3A_305 : vector<16xf32> to vector<1x16xf32>
      tpu.vector_store %arg16[%swap3A_306, %swap3A_307], %swap3A_310 {strides = array<i32>} : memref<80x128xf32, #tpu.memory_space<vmem>>, vector<1x16xf32>,
      %get3A_311 = arith.index_cast %add3A_180 : i32 to index
      %get3A_312 = arith.constant 112 : index
      %get3A_313 = tpu.vector_load %arg14[%get3A_311, %get3A_312] {strides = array<i32>} : memref<80x128xf32, #tpu.memory_space<vmem>>, vector<1x16xf32>,
      %get3A_314 = vector.shape_cast %get3A_313 : vector<1x16xf32> to vector<16xf32>
      %get3A_315 = arith.index_cast %add3A_180 : i32 to index
      %get3A_316 = arith.constant 112 : index
      %get3A_317 = tpu.vector_load %arg16[%get3A_315, %get3A_316] {strides = array<i32>} : memref<80x128xf32, #tpu.memory_space<vmem>>, vector<1x16xf32>,
      %get3A_318 = vector.shape_cast %get3A_317 : vector<1x16xf32> to vector<16xf32>
      %add3A_319 = arith.addf %get3A_314, %get3A_318 : vector<16xf32>
      %ge3A_320 = arith.constant 0.000000e+00 : f32
      %ge3A_321 = vector.broadcast %ge3A_320 : f32 to vector<16xf32>
      %ge3A_322 = arith.cmpf oge, %add3A_319, %ge3A_321 : vector<16xf32>
      %mul3A_323 = arith.mulf %add3A_319, %get3A_45 : vector<16xf32>
      %select_n3A_324 = arith.select %ge3A_322, %add3A_319, %mul3A_323 : vector<16xi1>, vector<16xf32>
      %swap3A_325 = arith.index_cast %add3A_180 : i32 to index
      %swap3A_326 = arith.constant 112 : index
      %swap3A_327 = tpu.vector_load %arg16[%swap3A_325, %swap3A_326] {strides = array<i32>} : memref<80x128xf32, #tpu.memory_space<vmem>>, vector<1x16xf32>,
      %swap3A_328 = vector.shape_cast %swap3A_327 : vector<1x16xf32> to vector<16xf32>
      %swap3A_329 = vector.shape_cast %select_n3A_324 : vector<16xf32> to vector<1x16xf32>
      tpu.vector_store %arg16[%swap3A_325, %swap3A_326], %swap3A_329 {strides = array<i32>} : memref<80x128xf32, #tpu.memory_space<vmem>>, vector<1x16xf32>,
    }
    %scan3A_141 = arith.constant 80 : i32
    %dma_start3A_142 = arith.constant 0 : i32
    %dma_start3A_143 = tpu.memref_slice %arg7[%multiple_of3A_129, %dma_start3A_142] : memref<320000x128xf32, #tpu.memory_space<hbm>> -> memref<80x128xf32, #tpu.memory_space<hbm>>
    %dma_start3A_144 = arith.constant 0 : i32
    %dma_start3A_145 = tpu.memref_slice %arg7[%multiple_of3A_129, %dma_start3A_144] : memref<320000x128xf32, #tpu.memory_space<hbm>> -> memref<80x128xf32, #tpu.memory_space<hbm>>
    tpu.enqueue_dma source(%arg16 : memref<80x128xf32, #tpu.memory_space<vmem>>) target(%dma_start3A_145 : memref<80x128xf32, #tpu.memory_space<hbm>>) target_semaphore(%arg24 : memref<!tpu.dma_semaphore, #tpu.memory_space<semaphore_mem>>)
    "tpu.region"() ({
      %run_scoped3A = tpu.sem_alloc : memref<!tpu.dma_semaphore, #tpu.memory_space<semaphore_mem>>
      %dma_start3A_176 = arith.constant 0 : i32
      %dma_start3A_177 = arith.constant 0 : i32
      %dma_start3A_178 = tpu.memref_slice %arg18[%dma_start3A_176, %dma_start3A_177] : memref<10240x128xf32, #tpu.memory_space<vmem_shared>> -> memref<10240x128xf32, #tpu.memory_space<vmem_shared>>
      tpu.enqueue_indirect_dma source(%arg16 : memref<80x128xf32, #tpu.memory_space<vmem>>) target(%dma_start3A_178 : memref<10240x128xf32, #tpu.memory_space<vmem_shared>>) offsets(%arg12 : memref<80xi32, #tpu.memory_space<vmem>>) semaphore(%run_scoped3A : memref<!tpu.dma_semaphore, #tpu.memory_space<semaphore_mem>>) {add = true}
      %dma_wait3A_179 = arith.constant 0 : i32
      %dma_wait3A_180 = arith.constant 0 : i32
      %dma_wait3A_181 = tpu.memref_slice %arg18[%dma_wait3A_179, %dma_wait3A_180] : memref<10240x128xf32, #tpu.memory_space<vmem_shared>> -> memref<10240x128xf32, #tpu.memory_space<vmem_shared>>
      tpu.wait_indirect_dma semaphore(%run_scoped3A : memref<!tpu.dma_semaphore, #tpu.memory_space<semaphore_mem>>) src(%arg16 : memref<80x128xf32, #tpu.memory_space<vmem>>) dst(%dma_wait3A_181 : memref<10240x128xf32, #tpu.memory_space<vmem_shared>>)
      tpu.yield
    }) : () -> ()
    %dma_wait3A_146 = arith.constant 0 : i32
    %dma_wait3A_147 = tpu.memref_slice %arg7[%multiple_of3A_129, %dma_wait3A_146] : memref<320000x128xf32, #tpu.memory_space<hbm>> -> memref<80x128xf32, #tpu.memory_space<hbm>>
    %dma_wait3A_148 = arith.constant 0 : i32
    %dma_wait3A_149 = tpu.memref_slice %arg7[%multiple_of3A_129, %dma_wait3A_148] : memref<320000x128xf32, #tpu.memory_space<hbm>> -> memref<80x128xf32, #tpu.memory_space<hbm>>
    tpu.wait_dma2 semaphore(%arg24 : memref<!tpu.dma_semaphore, #tpu.memory_space<semaphore_mem>>) src(%arg16 : memref<80x128xf32, #tpu.memory_space<vmem>>) dst(%dma_wait3A_149 : memref<80x128xf32, #tpu.memory_space<hbm>>)
    %mul3A_150 = arith.constant 10000 : i32
    %mul3A_151 = arith.muli %add3A, %mul3A_150 : i32
    %add3A_152 = arith.constant 9920 : i32
    %add3A_153 = arith.addi %mul3A_151, %add3A_152 : i32
    %multiple_of3A_154 = tpu.assume_multiple %add3A_153, 8 : i32
    %dma_wait3A_155 = arith.constant 0 : i32
    %dma_wait3A_156 = tpu.memref_slice %arg5[%multiple_of3A_154, %dma_wait3A_155] : memref<320000x128xf32, #tpu.memory_space<hbm>> -> memref<80x128xf32, #tpu.memory_space<hbm>>
    %dma_wait3A_157 = arith.constant 0 : i32
    %dma_wait3A_158 = tpu.memref_slice %arg5[%multiple_of3A_154, %dma_wait3A_157] : memref<320000x128xf32, #tpu.memory_space<hbm>> -> memref<80x128xf32, #tpu.memory_space<hbm>>
    tpu.wait_dma2 semaphore(%arg21 : memref<!tpu.dma_semaphore, #tpu.memory_space<semaphore_mem>>) src(%dma_wait3A_158 : memref<80x128xf32, #tpu.memory_space<hbm>>) dst(%arg15 : memref<80x128xf32, #tpu.memory_space<vmem>>)
    %dma_wait3A_159 = arith.constant 0 : i32
    %dma_wait3A_160 = arith.constant 0 : i32
    %dma_wait3A_161 = tpu.memref_slice %arg4[%dma_wait3A_159, %dma_wait3A_160] : memref<10000x128xf32, #tpu.memory_space<hbm>> -> memref<10000x128xf32, #tpu.memory_space<hbm>>
    tpu.wait_indirect_dma semaphore(%arg19 : memref<!tpu.dma_semaphore, #tpu.memory_space<semaphore_mem>>) src(%dma_wait3A_161 : memref<10000x128xf32, #tpu.memory_space<hbm>>) dst(%arg13 : memref<80x128xf32, #tpu.memory_space<vmem>>)
    %scan3A_162 = arith.constant 0 : i32
    %scan3A_163 = arith.constant 80 : i32
    %scan3A_164 = arith.addi %scan3A_162, %scan3A_163 : i32
    %scan3A_165 = arith.constant 1 : i32
    scf.for %scan3A_176 = %scan3A_162 to %scan3A_164 step %scan3A_165  : i32 {
      %mul3A_177 = arith.constant 1 : i32
      %mul3A_178 = arith.muli %scan3A_176, %mul3A_177 : i32
      %add3A_179 = arith.constant 0 : i32
      %add3A_180 = arith.addi %add3A_179, %mul3A_178 : i32
      %get3A_181 = arith.index_cast %add3A_180 : i32 to index
      %get3A_182 = arith.constant 0 : index
      %get3A_183 = tpu.vector_load %arg13[%get3A_181, %get3A_182] {strides = array<i32>} : memref<80x128xf32, #tpu.memory_space<vmem>>, vector<1x16xf32>,
      %get3A_184 = vector.shape_cast %get3A_183 : vector<1x16xf32> to vector<16xf32>
      %get3A_185 = arith.index_cast %add3A_180 : i32 to index
      %get3A_186 = arith.constant 0 : index
      %get3A_187 = tpu.vector_load %arg15[%get3A_185, %get3A_186] {strides = array<i32>} : memref<80x128xf32, #tpu.memory_space<vmem>>, vector<1x16xf32>,
      %get3A_188 = vector.shape_cast %get3A_187 : vector<1x16xf32> to vector<16xf32>
      %add3A_189 = arith.addf %get3A_184, %get3A_188 : vector<16xf32>
      %ge3A = arith.constant 0.000000e+00 : f32
      %ge3A_190 = vector.broadcast %ge3A : f32 to vector<16xf32>
      %ge3A_191 = arith.cmpf oge, %add3A_189, %ge3A_190 : vector<16xf32>
      %mul3A_192 = arith.mulf %add3A_189, %get3A_24 : vector<16xf32>
      %select_n3A = arith.select %ge3A_191, %add3A_189, %mul3A_192 : vector<16xi1>, vector<16xf32>
      %swap3A = arith.index_cast %add3A_180 : i32 to index
      %swap3A_193 = arith.constant 0 : index
      %swap3A_194 = tpu.vector_load %arg15[%swap3A, %swap3A_193] {strides = array<i32>} : memref<80x128xf32, #tpu.memory_space<vmem>>, vector<1x16xf32>,
      %swap3A_195 = vector.shape_cast %swap3A_194 : vector<1x16xf32> to vector<16xf32>
      %swap3A_196 = vector.shape_cast %select_n3A : vector<16xf32> to vector<1x16xf32>
      tpu.vector_store %arg15[%swap3A, %swap3A_193], %swap3A_196 {strides = array<i32>} : memref<80x128xf32, #tpu.memory_space<vmem>>, vector<1x16xf32>,
      %get3A_197 = arith.index_cast %add3A_180 : i32 to index
      %get3A_198 = arith.constant 16 : index
      %get3A_199 = tpu.vector_load %arg13[%get3A_197, %get3A_198] {strides = array<i32>} : memref<80x128xf32, #tpu.memory_space<vmem>>, vector<1x16xf32>,
      %get3A_200 = vector.shape_cast %get3A_199 : vector<1x16xf32> to vector<16xf32>
      %get3A_201 = arith.index_cast %add3A_180 : i32 to index
      %get3A_202 = arith.constant 16 : index
      %get3A_203 = tpu.vector_load %arg15[%get3A_201, %get3A_202] {strides = array<i32>} : memref<80x128xf32, #tpu.memory_space<vmem>>, vector<1x16xf32>,
      %get3A_204 = vector.shape_cast %get3A_203 : vector<1x16xf32> to vector<16xf32>
      %add3A_205 = arith.addf %get3A_200, %get3A_204 : vector<16xf32>
      %ge3A_206 = arith.constant 0.000000e+00 : f32
      %ge3A_207 = vector.broadcast %ge3A_206 : f32 to vector<16xf32>
      %ge3A_208 = arith.cmpf oge, %add3A_205, %ge3A_207 : vector<16xf32>
      %mul3A_209 = arith.mulf %add3A_205, %get3A_27 : vector<16xf32>
      %select_n3A_210 = arith.select %ge3A_208, %add3A_205, %mul3A_209 : vector<16xi1>, vector<16xf32>
      %swap3A_211 = arith.index_cast %add3A_180 : i32 to index
      %swap3A_212 = arith.constant 16 : index
      %swap3A_213 = tpu.vector_load %arg15[%swap3A_211, %swap3A_212] {strides = array<i32>} : memref<80x128xf32, #tpu.memory_space<vmem>>, vector<1x16xf32>,
      %swap3A_214 = vector.shape_cast %swap3A_213 : vector<1x16xf32> to vector<16xf32>
      %swap3A_215 = vector.shape_cast %select_n3A_210 : vector<16xf32> to vector<1x16xf32>
      tpu.vector_store %arg15[%swap3A_211, %swap3A_212], %swap3A_215 {strides = array<i32>} : memref<80x128xf32, #tpu.memory_space<vmem>>, vector<1x16xf32>,
      %get3A_216 = arith.index_cast %add3A_180 : i32 to index
      %get3A_217 = arith.constant 32 : index
      %get3A_218 = tpu.vector_load %arg13[%get3A_216, %get3A_217] {strides = array<i32>} : memref<80x128xf32, #tpu.memory_space<vmem>>, vector<1x16xf32>,
      %get3A_219 = vector.shape_cast %get3A_218 : vector<1x16xf32> to vector<16xf32>
      %get3A_220 = arith.index_cast %add3A_180 : i32 to index
      %get3A_221 = arith.constant 32 : index
      %get3A_222 = tpu.vector_load %arg15[%get3A_220, %get3A_221] {strides = array<i32>} : memref<80x128xf32, #tpu.memory_space<vmem>>, vector<1x16xf32>,
      %get3A_223 = vector.shape_cast %get3A_222 : vector<1x16xf32> to vector<16xf32>
      %add3A_224 = arith.addf %get3A_219, %get3A_223 : vector<16xf32>
      %ge3A_225 = arith.constant 0.000000e+00 : f32
      %ge3A_226 = vector.broadcast %ge3A_225 : f32 to vector<16xf32>
      %ge3A_227 = arith.cmpf oge, %add3A_224, %ge3A_226 : vector<16xf32>
      %mul3A_228 = arith.mulf %add3A_224, %get3A_30 : vector<16xf32>
      %select_n3A_229 = arith.select %ge3A_227, %add3A_224, %mul3A_228 : vector<16xi1>, vector<16xf32>
      %swap3A_230 = arith.index_cast %add3A_180 : i32 to index
      %swap3A_231 = arith.constant 32 : index
      %swap3A_232 = tpu.vector_load %arg15[%swap3A_230, %swap3A_231] {strides = array<i32>} : memref<80x128xf32, #tpu.memory_space<vmem>>, vector<1x16xf32>,
      %swap3A_233 = vector.shape_cast %swap3A_232 : vector<1x16xf32> to vector<16xf32>
      %swap3A_234 = vector.shape_cast %select_n3A_229 : vector<16xf32> to vector<1x16xf32>
      tpu.vector_store %arg15[%swap3A_230, %swap3A_231], %swap3A_234 {strides = array<i32>} : memref<80x128xf32, #tpu.memory_space<vmem>>, vector<1x16xf32>,
      %get3A_235 = arith.index_cast %add3A_180 : i32 to index
      %get3A_236 = arith.constant 48 : index
      %get3A_237 = tpu.vector_load %arg13[%get3A_235, %get3A_236] {strides = array<i32>} : memref<80x128xf32, #tpu.memory_space<vmem>>, vector<1x16xf32>,
      %get3A_238 = vector.shape_cast %get3A_237 : vector<1x16xf32> to vector<16xf32>
      %get3A_239 = arith.index_cast %add3A_180 : i32 to index
      %get3A_240 = arith.constant 48 : index
      %get3A_241 = tpu.vector_load %arg15[%get3A_239, %get3A_240] {strides = array<i32>} : memref<80x128xf32, #tpu.memory_space<vmem>>, vector<1x16xf32>,
      %get3A_242 = vector.shape_cast %get3A_241 : vector<1x16xf32> to vector<16xf32>
      %add3A_243 = arith.addf %get3A_238, %get3A_242 : vector<16xf32>
      %ge3A_244 = arith.constant 0.000000e+00 : f32
      %ge3A_245 = vector.broadcast %ge3A_244 : f32 to vector<16xf32>
      %ge3A_246 = arith.cmpf oge, %add3A_243, %ge3A_245 : vector<16xf32>
      %mul3A_247 = arith.mulf %add3A_243, %get3A_33 : vector<16xf32>
      %select_n3A_248 = arith.select %ge3A_246, %add3A_243, %mul3A_247 : vector<16xi1>, vector<16xf32>
      %swap3A_249 = arith.index_cast %add3A_180 : i32 to index
      %swap3A_250 = arith.constant 48 : index
      %swap3A_251 = tpu.vector_load %arg15[%swap3A_249, %swap3A_250] {strides = array<i32>} : memref<80x128xf32, #tpu.memory_space<vmem>>, vector<1x16xf32>,
      %swap3A_252 = vector.shape_cast %swap3A_251 : vector<1x16xf32> to vector<16xf32>
      %swap3A_253 = vector.shape_cast %select_n3A_248 : vector<16xf32> to vector<1x16xf32>
      tpu.vector_store %arg15[%swap3A_249, %swap3A_250], %swap3A_253 {strides = array<i32>} : memref<80x128xf32, #tpu.memory_space<vmem>>, vector<1x16xf32>,
      %get3A_254 = arith.index_cast %add3A_180 : i32 to index
      %get3A_255 = arith.constant 64 : index
      %get3A_256 = tpu.vector_load %arg13[%get3A_254, %get3A_255] {strides = array<i32>} : memref<80x128xf32, #tpu.memory_space<vmem>>, vector<1x16xf32>,
      %get3A_257 = vector.shape_cast %get3A_256 : vector<1x16xf32> to vector<16xf32>
      %get3A_258 = arith.index_cast %add3A_180 : i32 to index
      %get3A_259 = arith.constant 64 : index
      %get3A_260 = tpu.vector_load %arg15[%get3A_258, %get3A_259] {strides = array<i32>} : memref<80x128xf32, #tpu.memory_space<vmem>>, vector<1x16xf32>,
      %get3A_261 = vector.shape_cast %get3A_260 : vector<1x16xf32> to vector<16xf32>
      %add3A_262 = arith.addf %get3A_257, %get3A_261 : vector<16xf32>
      %ge3A_263 = arith.constant 0.000000e+00 : f32
      %ge3A_264 = vector.broadcast %ge3A_263 : f32 to vector<16xf32>
      %ge3A_265 = arith.cmpf oge, %add3A_262, %ge3A_264 : vector<16xf32>
      %mul3A_266 = arith.mulf %add3A_262, %get3A_36 : vector<16xf32>
      %select_n3A_267 = arith.select %ge3A_265, %add3A_262, %mul3A_266 : vector<16xi1>, vector<16xf32>
      %swap3A_268 = arith.index_cast %add3A_180 : i32 to index
      %swap3A_269 = arith.constant 64 : index
      %swap3A_270 = tpu.vector_load %arg15[%swap3A_268, %swap3A_269] {strides = array<i32>} : memref<80x128xf32, #tpu.memory_space<vmem>>, vector<1x16xf32>,
      %swap3A_271 = vector.shape_cast %swap3A_270 : vector<1x16xf32> to vector<16xf32>
      %swap3A_272 = vector.shape_cast %select_n3A_267 : vector<16xf32> to vector<1x16xf32>
      tpu.vector_store %arg15[%swap3A_268, %swap3A_269], %swap3A_272 {strides = array<i32>} : memref<80x128xf32, #tpu.memory_space<vmem>>, vector<1x16xf32>,
      %get3A_273 = arith.index_cast %add3A_180 : i32 to index
      %get3A_274 = arith.constant 80 : index
      %get3A_275 = tpu.vector_load %arg13[%get3A_273, %get3A_274] {strides = array<i32>} : memref<80x128xf32, #tpu.memory_space<vmem>>, vector<1x16xf32>,
      %get3A_276 = vector.shape_cast %get3A_275 : vector<1x16xf32> to vector<16xf32>
      %get3A_277 = arith.index_cast %add3A_180 : i32 to index
      %get3A_278 = arith.constant 80 : index
      %get3A_279 = tpu.vector_load %arg15[%get3A_277, %get3A_278] {strides = array<i32>} : memref<80x128xf32, #tpu.memory_space<vmem>>, vector<1x16xf32>,
      %get3A_280 = vector.shape_cast %get3A_279 : vector<1x16xf32> to vector<16xf32>
      %add3A_281 = arith.addf %get3A_276, %get3A_280 : vector<16xf32>
      %ge3A_282 = arith.constant 0.000000e+00 : f32
      %ge3A_283 = vector.broadcast %ge3A_282 : f32 to vector<16xf32>
      %ge3A_284 = arith.cmpf oge, %add3A_281, %ge3A_283 : vector<16xf32>
      %mul3A_285 = arith.mulf %add3A_281, %get3A_39 : vector<16xf32>
      %select_n3A_286 = arith.select %ge3A_284, %add3A_281, %mul3A_285 : vector<16xi1>, vector<16xf32>
      %swap3A_287 = arith.index_cast %add3A_180 : i32 to index
      %swap3A_288 = arith.constant 80 : index
      %swap3A_289 = tpu.vector_load %arg15[%swap3A_287, %swap3A_288] {strides = array<i32>} : memref<80x128xf32, #tpu.memory_space<vmem>>, vector<1x16xf32>,
      %swap3A_290 = vector.shape_cast %swap3A_289 : vector<1x16xf32> to vector<16xf32>
      %swap3A_291 = vector.shape_cast %select_n3A_286 : vector<16xf32> to vector<1x16xf32>
      tpu.vector_store %arg15[%swap3A_287, %swap3A_288], %swap3A_291 {strides = array<i32>} : memref<80x128xf32, #tpu.memory_space<vmem>>, vector<1x16xf32>,
      %get3A_292 = arith.index_cast %add3A_180 : i32 to index
      %get3A_293 = arith.constant 96 : index
      %get3A_294 = tpu.vector_load %arg13[%get3A_292, %get3A_293] {strides = array<i32>} : memref<80x128xf32, #tpu.memory_space<vmem>>, vector<1x16xf32>,
      %get3A_295 = vector.shape_cast %get3A_294 : vector<1x16xf32> to vector<16xf32>
      %get3A_296 = arith.index_cast %add3A_180 : i32 to index
      %get3A_297 = arith.constant 96 : index
      %get3A_298 = tpu.vector_load %arg15[%get3A_296, %get3A_297] {strides = array<i32>} : memref<80x128xf32, #tpu.memory_space<vmem>>, vector<1x16xf32>,
      %get3A_299 = vector.shape_cast %get3A_298 : vector<1x16xf32> to vector<16xf32>
      %add3A_300 = arith.addf %get3A_295, %get3A_299 : vector<16xf32>
      %ge3A_301 = arith.constant 0.000000e+00 : f32
      %ge3A_302 = vector.broadcast %ge3A_301 : f32 to vector<16xf32>
      %ge3A_303 = arith.cmpf oge, %add3A_300, %ge3A_302 : vector<16xf32>
      %mul3A_304 = arith.mulf %add3A_300, %get3A_42 : vector<16xf32>
      %select_n3A_305 = arith.select %ge3A_303, %add3A_300, %mul3A_304 : vector<16xi1>, vector<16xf32>
      %swap3A_306 = arith.index_cast %add3A_180 : i32 to index
      %swap3A_307 = arith.constant 96 : index
      %swap3A_308 = tpu.vector_load %arg15[%swap3A_306, %swap3A_307] {strides = array<i32>} : memref<80x128xf32, #tpu.memory_space<vmem>>, vector<1x16xf32>,
      %swap3A_309 = vector.shape_cast %swap3A_308 : vector<1x16xf32> to vector<16xf32>
      %swap3A_310 = vector.shape_cast %select_n3A_305 : vector<16xf32> to vector<1x16xf32>
      tpu.vector_store %arg15[%swap3A_306, %swap3A_307], %swap3A_310 {strides = array<i32>} : memref<80x128xf32, #tpu.memory_space<vmem>>, vector<1x16xf32>,
      %get3A_311 = arith.index_cast %add3A_180 : i32 to index
      %get3A_312 = arith.constant 112 : index
      %get3A_313 = tpu.vector_load %arg13[%get3A_311, %get3A_312] {strides = array<i32>} : memref<80x128xf32, #tpu.memory_space<vmem>>, vector<1x16xf32>,
      %get3A_314 = vector.shape_cast %get3A_313 : vector<1x16xf32> to vector<16xf32>
      %get3A_315 = arith.index_cast %add3A_180 : i32 to index
      %get3A_316 = arith.constant 112 : index
      %get3A_317 = tpu.vector_load %arg15[%get3A_315, %get3A_316] {strides = array<i32>} : memref<80x128xf32, #tpu.memory_space<vmem>>, vector<1x16xf32>,
      %get3A_318 = vector.shape_cast %get3A_317 : vector<1x16xf32> to vector<16xf32>
      %add3A_319 = arith.addf %get3A_314, %get3A_318 : vector<16xf32>
      %ge3A_320 = arith.constant 0.000000e+00 : f32
      %ge3A_321 = vector.broadcast %ge3A_320 : f32 to vector<16xf32>
      %ge3A_322 = arith.cmpf oge, %add3A_319, %ge3A_321 : vector<16xf32>
      %mul3A_323 = arith.mulf %add3A_319, %get3A_45 : vector<16xf32>
      %select_n3A_324 = arith.select %ge3A_322, %add3A_319, %mul3A_323 : vector<16xi1>, vector<16xf32>
      %swap3A_325 = arith.index_cast %add3A_180 : i32 to index
      %swap3A_326 = arith.constant 112 : index
      %swap3A_327 = tpu.vector_load %arg15[%swap3A_325, %swap3A_326] {strides = array<i32>} : memref<80x128xf32, #tpu.memory_space<vmem>>, vector<1x16xf32>,
      %swap3A_328 = vector.shape_cast %swap3A_327 : vector<1x16xf32> to vector<16xf32>
      %swap3A_329 = vector.shape_cast %select_n3A_324 : vector<16xf32> to vector<1x16xf32>
      tpu.vector_store %arg15[%swap3A_325, %swap3A_326], %swap3A_329 {strides = array<i32>} : memref<80x128xf32, #tpu.memory_space<vmem>>, vector<1x16xf32>,
    }
    %scan3A_166 = arith.constant 80 : i32
    %dma_start3A_167 = arith.constant 0 : i32
    %dma_start3A_168 = tpu.memref_slice %arg7[%multiple_of3A_154, %dma_start3A_167] : memref<320000x128xf32, #tpu.memory_space<hbm>> -> memref<80x128xf32, #tpu.memory_space<hbm>>
    %dma_start3A_169 = arith.constant 0 : i32
    %dma_start3A_170 = tpu.memref_slice %arg7[%multiple_of3A_154, %dma_start3A_169] : memref<320000x128xf32, #tpu.memory_space<hbm>> -> memref<80x128xf32, #tpu.memory_space<hbm>>
    tpu.enqueue_dma source(%arg15 : memref<80x128xf32, #tpu.memory_space<vmem>>) target(%dma_start3A_170 : memref<80x128xf32, #tpu.memory_space<hbm>>) target_semaphore(%arg23 : memref<!tpu.dma_semaphore, #tpu.memory_space<semaphore_mem>>)
    "tpu.region"() ({
      %run_scoped3A = tpu.sem_alloc : memref<!tpu.dma_semaphore, #tpu.memory_space<semaphore_mem>>
      %dma_start3A_176 = arith.constant 0 : i32
      %dma_start3A_177 = arith.constant 0 : i32
      %dma_start3A_178 = tpu.memref_slice %arg18[%dma_start3A_176, %dma_start3A_177] : memref<10240x128xf32, #tpu.memory_space<vmem_shared>> -> memref<10240x128xf32, #tpu.memory_space<vmem_shared>>
      tpu.enqueue_indirect_dma source(%arg15 : memref<80x128xf32, #tpu.memory_space<vmem>>) target(%dma_start3A_178 : memref<10240x128xf32, #tpu.memory_space<vmem_shared>>) offsets(%arg11 : memref<80xi32, #tpu.memory_space<vmem>>) semaphore(%run_scoped3A : memref<!tpu.dma_semaphore, #tpu.memory_space<semaphore_mem>>) {add = true}
      %dma_wait3A_179 = arith.constant 0 : i32
      %dma_wait3A_180 = arith.constant 0 : i32
      %dma_wait3A_181 = tpu.memref_slice %arg18[%dma_wait3A_179, %dma_wait3A_180] : memref<10240x128xf32, #tpu.memory_space<vmem_shared>> -> memref<10240x128xf32, #tpu.memory_space<vmem_shared>>
      tpu.wait_indirect_dma semaphore(%run_scoped3A : memref<!tpu.dma_semaphore, #tpu.memory_space<semaphore_mem>>) src(%arg15 : memref<80x128xf32, #tpu.memory_space<vmem>>) dst(%dma_wait3A_181 : memref<10240x128xf32, #tpu.memory_space<vmem_shared>>)
      tpu.yield
    }) : () -> ()
    %dma_wait3A_171 = arith.constant 0 : i32
    %dma_wait3A_172 = tpu.memref_slice %arg7[%multiple_of3A_154, %dma_wait3A_171] : memref<320000x128xf32, #tpu.memory_space<hbm>> -> memref<80x128xf32, #tpu.memory_space<hbm>>
    %dma_wait3A_173 = arith.constant 0 : i32
    %dma_wait3A_174 = tpu.memref_slice %arg7[%multiple_of3A_154, %dma_wait3A_173] : memref<320000x128xf32, #tpu.memory_space<hbm>> -> memref<80x128xf32, #tpu.memory_space<hbm>>
    tpu.wait_dma2 semaphore(%arg23 : memref<!tpu.dma_semaphore, #tpu.memory_space<semaphore_mem>>) src(%arg15 : memref<80x128xf32, #tpu.memory_space<vmem>>) dst(%dma_wait3A_174 : memref<80x128xf32, #tpu.memory_space<hbm>>)
    %barrier3A_175 = arith.constant 0 : index
    tpu.barrier barrier_id(%barrier3A_175)
    "tpu.region"() ({
      %run_scoped3A = tpu.sem_alloc : memref<!tpu.dma_semaphore, #tpu.memory_space<semaphore_mem>>
      %dma_start3A_176 = arith.constant 0 : i32
      %dma_start3A_177 = tpu.memref_slice %arg8[%arg0, %multiple_of3A, %dma_start3A_176] : memref<2x10240x128xf32, #tpu.memory_space<hbm>> -> memref<1x640x128xf32, #tpu.memory_space<hbm>>
      %dma_start3A_178 = tpu.memref_squeeze %dma_start3A_177 : memref<1x640x128xf32, #tpu.memory_space<hbm>> -> memref<640x128xf32, #tpu.memory_space<hbm>>
      %dma_start3A_179 = arith.constant 0 : i32
      %dma_start3A_180 = tpu.memref_slice %arg18[%multiple_of3A, %dma_start3A_179] : memref<10240x128xf32, #tpu.memory_space<vmem_shared>> -> memref<640x128xf32, #tpu.memory_space<vmem_shared>>
      tpu.enqueue_dma source(%dma_start3A_180 : memref<640x128xf32, #tpu.memory_space<vmem_shared>>) target(%dma_start3A_178 : memref<640x128xf32, #tpu.memory_space<hbm>>) target_semaphore(%run_scoped3A : memref<!tpu.dma_semaphore, #tpu.memory_space<semaphore_mem>>)
      %dma_wait3A_181 = arith.constant 0 : i32
      %dma_wait3A_182 = tpu.memref_slice %arg8[%arg0, %multiple_of3A, %dma_wait3A_181] : memref<2x10240x128xf32, #tpu.memory_space<hbm>> -> memref<1x640x128xf32, #tpu.memory_space<hbm>>
      %dma_wait3A_183 = tpu.memref_squeeze %dma_wait3A_182 : memref<1x640x128xf32, #tpu.memory_space<hbm>> -> memref<640x128xf32, #tpu.memory_space<hbm>>
      %dma_wait3A_184 = arith.constant 0 : i32
      %dma_wait3A_185 = tpu.memref_slice %arg18[%multiple_of3A, %dma_wait3A_184] : memref<10240x128xf32, #tpu.memory_space<vmem_shared>> -> memref<640x128xf32, #tpu.memory_space<vmem_shared>>
      tpu.wait_dma2 semaphore(%run_scoped3A : memref<!tpu.dma_semaphore, #tpu.memory_space<semaphore_mem>>) src(%dma_wait3A_185 : memref<640x128xf32, #tpu.memory_space<vmem_shared>>) dst(%dma_wait3A_183 : memref<640x128xf32, #tpu.memory_space<hbm>>)
      tpu.yield
    }) : () -> ()
    return
  }
}

module attributes {stable_mosaic.version = 14 : i64} {
  func.func @_matmul_body(%arg0: i32, %arg1: memref<4000x16xf32, #tpu.memory_space<vmem>>, %arg2: memref<16x128xf32, #tpu.memory_space<vmem>>, %arg3: memref<4000x128xf32, #tpu.memory_space<vmem>>) attributes {dimension_semantics = [#tpu.dimension_semantics<arbitrary>], iteration_bounds = array<i64: 80>, scalar_prefetch = 0 : i64, scratch_operands = 0 : i64, tpu.core_type = #tpu.core_type<tc>, window_params = [{transform_indices = @transform_0, window_bounds = array<i64: 4000, 16>}, {pipeline_mode = #tpu.pipeline_mode<synchronous>, transform_indices = @transform_1, window_bounds = array<i64: 16, 128>}, {transform_indices = @transform_2, window_bounds = array<i64: 4000, 128>}]} {
    %get3A = arith.constant 0 : index
    %get3A_0 = arith.constant 0 : index
    %get3A_1 = vector.load %arg1[%get3A, %get3A_0] : memref<4000x16xf32, #tpu.memory_space<vmem>>, vector<4000x16xf32>
    %get3A_2 = arith.constant 0 : index
    %get3A_3 = arith.constant 0 : index
    %get3A_4 = vector.load %arg2[%get3A_2, %get3A_3] : memref<16x128xf32, #tpu.memory_space<vmem>>, vector<16x128xf32>
    %dot_general3A = arith.constant dense<0.000000e+00> : vector<4000x128xf32>
    %dot_general3A_5 = tpu.matmul %get3A_1, %get3A_4, %dot_general3A {dimension_numbers = #tpu.dot_dimension_numbers<[1], [0], [0], [1], [0, 0, 1, 1], [], []>, transpose_lhs_hint = false} : vector<4000x16xf32>, vector<16x128xf32>, vector<4000x128xf32> -> vector<4000x128xf32>
    %swap3A = arith.constant 0 : index
    %swap3A_6 = arith.constant 0 : index
    %swap3A_7 = vector.load %arg3[%swap3A, %swap3A_6] : memref<4000x128xf32, #tpu.memory_space<vmem>>, vector<4000x128xf32>
    tpu.vector_store %arg3[%swap3A, %swap3A_6], %dot_general3A_5 {strides = array<i32>} : memref<4000x128xf32, #tpu.memory_space<vmem>>, vector<4000x128xf32>,
    return
  }
  func.func @transform_0(%arg0: i32) -> (i32, i32) {
    %c0_i32 = arith.constant 0 : i32
    %c0_i32_0 = arith.constant 0 : i32
    return %arg0, %c0_i32 : i32, i32
  }
  func.func @transform_1(%arg0: i32) -> (i32, i32) {
    %c0_i32 = arith.constant 0 : i32
    %c0_i32_0 = arith.constant 0 : i32
    %c0_i32_1 = arith.constant 0 : i32
    return %c0_i32, %c0_i32_0 : i32, i32
  }
  func.func @transform_2(%arg0: i32) -> (i32, i32) {
    %c0_i32 = arith.constant 0 : i32
    %c0_i32_0 = arith.constant 0 : i32
    return %arg0, %c0_i32 : i32, i32
  }
}

module attributes {stable_mosaic.version = 14 : i64} {
  func.func @_matmul_body(%arg0: i32, %arg1: memref<2000x128xf32, #tpu.memory_space<vmem>>, %arg2: memref<128x128xf32, #tpu.memory_space<vmem>>, %arg3: memref<2000x128xf32, #tpu.memory_space<vmem>>) attributes {dimension_semantics = [#tpu.dimension_semantics<arbitrary>], iteration_bounds = array<i64: 5>, scalar_prefetch = 0 : i64, scratch_operands = 0 : i64, tpu.core_type = #tpu.core_type<tc>, window_params = [{transform_indices = @transform_0, window_bounds = array<i64: 2000, 128>}, {pipeline_mode = #tpu.pipeline_mode<synchronous>, transform_indices = @transform_1, window_bounds = array<i64: 128, 128>}, {transform_indices = @transform_2, window_bounds = array<i64: 2000, 128>}]} {
    %get3A = arith.constant 0 : index
    %get3A_0 = arith.constant 0 : index
    %get3A_1 = vector.load %arg1[%get3A, %get3A_0] : memref<2000x128xf32, #tpu.memory_space<vmem>>, vector<2000x128xf32>
    %get3A_2 = arith.constant 0 : index
    %get3A_3 = arith.constant 0 : index
    %get3A_4 = vector.load %arg2[%get3A_2, %get3A_3] : memref<128x128xf32, #tpu.memory_space<vmem>>, vector<128x128xf32>
    %dot_general3A = arith.constant dense<0.000000e+00> : vector<2000x128xf32>
    %dot_general3A_5 = tpu.matmul %get3A_1, %get3A_4, %dot_general3A {dimension_numbers = #tpu.dot_dimension_numbers<[1], [0], [0], [1], [0, 0, 1, 1], [], []>, transpose_lhs_hint = false} : vector<2000x128xf32>, vector<128x128xf32>, vector<2000x128xf32> -> vector<2000x128xf32>
    %swap3A = arith.constant 0 : index
    %swap3A_6 = arith.constant 0 : index
    %swap3A_7 = vector.load %arg3[%swap3A, %swap3A_6] : memref<2000x128xf32, #tpu.memory_space<vmem>>, vector<2000x128xf32>
    tpu.vector_store %arg3[%swap3A, %swap3A_6], %dot_general3A_5 {strides = array<i32>} : memref<2000x128xf32, #tpu.memory_space<vmem>>, vector<2000x128xf32>,
    return
  }
  func.func @transform_0(%arg0: i32) -> (i32, i32) {
    %c0_i32 = arith.constant 0 : i32
    %c0_i32_0 = arith.constant 0 : i32
    return %arg0, %c0_i32 : i32, i32
  }
  func.func @transform_1(%arg0: i32) -> (i32, i32) {
    %c0_i32 = arith.constant 0 : i32
    %c0_i32_0 = arith.constant 0 : i32
    %c0_i32_1 = arith.constant 0 : i32
    return %c0_i32, %c0_i32_0 : i32, i32
  }
  func.func @transform_2(%arg0: i32) -> (i32, i32) {
    %c0_i32 = arith.constant 0 : i32
    %c0_i32_0 = arith.constant 0 : i32
    return %arg0, %c0_i32 : i32, i32
  }
}

module attributes {stable_mosaic.version = 14 : i64} {
  func.func @_node_mlp_body(%arg0: i32, %arg1: memref<2000x128xf32, #tpu.memory_space<vmem>>, %arg2: memref<2000x128xf32, #tpu.memory_space<vmem>>, %arg3: memref<2000x128xf32, #tpu.memory_space<vmem>>, %arg4: memref<128x128xf32, #tpu.memory_space<vmem>>, %arg5: memref<128x128xf32, #tpu.memory_space<vmem>>, %arg6: memref<1x128xf32, #tpu.memory_space<vmem>>, %arg7: memref<2000x128xf32, #tpu.memory_space<vmem>>) attributes {dimension_semantics = [#tpu.dimension_semantics<arbitrary>], iteration_bounds = array<i64: 5>, scalar_prefetch = 0 : i64, scratch_operands = 0 : i64, tpu.core_type = #tpu.core_type<tc>, window_params = [{transform_indices = @transform_0, window_bounds = array<i64: 2000, 128>}, {transform_indices = @transform_1, window_bounds = array<i64: 2000, 128>}, {transform_indices = @transform_2, window_bounds = array<i64: 2000, 128>}, {pipeline_mode = #tpu.pipeline_mode<synchronous>, transform_indices = @transform_3, window_bounds = array<i64: 128, 128>}, {pipeline_mode = #tpu.pipeline_mode<synchronous>, transform_indices = @transform_4, window_bounds = array<i64: 128, 128>}, {pipeline_mode = #tpu.pipeline_mode<synchronous>, transform_indices = @transform_5, window_bounds = array<i64: 1, 128>}, {transform_indices = @transform_6, window_bounds = array<i64: 2000, 128>}]} {
    %get3A = arith.constant 0 : index
    %get3A_0 = arith.constant 0 : index
    %get3A_1 = vector.load %arg1[%get3A, %get3A_0] : memref<2000x128xf32, #tpu.memory_space<vmem>>, vector<2000x128xf32>
    %get3A_2 = arith.constant 0 : index
    %get3A_3 = arith.constant 0 : index
    %get3A_4 = vector.load %arg2[%get3A_2, %get3A_3] : memref<2000x128xf32, #tpu.memory_space<vmem>>, vector<2000x128xf32>
    %add3A = arith.addf %get3A_1, %get3A_4 : vector<2000x128xf32>
    %get3A_5 = arith.constant 0 : index
    %get3A_6 = arith.constant 0 : index
    %get3A_7 = vector.load %arg4[%get3A_5, %get3A_6] : memref<128x128xf32, #tpu.memory_space<vmem>>, vector<128x128xf32>
    %dot_general3A = arith.constant dense<0.000000e+00> : vector<2000x128xf32>
    %dot_general3A_8 = tpu.matmul %add3A, %get3A_7, %dot_general3A {dimension_numbers = #tpu.dot_dimension_numbers<[1], [0], [0], [1], [0, 0, 1, 1], [], []>, transpose_lhs_hint = false} : vector<2000x128xf32>, vector<128x128xf32>, vector<2000x128xf32> -> vector<2000x128xf32>
    %get3A_9 = arith.constant 0 : index
    %get3A_10 = arith.constant 0 : index
    %get3A_11 = vector.load %arg3[%get3A_9, %get3A_10] : memref<2000x128xf32, #tpu.memory_space<vmem>>, vector<2000x128xf32>
    %get3A_12 = arith.constant 0 : index
    %get3A_13 = arith.constant 0 : index
    %get3A_14 = vector.load %arg5[%get3A_12, %get3A_13] : memref<128x128xf32, #tpu.memory_space<vmem>>, vector<128x128xf32>
    %dot_general3A_15 = arith.constant dense<0.000000e+00> : vector<2000x128xf32>
    %dot_general3A_16 = tpu.matmul %get3A_11, %get3A_14, %dot_general3A_15 {dimension_numbers = #tpu.dot_dimension_numbers<[1], [0], [0], [1], [0, 0, 1, 1], [], []>, transpose_lhs_hint = false} : vector<2000x128xf32>, vector<128x128xf32>, vector<2000x128xf32> -> vector<2000x128xf32>
    %add3A_17 = arith.addf %dot_general3A_8, %dot_general3A_16 : vector<2000x128xf32>
    %get3A_18 = arith.constant 0 : index
    %get3A_19 = arith.constant 0 : index
    %get3A_20 = vector.load %arg6[%get3A_18, %get3A_19] : memref<1x128xf32, #tpu.memory_space<vmem>>, vector<1x128xf32>
    %ge3A = arith.constant 0.000000e+00 : f32
    %ge3A_21 = vector.broadcast %ge3A : f32 to vector<2000x128xf32>
    %ge3A_22 = arith.cmpf oge, %add3A_17, %ge3A_21 : vector<2000x128xf32>
    %mul3A = vector.broadcast %get3A_20 : vector<1x128xf32> to vector<2000x128xf32>
    %mul3A_23 = arith.mulf %add3A_17, %mul3A : vector<2000x128xf32>
    %select_n3A = arith.select %ge3A_22, %add3A_17, %mul3A_23 : vector<2000x128xi1>, vector<2000x128xf32>
    %swap3A = arith.constant 0 : index
    %swap3A_24 = arith.constant 0 : index
    %swap3A_25 = vector.load %arg7[%swap3A, %swap3A_24] : memref<2000x128xf32, #tpu.memory_space<vmem>>, vector<2000x128xf32>
    tpu.vector_store %arg7[%swap3A, %swap3A_24], %select_n3A {strides = array<i32>} : memref<2000x128xf32, #tpu.memory_space<vmem>>, vector<2000x128xf32>,
    return
  }
  func.func @transform_0(%arg0: i32) -> (i32, i32) {
    %c0_i32 = arith.constant 0 : i32
    %c0_i32_0 = arith.constant 0 : i32
    return %arg0, %c0_i32 : i32, i32
  }
  func.func @transform_1(%arg0: i32) -> (i32, i32) {
    %c0_i32 = arith.constant 0 : i32
    %c0_i32_0 = arith.constant 0 : i32
    return %arg0, %c0_i32 : i32, i32
  }
  func.func @transform_2(%arg0: i32) -> (i32, i32) {
    %c0_i32 = arith.constant 0 : i32
    %c0_i32_0 = arith.constant 0 : i32
    return %arg0, %c0_i32 : i32, i32
  }
  func.func @transform_3(%arg0: i32) -> (i32, i32) {
    %c0_i32 = arith.constant 0 : i32
    %c0_i32_0 = arith.constant 0 : i32
    %c0_i32_1 = arith.constant 0 : i32
    return %c0_i32, %c0_i32_0 : i32, i32
  }
  func.func @transform_4(%arg0: i32) -> (i32, i32) {
    %c0_i32 = arith.constant 0 : i32
    %c0_i32_0 = arith.constant 0 : i32
    %c0_i32_1 = arith.constant 0 : i32
    return %c0_i32, %c0_i32_0 : i32, i32
  }
  func.func @transform_5(%arg0: i32) -> (i32, i32) {
    %c0_i32 = arith.constant 0 : i32
    %c0_i32_0 = arith.constant 0 : i32
    %c0_i32_1 = arith.constant 0 : i32
    return %c0_i32, %c0_i32_0 : i32, i32
  }
  func.func @transform_6(%arg0: i32) -> (i32, i32) {
    %c0_i32 = arith.constant 0 : i32
    %c0_i32_0 = arith.constant 0 : i32
    return %arg0, %c0_i32 : i32, i32
  }
}

</mosaic_0001>

<sc_bundles>
// kernel: kernel.6.cloned.1.call-start
scs
__scs_entry_jumppad:
0x0: {  	(pc) =	sbr.rel $0x88, $3  }
0x1: {  	(tag) =	ssettag $0x0;
	lr =	simm.s32 $0x1  }
0x2: {  	[smem:$0x3F9A] =	sst lr;
	_ =	strace $0xD0000000  }
0x3: {  	_ = 	snop  }
0x4: {  	_ = 	snop  }
0x5: {  	_ = 	snop  }
0x6: {  	_ = 	snop  }
0x7: {  	_ = 	snop  }
__scs_overlays_trampoline_lowered:
0x8: {  	[smem:$0x3FA9] =	sst s0  }
0x9: {  	[smem:$0x3FAA] =	sst s1  }
0xa: {  	[smem:$0x3FAB] =	sst s2  }
0xb: {  	[smem:$0x3FAC] =	sst s3  }
0xc: {  	[smem:$0x3FAD] =	sst s4  }
0xd: {  	[smem:$0x3FAE] =	sst s5  }
0xe: {  	[smem:$0x3FAF] =	sst s6  }
0xf: {  	[smem:$0x3FB0] =	sst s7  }
0x10: {  	[smem:$0x3FB1] =	sst s8  }
0x11: {  	[smem:$0x3FB2] =	sst s9;
	s0 =	simm.s32 @!p0 $0x0  }
0x12: {  	s1 =	sld [smem:$0x3F98];
	s0 =	simm.s32 @p0 $0x1  }
0x13: {  	[smem:$0x3FB3] =	sst s0;
	s0 =	simm.s32 @!p1 $0x0  }
0x14: {  	s2 =	sld [smem:$0x3F97];
	s0 =	simm.s32 @p1 $0x1  }
0x15: {  	[smem:$0x3FB4] =	sst s0;
	s0 =	simm.s32 @!p2 $0x0  }
0x16: {  	s3 =	sld [smem:$0x3FDB];
	s0 =	simm.s32 @p2 $0x1  }
0x17: {  	s4 =	simm.s32 $0x1BF5;
	[smem:$0x3FB6] =	sst s0  }
0x18: {  	s0 =	sld [smem:$0x3F99];
	_ =	swait.ge [sflag:s4], $0x0  }
0x19: {  	s7 =	sld [smem:$0x3F9A]  }
0x1a: {  	s8 =	sadd.s32 $0xFFFFE003, lr  }
0x1b: {  	s9 =	sadd.s32 $0xFFFFFEF7, lr;
	s5 =	simm.s32 $0xFFFFFFFF;
	p2 =	slt.u32 s8, $0xFFFFF086  }
0x1c: {  	p1 =	slt.u32 s9, $0xF7A;
	s5 =	simm.s32 @!p2 $0x0  }
0x1d: {  	s5 =	simm.s32 @p1 $0x1;
	p0 =	seq.s32 s7, s2  }
0x1e: {  	s7 =	smul.u32 @!p0 $0xF7A, s2;
	p2 =	seq.s32 @!p0 s5, $0x0  }
0x1f: {  	s9 =	smul.u32 $0xF7A, s1;
	s8 =	simm.s32 @!p0 $0x1BF5;
	p2 =	por !p2, p0  }
0x20: {  	[sflag:s8] =	ssyncset.s32 @!p0 $0xFFFFF086;
	s6 =	sadd.s32 @!p0 s3, s7;
	s7 =	simm.s32 @!p0 $0x108  }
0x21: {  	s3 =	sadd.s32 s3, s9;
	s6 =	sadd.s32 @!p0 $0x88, s6;
	s7 =	simm.s32 @p2 $0x1082  }
0x22: {  	[simem:s7], [sflag:s8] =	dma.local @!p0 [hbm:s6], $0xF7A  }
0x23: {  	s9 =	sor.u32 $0xD0000000, s2;
	s6 =	simm.s32 $0x108;
	_ =	swait.ge @!p0 [sflag:s8], $0x0  }
0x24: {  	s3 =	sadd.s32 $0x88, s3;
	s6 =	simm.s32 @!p1 $0x1082;
	[sflag:s4] =	ssyncset.s32 $0xFFFFF086  }
0x25: {  	[simem:s6], [sflag:s4] =	dma.local [hbm:s3], $0xF7A  }
0x26: {  	[smem:$0x3F9A] =	sst s1;
	(tag) =	ssettag s2;
	_ =	strace s9  }
0x27: {  	s1 =	sld [smem:$0x3FAA]  }
0x28: {  	s2 =	sld [smem:$0x3FAB]  }
0x29: {  	s4 =	sld [smem:$0x3FAD]  }
0x2a: {  	p0 =	seq.s32 s5, $0x0;
	s5 =	sld [smem:$0x3FAE]  }
0x2b: {  	s6 =	sld [smem:$0x3FAF]  }
0x2c: {  	s7 =	sld [smem:$0x3FB0]  }
0x2d: {  	s3 =	simm.s32 $0x108;
	s8 =	sld [smem:$0x3FB1]  }
0x2e: {  	s3 =	simm.s32 @!p0 $0x1082;
	s9 =	sld [smem:$0x3FB2]  }
0x2f: {  	lr =	sadd.s32 s0, s3;
	s0 =	sld [smem:$0x3FA9]  }
0x30: {  	s3 =	sld [smem:$0x3FAC]  }
0x31: {  	[smem:$0x3FB5] =	sst s10  }
0x32: {  	s10 =	sld [smem:$0x3FB3];
	_ =	sdelay $0x3  }
0x33: {  	p0 =	seq.s32 s10, $0x1;
	s10 =	sld [smem:$0x3FB5];
	_ =	sdelay $0x3  }
0x34: {  	[smem:$0x3FB5] =	sst s10  }
0x35: {  	s10 =	sld [smem:$0x3FB4];
	_ =	sdelay $0x3  }
0x36: {  	p1 =	seq.s32 s10, $0x1;
	s10 =	sld [smem:$0x3FB5];
	_ =	sdelay $0x3  }
0x37: {  	[smem:$0x3FB5] =	sst s10  }
0x38: {  	s10 =	sld [smem:$0x3FB6]  }
0x39: {  	_ = 	snop;
	(pc) =	sbr.ind lr, $3  }
0x3a: {  	_ = 	snop  }
0x3b: {  	_ = 	snop  }
0x3c: {  	p2 =	seq.s32 s10, $0x1;
	s10 =	sld [smem:$0x3FB5]  }
0x3d: {  	_ =	shalt  }
0x3e: {  	_ =	shalt  }
0x3f: {  	_ =	shalt  }
0x40: {  	_ =	shalt  }
0x41: {  	_ =	shalt  }
0x42: {  	_ =	shalt  }
0x43: {  	_ =	shalt  }
0x44: {  	_ =	shalt  }
0x45: {  	_ =	shalt  }
0x46: {  	_ =	shalt  }
0x47: {  	_ =	shalt  }
0x48: {  	_ =	shalt  }
0x49: {  	_ =	shalt  }
0x4a: {  	_ =	shalt  }
0x4b: {  	_ =	shalt  }
0x4c: {  	_ =	shalt  }
0x4d: {  	_ =	shalt  }
0x4e: {  	_ =	shalt  }
0x4f: {  	_ =	shalt  }
0x50: {  	_ =	shalt  }
0x51: {  	_ =	shalt  }
0x52: {  	_ =	shalt  }
0x53: {  	_ =	shalt  }
0x54: {  	_ =	shalt  }
0x55: {  	_ =	shalt  }
0x56: {  	_ =	shalt  }
0x57: {  	_ =	shalt  }
0x58: {  	_ =	shalt  }
0x59: {  	_ =	shalt  }
0x5a: {  	_ =	shalt  }
0x5b: {  	_ =	shalt  }
0x5c: {  	_ =	shalt  }
0x5d: {  	_ =	shalt  }
0x5e: {  	_ =	shalt  }
0x5f: {  	_ =	shalt  }
0x60: {  	_ =	shalt  }
0x61: {  	_ =	shalt  }
0x62: {  	_ =	shalt  }
0x63: {  	_ =	shalt  }
0x64: {  	_ =	shalt  }
0x65: {  	_ =	shalt  }
0x66: {  	_ =	shalt  }
0x67: {  	_ =	shalt  }
0x68: {  	_ =	shalt  }
0x69: {  	_ =	shalt  }
0x6a: {  	_ =	shalt  }
0x6b: {  	_ =	shalt  }
0x6c: {  	_ =	shalt  }
0x6d: {  	_ =	shalt  }
0x6e: {  	_ =	shalt  }
0x6f: {  	_ =	shalt  }
0x70: {  	_ =	shalt  }
0x71: {  	_ =	shalt  }
0x72: {  	_ =	shalt  }
0x73: {  	_ =	shalt  }
0x74: {  	_ =	shalt  }
0x75: {  	_ =	shalt  }
0x76: {  	_ =	shalt  }
0x77: {  	_ =	shalt  }
0x78: {  	_ =	shalt  }
0x79: {  	_ =	shalt  }
0x7a: {  	_ =	shalt  }
0x7b: {  	_ =	shalt  }
0x7c: {  	_ =	shalt  }
0x7d: {  	_ =	shalt  }
0x7e: {  	_ =	shalt  }
0x7f: {  	_ =	shalt  }
0x80: {  	_ =	shalt  }
0x81: {  	_ =	shalt  }
0x82: {  	_ =	shalt  }
0x83: {  	_ =	shalt  }
0x84: {  	_ =	shalt  }
0x85: {  	_ =	shalt  }
0x86: {  	_ =	shalt  }
0x87: {  	_ =	shalt  }
.Lfunc_end0:
.L_simem_size_0:
called_computation_lowered:
.L_overlay_start_0:
0x88: {  	s2 =	sld [smem:$0x3FD9]  }
0x89: {  	s3 =	sld [smem:$0x3FFE];
	_ =	sdelay $0x1  }
0x8a: {  	s1 =	srdreg.scid  }
0x8b: {  	s0 =	sand.u32 $0x1, s1  }
0x8c: {  	s14 =	sshll.u32 s0, $0xA;
	s2 =	sadd.s32 s3, s2  }
0x8d: {  	s2 =	sadd.s32 s2, s14  }
0x8e: {  	[smem:$0x3FC1] =	sst s2  }
0x8f: {  	_ = 	snop  }
0x90: {  	s2 =	sld [smem:$0x3FD0];
	_ =	sdelay $0x2  }
0x91: {  	s4 =	simm.s32 $0xA;
	s5 =	simm.s32 $0x10;
	s15 =	sld [smem:$0x3FC5]  }
0x92: {  	[smem:s5], [sflag:s4] =	dma.local [hbm:s2], $0x1  }
0x93: {  	_ =	swait.eq [sflag:s4], $0x1  }
0x94: {  	[sflag:s4] =	ssyncset.done $0x0  }
0x95: {  	s16 =	sld [smem:$0x10];
	[sflag:s4] =	ssyncadd.s32 $0xFFFFFFFF  }
0x96: {  	s17 =	sld [smem:$0x11];
	(tm) =	ssettm $0x1  }
0x97: {  	s18 =	sld [smem:$0x3FFB];
	_ =	sdelay $0x3  }
0x98: {  	_ =	strace s18  }
0x99: {  	s5 =	sld [smem:$0x3FFC];
	_ =	sdelay $0x3  }
0x9a: {  	_ =	strace s5  }
0x9b: {  	s5 =	sld [smem:$0x3FFD];
	_ =	sdelay $0x3  }
0x9c: {  	_ =	strace s5  }
0x9d: {  	_ =	strace $0x8FFFFFFF  }
0x9e: {  	s19 =	sld [smem:$0x3FDB];
	_ =	sdelay $0x1  }
0x9f: {  	s6 =	simm.s32 $_scs_section_size  }
0xa0: {  	s7 =	simm.s32 $_size__tile_overlayer_lowered;
	s8 =	simm.s32 $_tile_overlayer_lowered  }
0xa1: {  	s22 =	simm.s32 $0x1BFF;
	s21 =	sshll.u32 s8, $0x1;
	s5 =	sadd.s32 s6, s19  }
0xa2: {  	s9 =	simm.s32 $0x0;
	s20 =	sshll.u32 s7, $0x1;
	s7 =	sadd.s32 s21, s5  }
0xa3: {  	[timem:s9], [sflag:s22] =	dma.local [hbm:s7], s20  }
0xa4: {  	_ =	swait.ge [sflag:s22], s20  }
0xa5: {  	s6 =	ssub.s32 $0x0, s20;
	[sflag:s22] =	ssyncset.done $0x0  }
0xa6: {  	[sflag:s22] =	ssyncadd.s32 s6;
	_ =	sdelay $0x1  }
0xa7: {  	s23 =	simm.s32 $0x1B8B  }
0xa8: {  	_ =	swait.ge [sflag:s23], $0x1  }
0xa9: {  	[sflag:s23] =	ssyncset.done $0x0  }
0xaa: {  	s25 =	simm.s32 $0x1B8E;
	s24 =	sld [smem:$0x3FFE];
	[sflag:s23] =	ssyncadd.s32 $0xFFFFFFFF  }
0xab: {  	s26 =	simm.s32 $execute0_lowered;
	[smem:$0x3FD2] =	sst s25  }
0xac: {  	s7 =	sshll.u32 s26, $0x1;
	_ =	strace $0x80000046;
	[dreg:$0x1] =	wrdreg $0xFFFFFFFF  }
0xad: {  	s28 =	simm.s32 $_size_execute0_lowered;
	s5 =	sadd.s32 s5, s7;
	[dreg:$0x0] =	wrdreg $0x0  }
0xae: {  	s7 =	sshll.u32 s28, $0x1;
	[dreg:$0x2] =	wrdreg s5  }
0xaf: {  	[dreg:$0x3] =	wrdreg s7  }
0xb0: {  	[dreg:$0x4] =	wrdreg $0xC0  }
0xb1: {  	_ =	task [dreg:s9], $0x5FFFF  }
0xb2: {  	[dreg:$0x1] =	wrdreg $0xFFFFFFFF  }
0xb3: {  	[dreg:$0x0] =	wrdreg $0x60  }
0xb4: {  	[dreg:$0x2] =	wrdreg s24  }
0xb5: {  	[dreg:$0x3] =	wrdreg s16  }
0xb6: {  	[dreg:$0x4] =	wrdreg s15  }
0xb7: {  	[dreg:$0x5] =	wrdreg s17  }
0xb8: {  	[dreg:$0x6] =	wrdreg $0xA2800  }
0xb9: {  	[dreg:$0x7] =	wrdreg $0x9  }
0xba: {  	_ =	task.clear_ibuf [dreg:s9], $0x8FFFF;
	_ =	strace $0x90000046  }
0xbb: {  	s29 =	simm.s32 $0x9;
	_ =	strace $0x80000048  }
0xbc: {  	_ =	swait.ge [sflag:s29], $0x1  }
0xbd: {  	[sflag:s29] =	ssyncadd.s32 $0xFFFFFFFF  }
0xbe: {  	_ =	strace $0x90000048  }
0xbf: {  	_ =	sfence  }
0xc0: {  	s30 =	sld [smem:$0x0];
	_ =	sdelay $0x2  }
0xc1: {  	s31 =	sshll.u32 s1, $0xD;
	s1 =	sshrl.u32 s1, $0x2  }
0xc2: {  	s3 =	sand.u32 $0x4000, s31;
	s1 =	sadd.s32 s1, s30  }
0xc3: {  	s0 =	sor.u32 s3, s0;
	s1 =	sshll.u32 s1, $0x11  }
0xc4: {  	s0 =	sor.u32 s1, s0  }
0xc5: {  	s0 =	sadd.s32 $0x8F2B, s0  }
0xc6: {  	[sflag:s0] =	ssyncadd.remote.s32 $0x1  }
0xc7: {  	_ =	sfence.sel $0xFFFF  }
0xc8: {  	[dreg:$0x0] =	wrdreg $0xFFFFFFFF;
	(pc) =	sbr.abs _section_cstart, $3  }
0xc9: {  	[dreg:$0x1] =	wrdreg $0xFFFFFFFF  }
0xca: {  	_ =	task.clear_ibuf [dreg:s9], $0x2FFFF;
	_ =	strace $0x9FFFFFFF  }
0xcb: {  	(tm) =	ssettm $0x7FFFFFFF  }
tec
execute0_lowered:
.L_overlay_start_1:
0x0: {  	(tag) =	ssettag $0x1  }
0x1: {  	s0 =	rddreg [dreg:$0x0]  }
0x2: {  	s1 =	rddreg [dreg:$0x1]  }
0x3: {  	s3 =	rddreg [dreg:$0x3]  }
0x4: {  	s4 =	rddreg [dreg:$0x4];
	s6 =	simm.s32 $0x0  }
0x5: {  	s2 =	srdreg.scid;
	s11 =	stileid.u32;
	s28 =	simm.s32 $0x4  }
0x6: {  	[smem:$0x7FF] =	sst s6;
	s2 =	sand.u32 $0x1, s2;
	s10 =	smul.u32 $0x14000, s11  }
0x7: {  	s7 =	sadd.s32 $0xB000, s0;
	s16 =	sshll.u32 s11, $0x1;
	s11 =	smul.u32 $0x50000, s11  }
0x8: {  	s8 =	sadd.s32 $0x1200, s0;
	s9 =	sadd.s32 $0x14E00, s0;
	s5 =	smul.u32 $0x140000, s2  }
0x9: {  	_ =	strace $0x80000047;
	s12 =	ssub.s32 $0x2, s2;
	s2 =	sor.u32 s2, s16  }
0xa: {  	s13 =	sshrl.u32 s12, $0x1;
	s11 =	sshrl.u32 s11, $0x2;
	s18 =	smul.u32 $0x27100, s2  }
0xb: {  	s5 =	sadd.s32 s10, s5;
	s10 =	smul.u32 $0x2710, s2;
	s22 =	sadd.s32 s11, s4  }
0xc: {  	s2 =	smul.u32 $0x138800, s2;
	s5 =	sshrl.u32 s5, $0x3;
	s20 =	sadd.s32 s9, s18  }
0xd: {  	[dreg:$0x6] =	wrdreg s22;
	s0 =	sadd.s32 s5, s0;
	s5 =	ssub.s32 s12, s13  }
0xe: {  	s17 =	sshrl.u32 s10, $0x3;
	[dreg:$0x9] =	wrdreg s20;
	s20 =	sadd.s32 $0x2800, s22  }
0xf: {  	s12 =	sadd.s32 $0x50, s10;
	s14 =	sadd.s32 s7, s17;
	[dreg:$0x15] =	wrdreg s20  }
0x10: {  	s2 =	sshrl.u32 s2, $0x3;
	s11 =	sadd.s32 s8, s17;
	[dreg:$0x7] =	wrdreg s14  }
0x11: {  	s19 =	sshrl.u32 s12, $0x3;
	s0 =	sadd.s32 $0x4F6E00, s0;
	[dreg:$0x8] =	wrdreg s11  }
0x12: {  	s24 =	sadd.s32 $0x26C0, s10;
	s21 =	sadd.s32 s7, s19;
	[dreg:$0x13] =	wrdreg s0  }
0x13: {  	s25 =	sshll.u32 s12, $0x4;
	s23 =	sadd.s32 s8, s19;
	[dreg:$0xa] =	wrdreg s21  }
0x14: {  	s2 =	sadd.s32 s3, s2;
	s13 =	sadd.s32 s9, s25;
	[dreg:$0xb] =	wrdreg s23  }
0x15: {  	s26 =	sshrl.u32 s24, $0x3;
	s31 =	sadd.s32 $0x26200, s2;
	[dreg:$0xc] =	wrdreg s13  }
0x16: {  	s29 =	simm.s32 $0x2;
	s15 =	sadd.s32 s7, s26;
	[dreg:$0xd] =	wrdreg s31  }
0x17: {  	s30 =	simm.s32 $0x6;
	s16 =	sadd.s32 s8, s26;
	[dreg:$0xe] =	wrdreg s15  }
0x18: {  	s20 =	simm.s32 $0x80;
	s2 =	sadd.s32 $0x26700, s2;
	[dreg:$0xf] =	wrdreg s16  }
0x19: {  	s11 =	sshll.u32 s24, $0x4;
	s19 =	smax.u32 s5, $0x1;
	[dreg:$0x10] =	wrdreg s2  }
0x1a: {  	s24 =	sadd.s32 $0xA000, s22;
	s25 =	sadd.s32 $0xC800, s22;
	[dreg:$0x14] =	wrdreg s19  }
0x1b: {  	s26 =	sadd.s32 $0xF000, s22;
	s14 =	sadd.s32 $0xF0, s10;
	[dreg:$0x18] =	wrdreg s24  }
0x1c: {  	s17 =	sadd.s32 s9, s11;
	s18 =	sadd.s32 s3, s11;
	[dreg:$0x19] =	wrdreg s25  }
0x1d: {  	s21 =	sadd.s32 $0x5000, s22;
	s23 =	sadd.s32 $0x7800, s22;
	[dreg:$0x1a] =	wrdreg s26  }
0x1e: {  	s31 =	sadd.s32 $0x11800, s22;
	s13 =	sadd.s32 $0xA0, s10;
	[dreg:$0x11] =	wrdreg s17  }
0x1f: {  	s15 =	simm.s32 $0x200;
	s16 =	simm.s32 $0x7;
	[dreg:$0x12] =	wrdreg s18  }
0x20: {  	s19 =	simm.s32 $0x5200;
	s24 =	simm.s32 $0x3;
	[dreg:$0x16] =	wrdreg s21  }
0x21: {  	s25 =	simm.s32 $0x1;
	s26 =	simm.s32 $0x5;
	[dreg:$0x17] =	wrdreg s23  }
0x22: {  	s2 =	simm.s32 $0x0;
	[dreg:$0x1b] =	wrdreg s31;
	s17 =	simm.s32 $0x100  }
0x23: {  	v0 =	vimm.f32 $0.0e+00;
	s18 =	simm.s32 $0x50;
	s21 =	simm.s32 $0x180;
	s23 =	simm.s32 $0x7A00  }
.LBB2_1:
0x24: {  	[dreg:$0x1c] =	wrdreg s2;
	s0 =	simm.s32 $0x0;
	s2 =	simm.s32 $0x200  }
.LBB2_2:
0x25: {  	p0 =	sne.s32 s2, $0x9E00;
	[tilespmem:s0+$0x270] =	vst v0  }
0x26: {  	[tilespmem:s0+$0x200] =	vst v0  }
0x27: {  	[tilespmem:s0+$0x210] =	vst v0  }
.Ltmp0:
0x28: {  	[tilespmem:s0+$0x220] =	vst v0;
	(pc) =	sbr.rel @p0 .LBB2_2-.Ltmp0, $4  }
0x29: {  	[tilespmem:s0+$0x230] =	vst v0  }
0x2a: {  	[tilespmem:s0+$0x240] =	vst v0  }
0x2b: {  	[tilespmem:s0+$0x250] =	vst v0  }
0x2c: {  	[tilespmem:s0+$0x260] =	vst v0;
	s0 =	sshra.s32 s2, $0x2;
	s2 =	sadd.s32 $0x200, s2  }
0x2d: {  	[tilespmem:s0+$0x270] =	vst v0  }
0x2e: {  	[tilespmem:s0+$0x200] =	vst v0  }
0x2f: {  	[tilespmem:s0+$0x210] =	vst v0  }
0x30: {  	[tilespmem:s0+$0x220] =	vst v0  }
0x31: {  	[tilespmem:s0+$0x230] =	vst v0  }
0x32: {  	[tilespmem:s0+$0x240] =	vst v0  }
0x33: {  	[tilespmem:s0+$0x250] =	vst v0  }
0x34: {  	[tilespmem:s0+$0x260] =	vst v0  }
0x35: {  	[spmem:s22] =	stream.linear.scatter [tilespmem:s15], [sflag:$0x7], $0x2800, $0x38;
	[tilespmem:$0x1E280] =	vst v63  }
0x36: {  	_ =	swait.ge [sflag:s16], $0x2800  }
0x37: {  	[sflag:s16] =	ssyncset.done $0x0  }
0x38: {  	s2 =	rddreg [dreg:$0x15];
	[sflag:s16] =	ssyncadd.s32 $0xFFFFD800  }
0x39: {  	[spmem:s2] =	stream.linear.scatter [tilespmem:s15], [sflag:$0x7], $0x2800, $0x38;
	[tilespmem:$0x1E280] =	vst v63  }
0x3a: {  	_ =	swait.ge [sflag:s16], $0x2800  }
0x3b: {  	[sflag:s16] =	ssyncset.done $0x0  }
0x3c: {  	s5 =	rddreg [dreg:$0x16];
	[sflag:s16] =	ssyncadd.s32 $0xFFFFD800  }
0x3d: {  	[spmem:s5] =	stream.linear.scatter [tilespmem:s15], [sflag:$0x7], $0x2800, $0x38;
	[tilespmem:$0x1E280] =	vst v63  }
0x3e: {  	_ =	swait.ge [sflag:s16], $0x2800  }
0x3f: {  	[sflag:s16] =	ssyncset.done $0x0  }
0x40: {  	s11 =	rddreg [dreg:$0x17];
	[sflag:s16] =	ssyncadd.s32 $0xFFFFD800  }
0x41: {  	[spmem:s11] =	stream.linear.scatter [tilespmem:s15], [sflag:$0x7], $0x2800, $0x38;
	[tilespmem:$0x1E280] =	vst v63  }
0x42: {  	_ =	swait.ge [sflag:s16], $0x2800  }
0x43: {  	[sflag:s16] =	ssyncset.done $0x0  }
0x44: {  	s22 =	rddreg [dreg:$0x18];
	[sflag:s16] =	ssyncadd.s32 $0xFFFFD800  }
0x45: {  	[spmem:s22] =	stream.linear.scatter [tilespmem:s15], [sflag:$0x7], $0x2800, $0x38;
	[tilespmem:$0x1E280] =	vst v63  }
0x46: {  	_ =	swait.ge [sflag:s16], $0x2800  }
0x47: {  	[sflag:s16] =	ssyncset.done $0x0  }
0x48: {  	s31 =	rddreg [dreg:$0x19];
	[sflag:s16] =	ssyncadd.s32 $0xFFFFD800  }
0x49: {  	[spmem:s31] =	stream.linear.scatter [tilespmem:s15], [sflag:$0x7], $0x2800, $0x38;
	[tilespmem:$0x1E280] =	vst v63  }
0x4a: {  	_ =	swait.ge [sflag:s16], $0x2800  }
0x4b: {  	[sflag:s16] =	ssyncset.done $0x0  }
0x4c: {  	s2 =	rddreg [dreg:$0x1a];
	[sflag:s16] =	ssyncadd.s32 $0xFFFFD800  }
0x4d: {  	[spmem:s2] =	stream.linear.scatter [tilespmem:s15], [sflag:$0x7], $0x2800, $0x38;
	[tilespmem:$0x1E280] =	vst v63  }
0x4e: {  	_ =	swait.ge [sflag:s16], $0x2800  }
0x4f: {  	[sflag:s16] =	ssyncset.done $0x0  }
0x50: {  	s5 =	rddreg [dreg:$0x1b];
	[sflag:s16] =	ssyncadd.s32 $0xFFFFD800  }
0x51: {  	[spmem:s5] =	stream.linear.scatter [tilespmem:s15], [sflag:$0x7], $0x2800, $0x38;
	[tilespmem:$0x1E280] =	vst v63  }
0x52: {  	_ =	swait.ge [sflag:s16], $0x2800  }
0x53: {  	[sflag:s16] =	ssyncset.done $0x0  }
0x54: {  	[sflag:s16] =	ssyncadd.s32 $0xFFFFD800  }
0x55: {  	s0 =	simm.s32 $0x0;
	s5 =	simm.s32 $0xA200;
	s2 =	rddreg [dreg:$0x2]  }
0x56: {  	[tilespmem:s5], [sflag:$0x7] =	stream.linear.gather [hbm4b:s2+s0], $0x80, $0x38;
	[tilespmem:$0x1E280] =	vst v63  }
0x57: {  	_ =	swait.ge [sflag:s16], $0x80  }
0x58: {  	[sflag:s16] =	ssyncset.done $0x0  }
0x59: {  	[sflag:s16] =	ssyncadd.s32 $0xFFFFFF80  }
0x5a: {  	[bflag:$0x0] =	sbarrier.arrive $0xFFFF  }
0x5b: {  	v7 =	vld [tilespmem:$0xA200]  }
0x5c: {  	v8 =	vld [tilespmem:$0xA210]  }
0x5d: {  	v6 =	vld [tilespmem:$0xA220]  }
0x5e: {  	v5 =	vld [tilespmem:$0xA230]  }
0x5f: {  	v4 =	vld [tilespmem:$0xA240]  }
0x60: {  	v3 =	vld [tilespmem:$0xA250]  }
0x61: {  	v2 =	vld [tilespmem:$0xA260];
	s11 =	rddreg [dreg:$0x7]  }
0x62: {  	v1 =	vld [tilespmem:$0xA270];
	[tilespmem:s0], [sflag:$0x7] =	stream.linear.gather [hbm4b:s11+s0], $0x50, $0x38  }
0x63: {  	_ =	swait.ge [sflag:s16], $0x50  }
0x64: {  	[sflag:s16] =	ssyncset.done $0x0  }
0x65: {  	s22 =	rddreg [dreg:$0x8];
	[sflag:s16] =	ssyncadd.s32 $0xFFFFFFB0  }
0x66: {  	[tilespmem:s17], [sflag:$0x7] =	stream.linear.gather [hbm4b:s22+s0], $0x50, $0x38;
	[tilespmem:$0x1E280] =	vst v63  }
0x67: {  	_ =	swait.ge [sflag:s16], $0x50  }
0x68: {  	[sflag:s16] =	ssyncset.done $0x0  }
0x69: {  	[sflag:s16] =	ssyncadd.s32 $0xFFFFFFB0  }
0x6a: {  	[tilespmem:s15], [sflag:$0x1] =	stream.indirect.gather [hbm4b:s1+s18], $0x80, s0, s18, $0xb8;
	[tilespmem:$0x1E280] =	vst v63  }
0x6b: {  	s31 =	rddreg [dreg:$0x9]  }
0x6c: {  	[tilespmem:s19], [sflag:$0x3] =	stream.linear.gather [hbm4b:s31+s0], $0x2800, $0x38;
	[tilespmem:$0x1E280] =	vst v63  }
0x6d: {  	s5 =	rddreg [dreg:$0xa]  }
0x6e: {  	[tilespmem:s20], [sflag:$0x7] =	stream.linear.gather [hbm4b:s5+s0], $0x50, $0x38;
	[tilespmem:$0x1E280] =	vst v63  }
0x6f: {  	_ =	swait.ge [sflag:s16], $0x50  }
0x70: {  	[sflag:s16] =	ssyncset.done $0x0  }
0x71: {  	s11 =	rddreg [dreg:$0xb];
	[sflag:s16] =	ssyncadd.s32 $0xFFFFFFB0  }
0x72: {  	[tilespmem:s21], [sflag:$0x7] =	stream.linear.gather [hbm4b:s11+s0], $0x50, $0x38;
	[tilespmem:$0x1E280] =	vst v63  }
0x73: {  	_ =	swait.ge [sflag:s16], $0x50  }
0x74: {  	[sflag:s16] =	ssyncset.done $0x0  }
0x75: {  	s22 =	simm.s32 $0x2A00;
	[sflag:s16] =	ssyncadd.s32 $0xFFFFFFB0  }
0x76: {  	[tilespmem:s22], [sflag:$0x2] =	stream.indirect.gather [hbm4b:s1+s18], $0x80, s20, s18, $0xb8;
	[tilespmem:$0x1E280] =	vst v63  }
0x77: {  	s31 =	rddreg [dreg:$0xc]  }
0x78: {  	[tilespmem:s23], [sflag:$0x4] =	stream.linear.gather [hbm4b:s31+s0], $0x2800, $0x38;
	[tilespmem:$0x1E280] =	vst v63  }
.LBB2_4:
0x79: {  	_ =	swait.ge [sflag:s24], $0x2800  }
0x7a: {  	[sflag:s24] =	ssyncset.done $0x0  }
0x7b: {  	[sflag:s24] =	ssyncadd.s32 $0xFFFFD800  }
0x7c: {  	_ =	swait.ge [sflag:s25], $0x2800  }
0x7d: {  	[sflag:s25] =	ssyncset.done $0x0  }
0x7e: {  	s5 =	simm.s32 $0x0;
	[sflag:s25] =	ssyncadd.s32 $0xFFFFD800  }
0x7f: {  	v14 =	vld [tilespmem:s5+$0x200]  }
0x80: {  	v15 =	vld [tilespmem:s5+$0x210]  }
0x81: {  	v17 =	vld [tilespmem:s5+$0x220]  }
0x82: {  	v13 =	vld [tilespmem:s5+$0x230]  }
0x83: {  	v10 =	vld [tilespmem:s5+$0x240]  }
0x84: {  	v9 =	vld [tilespmem:s5+$0x250]  }
0x85: {  	v16 =	vld [tilespmem:s5+$0x5200]  }
0x86: {  	v19 =	vld [tilespmem:s5+$0x5210]  }
0x87: {  	v11 =	vld [tilespmem:s5+$0x260]  }
0x88: {  	v23 =	vld [tilespmem:s5+$0x5220]  }
0x89: {  	v20 =	vld [tilespmem:s5+$0x5230]  }
0x8a: {  	v12 =	vld [tilespmem:s5+$0x270]  }
0x8b: {  	v18 =	vadd.f32 v16, v14;
	v19 =	vadd.f32 v19, v15;
	v16 =	vld [tilespmem:s5+$0x5240]  }
0x8c: {  	v15 =	vld [tilespmem:s5+$0x5250]  }
0x8d: {  	s2 =	simm.s32 $0x200;
	v17 =	vadd.f32 v23, v17;
	v14 =	vld [tilespmem:s5+$0x5260];
	v21 =	vmul.f32 v18, v7;
	v22 =	vmul.f32 v19, v8  }
.LBB2_5:
0x8e: {  	s11 =	sshra.s32 s2, $0x2;
	p0 =	sne.s32 s2, $0x9E00;
	vm0 =	vge.f32 v18, $0.0e+00;
	vm1 =	vge.f32 v19, $0.0e+00;
	v20 =	vadd.f32 v20, v13;
	v23 =	vld [tilespmem:s5+$0x5270]  }
0x8f: {  	v24 =	vld [tilespmem:s11+$0x200];
	v13 =	vsel vm0, v18, v21;
	v18 =	vsel vm1, v19, v22;
	v19 =	vmul.f32 v17, v6  }
0x90: {  	vm0 =	vge.f32 v17, $0.0e+00;
	v21 =	vld [tilespmem:s11+$0x210];
	v22 =	vmul.f32 v20, v5;
	v16 =	vadd.f32 v16, v10  }
0x91: {  	v25 =	vld [tilespmem:s11+$0x220];
	[tilespmem:s5+$0x5200] =	vst v13;
	v17 =	vsel vm0, v17, v19;
	vm0 =	vge.f32 v20, $0.0e+00;
	v15 =	vadd.f32 v15, v9  }
0x92: {  	v13 =	vld [tilespmem:s11+$0x230];
	[tilespmem:s5+$0x5210] =	vst v18;
	v18 =	vsel vm0, v20, v22;
	v19 =	vmul.f32 v16, v4;
	v11 =	vadd.f32 v14, v11  }
0x93: {  	vm0 =	vge.f32 v16, $0.0e+00;
	v10 =	vld [tilespmem:s11+$0x240];
	[tilespmem:s5+$0x5220] =	vst v17;
	v14 =	vmul.f32 v15, v3;
	v12 =	vadd.f32 v23, v12  }
0x94: {  	v9 =	vld [tilespmem:s11+$0x250];
	[tilespmem:s5+$0x5230] =	vst v18;
	v16 =	vsel vm0, v16, v19;
	vm0 =	vge.f32 v15, $0.0e+00;
	v17 =	vmul.f32 v11, v2  }
0x95: {  	v18 =	vld [tilespmem:s11+$0x5200];
	[tilespmem:s5+$0x5240] =	vst v16;
	v14 =	vsel vm0, v15, v14;
	vm0 =	vge.f32 v11, $0.0e+00;
	v15 =	vmul.f32 v12, v1  }
0x96: {  	v16 =	vld [tilespmem:s11+$0x5210];
	[tilespmem:s5+$0x5250] =	vst v14;
	v14 =	vsel vm0, v11, v17;
	vm0 =	vge.f32 v12, $0.0e+00  }
0x97: {  	v11 =	vld [tilespmem:s11+$0x260];
	[tilespmem:s5+$0x5260] =	vst v14;
	v12 =	vsel vm0, v12, v15  }
0x98: {  	v14 =	vld [tilespmem:s11+$0x5220];
	[tilespmem:s5+$0x5270] =	vst v12;
	s5 =	smov.u32 s11  }
.Ltmp1:
0x99: {  	v20 =	vld [tilespmem:s5+$0x5230];
	(pc) =	sbr.rel @p0 .LBB2_5-.Ltmp1, $4  }
0x9a: {  	v12 =	vld [tilespmem:s5+$0x270]  }
0x9b: {  	v18 =	vadd.f32 v18, v24;
	v19 =	vadd.f32 v16, v21;
	v16 =	vld [tilespmem:s5+$0x5240]  }
0x9c: {  	v15 =	vld [tilespmem:s5+$0x5250]  }
0x9d: {  	s2 =	sadd.s32 $0x200, s2;
	v21 =	vmul.f32 v18, v7;
	v22 =	vmul.f32 v19, v8;
	v17 =	vadd.f32 v14, v25;
	v14 =	vld [tilespmem:s5+$0x5260]  }
0x9e: {  	vm0 =	vge.f32 v18, $0.0e+00;
	vm1 =	vge.f32 v19, $0.0e+00;
	v13 =	vadd.f32 v20, v13;
	v20 =	vld [tilespmem:s5+$0x5270]  }
0x9f: {  	v18 =	vsel vm0, v18, v21;
	v19 =	vsel vm1, v19, v22;
	v21 =	vmul.f32 v17, v6  }
0xa0: {  	vm10 =	vge.f32 v17, $0.0e+00;
	v22 =	vmul.f32 v13, v5;
	v10 =	vadd.f32 v16, v10  }
0xa1: {  	[tilespmem:s5+$0x5200] =	vst v18;
	vm11 =	vge.f32 v13, $0.0e+00;
	v16 =	vsel vm10, v17, v21;
	v9 =	vadd.f32 v15, v9  }
0xa2: {  	[tilespmem:s5+$0x5210] =	vst v19;
	v13 =	vsel vm11, v13, v22;
	v15 =	vmul.f32 v10, v4;
	v11 =	vadd.f32 v14, v11  }
0xa3: {  	[tilespmem:s5+$0x5220] =	vst v16;
	vm12 =	vge.f32 v10, $0.0e+00;
	v14 =	vmul.f32 v9, v3;
	v12 =	vadd.f32 v20, v12  }
0xa4: {  	s2 =	smul.u32 $0xA0, s0;
	[tilespmem:s5+$0x5230] =	vst v13;
	vm13 =	vge.f32 v9, $0.0e+00;
	v10 =	vsel vm12, v10, v15;
	v13 =	vmul.f32 v11, v2  }
0xa5: {  	vm14 =	vge.f32 v11, $0.0e+00;
	[tilespmem:s5+$0x5240] =	vst v10;
	v9 =	vsel vm13, v9, v14;
	v10 =	vmul.f32 v12, v1  }
0xa6: {  	s11 =	sadd.s32 s10, s2;
	vm15 =	vge.f32 v12, $0.0e+00;
	[tilespmem:s5+$0x5250] =	vst v9;
	v9 =	vsel vm14, v11, v13  }
0xa7: {  	s11 =	sshll.u32 s11, $0x4;
	[tilespmem:s5+$0x5260] =	vst v9;
	v9 =	vsel vm15, v12, v10  }
0xa8: {  	s22 =	sadd.s32 s3, s11;
	s11 =	simm.s32 $0x0;
	[tilespmem:s5+$0x5270] =	vst v9  }
0xa9: {  	[hbm4b:s22+s11] =	stream.linear.scatter [tilespmem:s19], [sflag:$0x5], $0x2800, $0x38;
	[tilespmem:$0x1E280] =	vst v63  }
0xaa: {  	_ = 	snop  }
0xab: {  	[spmem:s4] =	stream.indirect.scatter.add.f32 [tilespmem:s19], [sflag:$0x7], $0x80, s17, s18, $0xb8;
	[tilespmem:$0x1E280] =	vst v63  }
0xac: {  	_ =	swait.ge [sflag:s16], $0x2800  }
0xad: {  	[sflag:s16] =	ssyncset.done $0x0  }
0xae: {  	[sflag:s16] =	ssyncadd.s32 $0xFFFFD800  }
0xaf: {  	s5 =	sadd.s32 s2, s13;
	_ =	swait.ge [sflag:s26], $0x2800  }
0xb0: {  	s31 =	sshrl.u32 s5, $0x3;
	[sflag:s26] =	ssyncset.done $0x0  }
0xb1: {  	s22 =	sadd.s32 s7, s31;
	[sflag:s26] =	ssyncadd.s32 $0xFFFFD800  }
0xb2: {  	[tilespmem:s11], [sflag:$0x7] =	stream.linear.gather [hbm4b:s22+s11], $0x50, $0x38;
	[tilespmem:$0x1E280] =	vst v63  }
0xb3: {  	_ =	swait.ge [sflag:s16], $0x50  }
0xb4: {  	[sflag:s16] =	ssyncset.done $0x0  }
0xb5: {  	s31 =	sadd.s32 s8, s31;
	[sflag:s16] =	ssyncadd.s32 $0xFFFFFFB0  }
0xb6: {  	[tilespmem:s17], [sflag:$0x7] =	stream.linear.gather [hbm4b:s31+s11], $0x50, $0x38;
	[tilespmem:$0x1E280] =	vst v63  }
0xb7: {  	_ =	swait.ge [sflag:s16], $0x50  }
0xb8: {  	[sflag:s16] =	ssyncset.done $0x0  }
0xb9: {  	s5 =	sshll.u32 s5, $0x4;
	[sflag:s16] =	ssyncadd.s32 $0xFFFFFFB0  }
0xba: {  	[tilespmem:s15], [sflag:$0x1] =	stream.indirect.gather [hbm4b:s1+s18], $0x80, s11, s18, $0xb8;
	[tilespmem:$0x1E280] =	vst v63  }
0xbb: {  	s5 =	sadd.s32 s9, s5  }
0xbc: {  	[tilespmem:s19], [sflag:$0x3] =	stream.linear.gather [hbm4b:s5+s11], $0x2800, $0x38;
	[tilespmem:$0x1E280] =	vst v63  }
0xbd: {  	_ =	swait.ge [sflag:s28], $0x2800  }
0xbe: {  	[sflag:s28] =	ssyncset.done $0x0  }
0xbf: {  	[sflag:s28] =	ssyncadd.s32 $0xFFFFD800  }
0xc0: {  	_ =	swait.ge [sflag:s29], $0x2800  }
0xc1: {  	[sflag:s29] =	ssyncset.done $0x0  }
0xc2: {  	s5 =	simm.s32 $0x0;
	[sflag:s29] =	ssyncadd.s32 $0xFFFFD800  }
0xc3: {  	v14 =	vld [tilespmem:s5+$0x2A00]  }
0xc4: {  	v15 =	vld [tilespmem:s5+$0x2A10]  }
0xc5: {  	v17 =	vld [tilespmem:s5+$0x2A20]  }
0xc6: {  	v13 =	vld [tilespmem:s5+$0x2A30]  }
0xc7: {  	v10 =	vld [tilespmem:s5+$0x2A40]  }
0xc8: {  	v9 =	vld [tilespmem:s5+$0x2A50]  }
0xc9: {  	v16 =	vld [tilespmem:s5+$0x7A00]  }
0xca: {  	v19 =	vld [tilespmem:s5+$0x7A10]  }
0xcb: {  	v11 =	vld [tilespmem:s5+$0x2A60]  }
0xcc: {  	v23 =	vld [tilespmem:s5+$0x7A20]  }
0xcd: {  	v20 =	vld [tilespmem:s5+$0x7A30]  }
0xce: {  	v12 =	vld [tilespmem:s5+$0x2A70]  }
0xcf: {  	v18 =	vadd.f32 v16, v14;
	v19 =	vadd.f32 v19, v15;
	v16 =	vld [tilespmem:s5+$0x7A40]  }
0xd0: {  	v15 =	vld [tilespmem:s5+$0x7A50]  }
0xd1: {  	s11 =	simm.s32 $0x200;
	v17 =	vadd.f32 v23, v17;
	v14 =	vld [tilespmem:s5+$0x7A60];
	v21 =	vmul.f32 v18, v7;
	v22 =	vmul.f32 v19, v8  }
.LBB2_7:
0xd2: {  	s22 =	sshra.s32 s11, $0x2;
	p0 =	sne.s32 s11, $0x9E00;
	vm0 =	vge.f32 v18, $0.0e+00;
	vm1 =	vge.f32 v19, $0.0e+00;
	v20 =	vadd.f32 v20, v13;
	v23 =	vld [tilespmem:s5+$0x7A70]  }
0xd3: {  	v24 =	vld [tilespmem:s22+$0x2A00];
	v13 =	vsel vm0, v18, v21;
	v18 =	vsel vm1, v19, v22;
	v19 =	vmul.f32 v17, v6  }
0xd4: {  	vm0 =	vge.f32 v17, $0.0e+00;
	v21 =	vld [tilespmem:s22+$0x2A10];
	v22 =	vmul.f32 v20, v5;
	v16 =	vadd.f32 v16, v10  }
0xd5: {  	v25 =	vld [tilespmem:s22+$0x2A20];
	[tilespmem:s5+$0x7A00] =	vst v13;
	v17 =	vsel vm0, v17, v19;
	vm0 =	vge.f32 v20, $0.0e+00;
	v15 =	vadd.f32 v15, v9  }
0xd6: {  	v13 =	vld [tilespmem:s22+$0x2A30];
	[tilespmem:s5+$0x7A10] =	vst v18;
	v18 =	vsel vm0, v20, v22;
	v19 =	vmul.f32 v16, v4;
	v11 =	vadd.f32 v14, v11  }
0xd7: {  	vm0 =	vge.f32 v16, $0.0e+00;
	v10 =	vld [tilespmem:s22+$0x2A40];
	[tilespmem:s5+$0x7A20] =	vst v17;
	v14 =	vmul.f32 v15, v3;
	v12 =	vadd.f32 v23, v12  }
0xd8: {  	v9 =	vld [tilespmem:s22+$0x2A50];
	[tilespmem:s5+$0x7A30] =	vst v18;
	v16 =	vsel vm0, v16, v19;
	vm0 =	vge.f32 v15, $0.0e+00;
	v17 =	vmul.f32 v11, v2  }
0xd9: {  	v18 =	vld [tilespmem:s22+$0x7A00];
	[tilespmem:s5+$0x7A40] =	vst v16;
	v14 =	vsel vm0, v15, v14;
	vm0 =	vge.f32 v11, $0.0e+00;
	v15 =	vmul.f32 v12, v1  }
0xda: {  	v16 =	vld [tilespmem:s22+$0x7A10];
	[tilespmem:s5+$0x7A50] =	vst v14;
	v14 =	vsel vm0, v11, v17;
	vm0 =	vge.f32 v12, $0.0e+00  }
0xdb: {  	v11 =	vld [tilespmem:s22+$0x2A60];
	[tilespmem:s5+$0x7A60] =	vst v14;
	v12 =	vsel vm0, v12, v15  }
0xdc: {  	v14 =	vld [tilespmem:s22+$0x7A20];
	[tilespmem:s5+$0x7A70] =	vst v12;
	s5 =	smov.u32 s22  }
.Ltmp2:
0xdd: {  	v20 =	vld [tilespmem:s5+$0x7A30];
	(pc) =	sbr.rel @p0 .LBB2_7-.Ltmp2, $4  }
0xde: {  	v12 =	vld [tilespmem:s5+$0x2A70]  }
0xdf: {  	v18 =	vadd.f32 v18, v24;
	v19 =	vadd.f32 v16, v21;
	v16 =	vld [tilespmem:s5+$0x7A40]  }
0xe0: {  	v15 =	vld [tilespmem:s5+$0x7A50]  }
0xe1: {  	s11 =	sadd.s32 $0x200, s11;
	v21 =	vmul.f32 v18, v7;
	v22 =	vmul.f32 v19, v8;
	v17 =	vadd.f32 v14, v25;
	v14 =	vld [tilespmem:s5+$0x7A60]  }
0xe2: {  	vm0 =	vge.f32 v18, $0.0e+00;
	vm1 =	vge.f32 v19, $0.0e+00;
	v13 =	vadd.f32 v20, v13;
	v57 =	vld [tilespmem:s5+$0x7A70]  }
0xe3: {  	v18 =	vsel vm0, v18, v21;
	v19 =	vsel vm1, v19, v22;
	v58 =	vmul.f32 v17, v6  }
0xe4: {  	vm10 =	vge.f32 v17, $0.0e+00;
	v59 =	vmul.f32 v13, v5;
	v10 =	vadd.f32 v16, v10  }
0xe5: {  	[tilespmem:s5+$0x7A00] =	vst v18;
	vm11 =	vge.f32 v13, $0.0e+00;
	v60 =	vsel vm10, v17, v58;
	v9 =	vadd.f32 v15, v9  }
0xe6: {  	[tilespmem:s5+$0x7A10] =	vst v19;
	v13 =	vsel vm11, v13, v59;
	v61 =	vmul.f32 v10, v4;
	v11 =	vadd.f32 v14, v11  }
0xe7: {  	[tilespmem:s5+$0x7A20] =	vst v60;
	vm12 =	vge.f32 v10, $0.0e+00;
	v62 =	vmul.f32 v9, v3;
	v12 =	vadd.f32 v57, v12  }
0xe8: {  	[tilespmem:s5+$0x7A30] =	vst v13;
	vm13 =	vge.f32 v9, $0.0e+00;
	v10 =	vsel vm12, v10, v61;
	v63 =	vmul.f32 v11, v2  }
0xe9: {  	vm14 =	vge.f32 v11, $0.0e+00;
	[tilespmem:s5+$0x7A40] =	vst v10;
	v9 =	vsel vm13, v9, v62;
	v10 =	vmul.f32 v12, v1  }
0xea: {  	s11 =	sadd.s32 s2, s12;
	vm15 =	vge.f32 v12, $0.0e+00;
	[tilespmem:s5+$0x7A50] =	vst v9;
	v9 =	vsel vm14, v11, v63  }
0xeb: {  	s11 =	sshll.u32 s11, $0x4;
	[tilespmem:s5+$0x7A60] =	vst v9;
	v9 =	vsel vm15, v12, v10  }
0xec: {  	s22 =	sadd.s32 s3, s11;
	[tilespmem:s5+$0x7A70] =	vst v9  }
0xed: {  	[hbm4b:s22+s6] =	stream.linear.scatter [tilespmem:s23], [sflag:$0x6], $0x2800, $0x38;
	[tilespmem:$0x1E280] =	vst v63  }
0xee: {  	_ = 	snop  }
0xef: {  	[spmem:s4] =	stream.indirect.scatter.add.f32 [tilespmem:s23], [sflag:$0x7], $0x80, s21, s18, $0xb8;
	[tilespmem:$0x1E280] =	vst v63  }
0xf0: {  	_ =	swait.ge [sflag:s16], $0x2800  }
0xf1: {  	[sflag:s16] =	ssyncset.done $0x0  }
0xf2: {  	[sflag:s16] =	ssyncadd.s32 $0xFFFFD800  }
0xf3: {  	s2 =	sadd.s32 s2, s14;
	_ =	swait.ge [sflag:s30], $0x2800  }
0xf4: {  	s31 =	sshrl.u32 s2, $0x3;
	[sflag:s30] =	ssyncset.done $0x0  }
0xf5: {  	s22 =	sadd.s32 s7, s31;
	[sflag:s30] =	ssyncadd.s32 $0xFFFFD800  }
0xf6: {  	[tilespmem:s20], [sflag:$0x7] =	stream.linear.gather [hbm4b:s22+s6], $0x50, $0x38;
	[tilespmem:$0x1E280] =	vst v63  }
0xf7: {  	_ =	swait.ge [sflag:s16], $0x50  }
0xf8: {  	[sflag:s16] =	ssyncset.done $0x0  }
0xf9: {  	s0 =	sadd.s32 $0x1, s0;
	s5 =	sadd.s32 s8, s31;
	[sflag:s16] =	ssyncadd.s32 $0xFFFFFFB0  }
0xfa: {  	[tilespmem:s21], [sflag:$0x7] =	stream.linear.gather [hbm4b:s5+s6], $0x50, $0x38;
	[tilespmem:$0x1E280] =	vst v63  }
0xfb: {  	p0 =	sne.s32 s0, $0x3D;
	_ =	swait.ge [sflag:s16], $0x50  }
.Ltmp3:
0xfc: {  	[sflag:s16] =	ssyncset.done $0x0;
	(pc) =	sbr.rel @p0 .LBB2_4-.Ltmp3, $4  }
0xfd: {  	s2 =	sshll.u32 s2, $0x4;
	s31 =	simm.s32 $0x2A00;
	[sflag:s16] =	ssyncadd.s32 $0xFFFFFFB0  }
0xfe: {  	[tilespmem:s31], [sflag:$0x2] =	stream.indirect.gather [hbm4b:s1+s18], $0x80, s20, s18, $0xb8;
	[tilespmem:$0x1E280] =	vst v63  }
0xff: {  	s2 =	sadd.s32 s9, s2  }
0x100: {  	[tilespmem:s23], [sflag:$0x4] =	stream.linear.gather [hbm4b:s2+s6], $0x2800, $0x38;
	[tilespmem:$0x1E280] =	vst v63  }
0x101: {  	_ =	swait.ge [sflag:s24], $0x2800  }
0x102: {  	[sflag:s24] =	ssyncset.done $0x0  }
0x103: {  	[sflag:s24] =	ssyncadd.s32 $0xFFFFD800  }
0x104: {  	_ =	swait.ge [sflag:s25], $0x2800  }
0x105: {  	[sflag:s25] =	ssyncset.done $0x0  }
0x106: {  	s0 =	simm.s32 $0x0;
	[sflag:s25] =	ssyncadd.s32 $0xFFFFD800  }
0x107: {  	v14 =	vld [tilespmem:s0+$0x200]  }
0x108: {  	v15 =	vld [tilespmem:s0+$0x210]  }
0x109: {  	v17 =	vld [tilespmem:s0+$0x220]  }
0x10a: {  	v13 =	vld [tilespmem:s0+$0x230]  }
0x10b: {  	v10 =	vld [tilespmem:s0+$0x240]  }
0x10c: {  	v9 =	vld [tilespmem:s0+$0x250]  }
0x10d: {  	v16 =	vld [tilespmem:s0+$0x5200]  }
0x10e: {  	v19 =	vld [tilespmem:s0+$0x5210]  }
0x10f: {  	v11 =	vld [tilespmem:s0+$0x260]  }
0x110: {  	v23 =	vld [tilespmem:s0+$0x5220]  }
0x111: {  	v20 =	vld [tilespmem:s0+$0x5230]  }
0x112: {  	v12 =	vld [tilespmem:s0+$0x270]  }
0x113: {  	v18 =	vadd.f32 v16, v14;
	v19 =	vadd.f32 v19, v15;
	v16 =	vld [tilespmem:s0+$0x5240]  }
0x114: {  	v15 =	vld [tilespmem:s0+$0x5250]  }
0x115: {  	s2 =	simm.s32 $0x200;
	v17 =	vadd.f32 v23, v17;
	v14 =	vld [tilespmem:s0+$0x5260];
	v21 =	vmul.f32 v18, v7;
	v22 =	vmul.f32 v19, v8  }
.LBB2_10:
0x116: {  	s5 =	sshra.s32 s2, $0x2;
	p0 =	sne.s32 s2, $0x9E00;
	vm0 =	vge.f32 v18, $0.0e+00;
	vm1 =	vge.f32 v19, $0.0e+00;
	v20 =	vadd.f32 v20, v13;
	v23 =	vld [tilespmem:s0+$0x5270]  }
0x117: {  	v24 =	vld [tilespmem:s5+$0x200];
	v13 =	vsel vm0, v18, v21;
	v18 =	vsel vm1, v19, v22;
	v19 =	vmul.f32 v17, v6  }
0x118: {  	vm0 =	vge.f32 v17, $0.0e+00;
	v21 =	vld [tilespmem:s5+$0x210];
	v22 =	vmul.f32 v20, v5;
	v16 =	vadd.f32 v16, v10  }
0x119: {  	v25 =	vld [tilespmem:s5+$0x220];
	[tilespmem:s0+$0x5200] =	vst v13;
	v17 =	vsel vm0, v17, v19;
	vm0 =	vge.f32 v20, $0.0e+00;
	v15 =	vadd.f32 v15, v9  }
0x11a: {  	v13 =	vld [tilespmem:s5+$0x230];
	[tilespmem:s0+$0x5210] =	vst v18;
	v18 =	vsel vm0, v20, v22;
	v19 =	vmul.f32 v16, v4;
	v11 =	vadd.f32 v14, v11  }
0x11b: {  	vm0 =	vge.f32 v16, $0.0e+00;
	v10 =	vld [tilespmem:s5+$0x240];
	[tilespmem:s0+$0x5220] =	vst v17;
	v14 =	vmul.f32 v15, v3;
	v12 =	vadd.f32 v23, v12  }
0x11c: {  	v9 =	vld [tilespmem:s5+$0x250];
	[tilespmem:s0+$0x5230] =	vst v18;
	v16 =	vsel vm0, v16, v19;
	vm0 =	vge.f32 v15, $0.0e+00;
	v17 =	vmul.f32 v11, v2  }
0x11d: {  	v18 =	vld [tilespmem:s5+$0x5200];
	[tilespmem:s0+$0x5240] =	vst v16;
	v14 =	vsel vm0, v15, v14;
	vm0 =	vge.f32 v11, $0.0e+00;
	v15 =	vmul.f32 v12, v1  }
0x11e: {  	v16 =	vld [tilespmem:s5+$0x5210];
	[tilespmem:s0+$0x5250] =	vst v14;
	v14 =	vsel vm0, v11, v17;
	vm0 =	vge.f32 v12, $0.0e+00  }
0x11f: {  	v11 =	vld [tilespmem:s5+$0x260];
	[tilespmem:s0+$0x5260] =	vst v14;
	v12 =	vsel vm0, v12, v15  }
0x120: {  	v14 =	vld [tilespmem:s5+$0x5220];
	[tilespmem:s0+$0x5270] =	vst v12;
	s0 =	smov.u32 s5  }
.Ltmp4:
0x121: {  	v20 =	vld [tilespmem:s0+$0x5230];
	(pc) =	sbr.rel @p0 .LBB2_10-.Ltmp4, $4  }
0x122: {  	v12 =	vld [tilespmem:s0+$0x270]  }
0x123: {  	v18 =	vadd.f32 v18, v24;
	v19 =	vadd.f32 v16, v21;
	v16 =	vld [tilespmem:s0+$0x5240]  }
0x124: {  	v15 =	vld [tilespmem:s0+$0x5250]  }
0x125: {  	s2 =	sadd.s32 $0x200, s2;
	v21 =	vmul.f32 v18, v7;
	v22 =	vmul.f32 v19, v8;
	v17 =	vadd.f32 v14, v25;
	v14 =	vld [tilespmem:s0+$0x5260]  }
0x126: {  	vm0 =	vge.f32 v18, $0.0e+00;
	vm1 =	vge.f32 v19, $0.0e+00;
	v13 =	vadd.f32 v20, v13;
	v20 =	vld [tilespmem:s0+$0x5270]  }
0x127: {  	v18 =	vsel vm0, v18, v21;
	v19 =	vsel vm1, v19, v22;
	v21 =	vmul.f32 v17, v6  }
0x128: {  	vm10 =	vge.f32 v17, $0.0e+00;
	v22 =	vmul.f32 v13, v5;
	v10 =	vadd.f32 v16, v10  }
0x129: {  	[tilespmem:s0+$0x5200] =	vst v18;
	vm11 =	vge.f32 v13, $0.0e+00;
	v16 =	vsel vm10, v17, v21;
	v9 =	vadd.f32 v15, v9  }
0x12a: {  	[tilespmem:s0+$0x5210] =	vst v19;
	v13 =	vsel vm11, v13, v22;
	v15 =	vmul.f32 v10, v4;
	v11 =	vadd.f32 v14, v11  }
0x12b: {  	[tilespmem:s0+$0x5220] =	vst v16;
	vm12 =	vge.f32 v10, $0.0e+00;
	v14 =	vmul.f32 v9, v3;
	v12 =	vadd.f32 v20, v12  }
0x12c: {  	[tilespmem:s0+$0x5230] =	vst v13;
	vm13 =	vge.f32 v9, $0.0e+00;
	v10 =	vsel vm12, v10, v15;
	v13 =	vmul.f32 v11, v2  }
0x12d: {  	vm14 =	vge.f32 v11, $0.0e+00;
	[tilespmem:s0+$0x5240] =	vst v10;
	v9 =	vsel vm13, v9, v14;
	v10 =	vmul.f32 v12, v1  }
0x12e: {  	vm15 =	vge.f32 v12, $0.0e+00;
	[tilespmem:s0+$0x5250] =	vst v9;
	v9 =	vsel vm14, v11, v13  }
0x12f: {  	[tilespmem:s0+$0x5260] =	vst v9;
	v9 =	vsel vm15, v12, v10  }
0x130: {  	s5 =	simm.s32 $0x0;
	s2 =	rddreg [dreg:$0xd];
	[tilespmem:s0+$0x5270] =	vst v9  }
0x131: {  	[hbm4b:s2+s5] =	stream.linear.scatter [tilespmem:s19], [sflag:$0x5], $0x2800, $0x38;
	[tilespmem:$0x1E280] =	vst v63  }
0x132: {  	_ = 	snop  }
0x133: {  	[spmem:s4] =	stream.indirect.scatter.add.f32 [tilespmem:s19], [sflag:$0x7], $0x80, s17, s18, $0xb8;
	[tilespmem:$0x1E280] =	vst v63  }
0x134: {  	_ =	swait.ge [sflag:s16], $0x2800  }
0x135: {  	[sflag:s16] =	ssyncset.done $0x0  }
0x136: {  	[sflag:s16] =	ssyncadd.s32 $0xFFFFD800  }
0x137: {  	_ =	swait.ge [sflag:s26], $0x2800  }
0x138: {  	[sflag:s26] =	ssyncset.done $0x0  }
0x139: {  	s11 =	rddreg [dreg:$0xe];
	[sflag:s26] =	ssyncadd.s32 $0xFFFFD800  }
0x13a: {  	[tilespmem:s5], [sflag:$0x7] =	stream.linear.gather [hbm4b:s11+s5], $0x50, $0x38;
	[tilespmem:$0x1E280] =	vst v63  }
0x13b: {  	_ =	swait.ge [sflag:s16], $0x50  }
0x13c: {  	[sflag:s16] =	ssyncset.done $0x0  }
0x13d: {  	s22 =	rddreg [dreg:$0xf];
	[sflag:s16] =	ssyncadd.s32 $0xFFFFFFB0  }
0x13e: {  	[tilespmem:s17], [sflag:$0x7] =	stream.linear.gather [hbm4b:s22+s5], $0x50, $0x38;
	[tilespmem:$0x1E280] =	vst v63  }
0x13f: {  	_ =	swait.ge [sflag:s16], $0x50  }
0x140: {  	[sflag:s16] =	ssyncset.done $0x0  }
0x141: {  	[sflag:s16] =	ssyncadd.s32 $0xFFFFFFB0  }
0x142: {  	[tilespmem:s15], [sflag:$0x1] =	stream.indirect.gather [hbm4b:s1+s18], $0x80, s5, s18, $0xb8;
	[tilespmem:$0x1E280] =	vst v63  }
0x143: {  	s31 =	rddreg [dreg:$0x11]  }
0x144: {  	[tilespmem:s19], [sflag:$0x3] =	stream.linear.gather [hbm4b:s31+s5], $0x2800, $0x38;
	[tilespmem:$0x1E280] =	vst v63  }
0x145: {  	_ =	swait.ge [sflag:s28], $0x2800  }
0x146: {  	[sflag:s28] =	ssyncset.done $0x0  }
0x147: {  	[sflag:s28] =	ssyncadd.s32 $0xFFFFD800  }
0x148: {  	_ =	swait.ge [sflag:s29], $0x2800  }
0x149: {  	[sflag:s29] =	ssyncset.done $0x0  }
0x14a: {  	s0 =	simm.s32 $0x0;
	[sflag:s29] =	ssyncadd.s32 $0xFFFFD800  }
0x14b: {  	v14 =	vld [tilespmem:s0+$0x2A00]  }
0x14c: {  	v15 =	vld [tilespmem:s0+$0x2A10]  }
0x14d: {  	v17 =	vld [tilespmem:s0+$0x2A20]  }
0x14e: {  	v13 =	vld [tilespmem:s0+$0x2A30]  }
0x14f: {  	v10 =	vld [tilespmem:s0+$0x2A40]  }
0x150: {  	v9 =	vld [tilespmem:s0+$0x2A50]  }
0x151: {  	v16 =	vld [tilespmem:s0+$0x7A00]  }
0x152: {  	v19 =	vld [tilespmem:s0+$0x7A10]  }
0x153: {  	v11 =	vld [tilespmem:s0+$0x2A60]  }
0x154: {  	v23 =	vld [tilespmem:s0+$0x7A20]  }
0x155: {  	v20 =	vld [tilespmem:s0+$0x7A30]  }
0x156: {  	v12 =	vld [tilespmem:s0+$0x2A70]  }
0x157: {  	v18 =	vadd.f32 v16, v14;
	v19 =	vadd.f32 v19, v15;
	v16 =	vld [tilespmem:s0+$0x7A40]  }
0x158: {  	v15 =	vld [tilespmem:s0+$0x7A50]  }
0x159: {  	s2 =	simm.s32 $0x200;
	s22 =	rddreg [dreg:$0x6];
	v17 =	vadd.f32 v23, v17;
	v14 =	vld [tilespmem:s0+$0x7A60];
	v21 =	vmul.f32 v18, v7;
	v22 =	vmul.f32 v19, v8  }
.LBB2_12:
0x15a: {  	s5 =	sshra.s32 s2, $0x2;
	p0 =	sne.s32 s2, $0x9E00;
	vm0 =	vge.f32 v18, $0.0e+00;
	vm1 =	vge.f32 v19, $0.0e+00;
	v20 =	vadd.f32 v20, v13;
	v23 =	vld [tilespmem:s0+$0x7A70]  }
0x15b: {  	v24 =	vld [tilespmem:s5+$0x2A00];
	v13 =	vsel vm0, v18, v21;
	v18 =	vsel vm1, v19, v22;
	v19 =	vmul.f32 v17, v6  }
0x15c: {  	vm0 =	vge.f32 v17, $0.0e+00;
	v21 =	vld [tilespmem:s5+$0x2A10];
	v22 =	vmul.f32 v20, v5;
	v16 =	vadd.f32 v16, v10  }
0x15d: {  	v25 =	vld [tilespmem:s5+$0x2A20];
	[tilespmem:s0+$0x7A00] =	vst v13;
	v17 =	vsel vm0, v17, v19;
	vm0 =	vge.f32 v20, $0.0e+00;
	v15 =	vadd.f32 v15, v9  }
0x15e: {  	v13 =	vld [tilespmem:s5+$0x2A30];
	[tilespmem:s0+$0x7A10] =	vst v18;
	v18 =	vsel vm0, v20, v22;
	v19 =	vmul.f32 v16, v4;
	v11 =	vadd.f32 v14, v11  }
0x15f: {  	vm0 =	vge.f32 v16, $0.0e+00;
	v10 =	vld [tilespmem:s5+$0x2A40];
	[tilespmem:s0+$0x7A20] =	vst v17;
	v14 =	vmul.f32 v15, v3;
	v12 =	vadd.f32 v23, v12  }
0x160: {  	v9 =	vld [tilespmem:s5+$0x2A50];
	[tilespmem:s0+$0x7A30] =	vst v18;
	v16 =	vsel vm0, v16, v19;
	vm0 =	vge.f32 v15, $0.0e+00;
	v17 =	vmul.f32 v11, v2  }
0x161: {  	v18 =	vld [tilespmem:s5+$0x7A00];
	[tilespmem:s0+$0x7A40] =	vst v16;
	v14 =	vsel vm0, v15, v14;
	vm0 =	vge.f32 v11, $0.0e+00;
	v15 =	vmul.f32 v12, v1  }
0x162: {  	v16 =	vld [tilespmem:s5+$0x7A10];
	[tilespmem:s0+$0x7A50] =	vst v14;
	v14 =	vsel vm0, v11, v17;
	vm0 =	vge.f32 v12, $0.0e+00  }
0x163: {  	v11 =	vld [tilespmem:s5+$0x2A60];
	[tilespmem:s0+$0x7A60] =	vst v14;
	v12 =	vsel vm0, v12, v15  }
0x164: {  	v14 =	vld [tilespmem:s5+$0x7A20];
	[tilespmem:s0+$0x7A70] =	vst v12;
	s0 =	smov.u32 s5  }
.Ltmp5:
0x165: {  	v20 =	vld [tilespmem:s0+$0x7A30];
	(pc) =	sbr.rel @p0 .LBB2_12-.Ltmp5, $4  }
0x166: {  	v12 =	vld [tilespmem:s0+$0x2A70]  }
0x167: {  	v18 =	vadd.f32 v18, v24;
	v19 =	vadd.f32 v16, v21;
	v16 =	vld [tilespmem:s0+$0x7A40]  }
0x168: {  	v15 =	vld [tilespmem:s0+$0x7A50]  }
0x169: {  	s2 =	sadd.s32 $0x200, s2;
	v21 =	vmul.f32 v18, v7;
	v22 =	vmul.f32 v19, v8;
	v17 =	vadd.f32 v14, v25;
	v14 =	vld [tilespmem:s0+$0x7A60]  }
0x16a: {  	vm0 =	vge.f32 v18, $0.0e+00;
	vm1 =	vge.f32 v19, $0.0e+00;
	v13 =	vadd.f32 v20, v13;
	v20 =	vld [tilespmem:s0+$0x7A70]  }
0x16b: {  	v18 =	vsel vm0, v18, v21;
	v19 =	vsel vm1, v19, v22;
	v21 =	vmul.f32 v17, v6  }
0x16c: {  	vm10 =	vge.f32 v17, $0.0e+00;
	v22 =	vmul.f32 v13, v5;
	v10 =	vadd.f32 v16, v10  }
0x16d: {  	[tilespmem:s0+$0x7A00] =	vst v18;
	vm11 =	vge.f32 v13, $0.0e+00;
	v16 =	vsel vm10, v17, v21;
	v9 =	vadd.f32 v15, v9  }
0x16e: {  	[tilespmem:s0+$0x7A10] =	vst v19;
	v13 =	vsel vm11, v13, v22;
	v15 =	vmul.f32 v10, v4;
	v11 =	vadd.f32 v14, v11  }
0x16f: {  	[tilespmem:s0+$0x7A20] =	vst v16;
	vm12 =	vge.f32 v10, $0.0e+00;
	v14 =	vmul.f32 v9, v3;
	v12 =	vadd.f32 v20, v12  }
0x170: {  	[tilespmem:s0+$0x7A30] =	vst v13;
	vm13 =	vge.f32 v9, $0.0e+00;
	v10 =	vsel vm12, v10, v15;
	v13 =	vmul.f32 v11, v2  }
0x171: {  	vm14 =	vge.f32 v11, $0.0e+00;
	[tilespmem:s0+$0x7A40] =	vst v10;
	v9 =	vsel vm13, v9, v14;
	v10 =	vmul.f32 v12, v1  }
0x172: {  	vm15 =	vge.f32 v12, $0.0e+00;
	[tilespmem:s0+$0x7A50] =	vst v9;
	v9 =	vsel vm14, v11, v13  }
0x173: {  	[tilespmem:s0+$0x7A60] =	vst v9;
	v9 =	vsel vm15, v12, v10  }
0x174: {  	s31 =	simm.s32 $0x0;
	s2 =	rddreg [dreg:$0x10];
	[tilespmem:s0+$0x7A70] =	vst v9  }
0x175: {  	[hbm4b:s2+s31] =	stream.linear.scatter [tilespmem:s23], [sflag:$0x6], $0x2800, $0x38;
	[tilespmem:$0x1E280] =	vst v63  }
0x176: {  	_ = 	snop  }
0x177: {  	[spmem:s4] =	stream.indirect.scatter.add.f32 [tilespmem:s23], [sflag:$0x7], $0x80, s21, s18, $0xb8;
	[tilespmem:$0x1E280] =	vst v63  }
0x178: {  	_ =	swait.ge [sflag:s16], $0x2800  }
0x179: {  	[sflag:s16] =	ssyncset.done $0x0  }
0x17a: {  	[sflag:s16] =	ssyncadd.s32 $0xFFFFD800  }
0x17b: {  	_ =	swait.ge [sflag:s30], $0x2800  }
0x17c: {  	[sflag:s30] =	ssyncset.done $0x0  }
0x17d: {  	[sflag:s30] =	ssyncadd.s32 $0xFFFFD800  }
0x17e: {  	_ =	swait.ge [sflag:s24], $0x2800  }
0x17f: {  	[sflag:s24] =	ssyncset.done $0x0  }
0x180: {  	[sflag:s24] =	ssyncadd.s32 $0xFFFFD800  }
0x181: {  	_ =	swait.ge [sflag:s25], $0x2800  }
0x182: {  	[sflag:s25] =	ssyncset.done $0x0  }
0x183: {  	s0 =	simm.s32 $0x0;
	[sflag:s25] =	ssyncadd.s32 $0xFFFFD800  }
0x184: {  	v14 =	vld [tilespmem:s0+$0x200]  }
0x185: {  	v15 =	vld [tilespmem:s0+$0x210]  }
0x186: {  	v17 =	vld [tilespmem:s0+$0x220]  }
0x187: {  	v13 =	vld [tilespmem:s0+$0x230]  }
0x188: {  	v10 =	vld [tilespmem:s0+$0x240]  }
0x189: {  	v9 =	vld [tilespmem:s0+$0x250]  }
0x18a: {  	v16 =	vld [tilespmem:s0+$0x5200]  }
0x18b: {  	v19 =	vld [tilespmem:s0+$0x5210]  }
0x18c: {  	v11 =	vld [tilespmem:s0+$0x260]  }
0x18d: {  	v23 =	vld [tilespmem:s0+$0x5220]  }
0x18e: {  	v20 =	vld [tilespmem:s0+$0x5230]  }
0x18f: {  	v12 =	vld [tilespmem:s0+$0x270]  }
0x190: {  	v18 =	vadd.f32 v16, v14;
	v19 =	vadd.f32 v19, v15;
	v16 =	vld [tilespmem:s0+$0x5240]  }
0x191: {  	v15 =	vld [tilespmem:s0+$0x5250]  }
0x192: {  	s2 =	simm.s32 $0x200;
	v17 =	vadd.f32 v23, v17;
	v14 =	vld [tilespmem:s0+$0x5260];
	v21 =	vmul.f32 v18, v7;
	v22 =	vmul.f32 v19, v8  }
.LBB2_14:
0x193: {  	s5 =	sshra.s32 s2, $0x2;
	p0 =	sne.s32 s2, $0x9E00;
	vm0 =	vge.f32 v18, $0.0e+00;
	vm1 =	vge.f32 v19, $0.0e+00;
	v20 =	vadd.f32 v20, v13;
	v23 =	vld [tilespmem:s0+$0x5270]  }
0x194: {  	v24 =	vld [tilespmem:s5+$0x200];
	v13 =	vsel vm0, v18, v21;
	v18 =	vsel vm1, v19, v22;
	v19 =	vmul.f32 v17, v6  }
0x195: {  	vm0 =	vge.f32 v17, $0.0e+00;
	v21 =	vld [tilespmem:s5+$0x210];
	v22 =	vmul.f32 v20, v5;
	v16 =	vadd.f32 v16, v10  }
0x196: {  	v25 =	vld [tilespmem:s5+$0x220];
	[tilespmem:s0+$0x5200] =	vst v13;
	v17 =	vsel vm0, v17, v19;
	vm0 =	vge.f32 v20, $0.0e+00;
	v15 =	vadd.f32 v15, v9  }
0x197: {  	v13 =	vld [tilespmem:s5+$0x230];
	[tilespmem:s0+$0x5210] =	vst v18;
	v18 =	vsel vm0, v20, v22;
	v19 =	vmul.f32 v16, v4;
	v11 =	vadd.f32 v14, v11  }
0x198: {  	vm0 =	vge.f32 v16, $0.0e+00;
	v10 =	vld [tilespmem:s5+$0x240];
	[tilespmem:s0+$0x5220] =	vst v17;
	v14 =	vmul.f32 v15, v3;
	v12 =	vadd.f32 v23, v12  }
0x199: {  	v9 =	vld [tilespmem:s5+$0x250];
	[tilespmem:s0+$0x5230] =	vst v18;
	v16 =	vsel vm0, v16, v19;
	vm0 =	vge.f32 v15, $0.0e+00;
	v17 =	vmul.f32 v11, v2  }
0x19a: {  	v18 =	vld [tilespmem:s5+$0x5200];
	[tilespmem:s0+$0x5240] =	vst v16;
	v14 =	vsel vm0, v15, v14;
	vm0 =	vge.f32 v11, $0.0e+00;
	v15 =	vmul.f32 v12, v1  }
0x19b: {  	v16 =	vld [tilespmem:s5+$0x5210];
	[tilespmem:s0+$0x5250] =	vst v14;
	v14 =	vsel vm0, v11, v17;
	vm0 =	vge.f32 v12, $0.0e+00  }
0x19c: {  	v11 =	vld [tilespmem:s5+$0x260];
	[tilespmem:s0+$0x5260] =	vst v14;
	v12 =	vsel vm0, v12, v15  }
0x19d: {  	v14 =	vld [tilespmem:s5+$0x5220];
	[tilespmem:s0+$0x5270] =	vst v12;
	s0 =	smov.u32 s5  }
.Ltmp6:
0x19e: {  	v20 =	vld [tilespmem:s0+$0x5230];
	(pc) =	sbr.rel @p0 .LBB2_14-.Ltmp6, $4  }
0x19f: {  	v12 =	vld [tilespmem:s0+$0x270]  }
0x1a0: {  	v18 =	vadd.f32 v18, v24;
	v19 =	vadd.f32 v16, v21;
	v16 =	vld [tilespmem:s0+$0x5240]  }
0x1a1: {  	v15 =	vld [tilespmem:s0+$0x5250]  }
0x1a2: {  	s2 =	sadd.s32 $0x200, s2;
	v21 =	vmul.f32 v18, v7;
	v22 =	vmul.f32 v19, v8;
	v17 =	vadd.f32 v14, v25;
	v14 =	vld [tilespmem:s0+$0x5260]  }
0x1a3: {  	vm0 =	vge.f32 v18, $0.0e+00;
	vm1 =	vge.f32 v19, $0.0e+00;
	v7 =	vadd.f32 v20, v13;
	v8 =	vld [tilespmem:s0+$0x5270]  }
0x1a4: {  	v60 =	vsel vm0, v18, v21;
	v61 =	vsel vm1, v19, v22;
	v6 =	vmul.f32 v17, v6  }
0x1a5: {  	vm10 =	vge.f32 v17, $0.0e+00;
	v5 =	vmul.f32 v7, v5;
	v10 =	vadd.f32 v16, v10  }
0x1a6: {  	[tilespmem:s0+$0x5200] =	vst v60;
	vm11 =	vge.f32 v7, $0.0e+00;
	v6 =	vsel vm10, v17, v6;
	v9 =	vadd.f32 v15, v9  }
0x1a7: {  	[tilespmem:s0+$0x5210] =	vst v61;
	v5 =	vsel vm11, v7, v5;
	v4 =	vmul.f32 v10, v4;
	v62 =	vadd.f32 v14, v11  }
0x1a8: {  	[tilespmem:s0+$0x5220] =	vst v6;
	vm12 =	vge.f32 v10, $0.0e+00;
	v3 =	vmul.f32 v9, v3;
	v63 =	vadd.f32 v8, v12  }
0x1a9: {  	[tilespmem:s0+$0x5230] =	vst v5;
	vm13 =	vge.f32 v9, $0.0e+00;
	v4 =	vsel vm12, v10, v4;
	v2 =	vmul.f32 v62, v2  }
0x1aa: {  	vm14 =	vge.f32 v62, $0.0e+00;
	[tilespmem:s0+$0x5240] =	vst v4;
	v3 =	vsel vm13, v9, v3;
	v1 =	vmul.f32 v63, v1  }
0x1ab: {  	vm15 =	vge.f32 v63, $0.0e+00;
	[tilespmem:s0+$0x5250] =	vst v3;
	v2 =	vsel vm14, v62, v2  }
0x1ac: {  	[tilespmem:s0+$0x5260] =	vst v2;
	v1 =	vsel vm15, v63, v1  }
0x1ad: {  	s2 =	rddreg [dreg:$0x12];
	[tilespmem:s0+$0x5270] =	vst v1  }
0x1ae: {  	[hbm4b:s2+s6] =	stream.linear.scatter [tilespmem:s19], [sflag:$0x5], $0x2800, $0x38;
	[tilespmem:$0x1E280] =	vst v63  }
0x1af: {  	_ = 	snop  }
0x1b0: {  	[spmem:s4] =	stream.indirect.scatter.add.f32 [tilespmem:s19], [sflag:$0x7], $0x80, s17, s18, $0xb8;
	[tilespmem:$0x1E280] =	vst v63  }
0x1b1: {  	_ =	swait.ge [sflag:s16], $0x2800  }
0x1b2: {  	[sflag:s16] =	ssyncset.done $0x0  }
0x1b3: {  	[sflag:s16] =	ssyncadd.s32 $0xFFFFD800  }
0x1b4: {  	_ =	swait.ge [sflag:s26], $0x2800  }
0x1b5: {  	[sflag:s26] =	ssyncset.done $0x0  }
0x1b6: {  	s5 =	stileid.u32;
	[sflag:s26] =	ssyncadd.s32 $0xFFFFD800  }
0x1b7: {  	s0 =	sshll.u32 s5, $0x6;
	[bflag:$0x0] =	sbarrier.arrive $0xFFFF  }
0x1b8: {  	s0 =	sor.u32 $0x1C07, s0;
	s2 =	sshrl.u32 s22, $0x3;
	s5 =	rddreg [dreg:$0x13]  }
0x1b9: {  	[hbm:s5], [sflag:s0] =	dma.local [spmem:s2], $0x2800  }
0x1ba: {  	_ =	swait.ge [sflag:s16], $0x2800  }
0x1bb: {  	s11 =	rddreg [dreg:$0x1c]  }
0x1bc: {  	s31 =	rddreg [dreg:$0x14];
	s2 =	sadd.s32 $0x1, s11  }
0x1bd: {  	p0 =	sne.s32 s2, s31  }
.Ltmp7:
0x1be: {  	_ = 	snop;
	(pc) =	sbr.rel @p0 .LBB2_1-.Ltmp7, $3  }
0x1bf: {  	_ =	sdelay $0x1  }
0x1c0: {  	[sflag:s16] =	ssyncset.done $0x0  }
0x1c1: {  	[sflag:s16] =	ssyncadd.s32 $0xFFFFD800  }
0x1c2: {  	_ =	sfence.sel $0x180000  }
0x1c3: {  	[bflag:$0x0] =	sbarrier.arrive $0xFFFF  }
0x1c4: {  	_ =	strace $0x90000047  }
0x1c5: {  	s0 =	stileid.u32;
	[bflag:$0x2] =	sbarrier.arrive $0xFFFF  }
0x1c6: {  	p0 =	sne.s32 s0, $0x0;
	s0 =	rddreg [dreg:$0x5]  }
0x1c7: {  	s0 =	sadd.s32 @!p0 $0x100000, s0  }
0x1c8: {  	[sflag:s0] =	ssyncadd.tile.s32 @!p0 $0x1;
	_ =	shalt  }
.Lfunc_end2:
_tile_overlayer_lowered:
.L_overlay_start_2:
0x1c9: {  	(tag) =	ssettag $0x2  }
0x1ca: {  	s0 =	rddreg [dreg:$0x0];
	s2 =	stileid.u32  }
0x1cb: {  	s1 =	rddreg [dreg:$0x1];
	p0 =	sne.s32 s2, $0x0  }
0x1cc: {  	s3 =	rddreg [dreg:$0x2];
	[bflag:$0x3] =	sbarrier.arrive $0xFFFF;
	s2 =	simm.s32 @!p0 $0x1C07  }
0x1cd: {  	[timem:s3], [sflag:s2] =	dma.local @!p0 [hbm:s0], s1  }
0x1ce: {  	s0 =	simm.s32 @!p0 $0x7  }
0x1cf: {  	_ =	swait.ge @!p0 [sflag:s0], s1  }
0x1d0: {  	s1 =	ssub.s32 @!p0 $0x0, s1;
	[sflag:s0] =	ssyncset.done @!p0 $0x0  }
0x1d1: {  	[sflag:s0] =	ssyncadd.s32 @!p0 s1  }
0x1d2: {  	[bflag:$0x3] =	sbarrier.arrive $0xFFFF  }
0x1d3: {  	_ =	shalt  }

</sc_bundles>
